<compile_context>
chip_gen: v7x
topology: tpu7x:2x2x1
jax: 0.10.2.dev20260603
libtpu: 0.0.44.dev20260713+nightly
codegen_flags: <defaults>
</compile_context>

<pallas_src>
import functools

import jax
import jax.numpy as jnp
from jax import lax
from jax.experimental import pallas as pl
from jax.experimental.pallas import tpu as pltpu
from jax.experimental.pallas import tpu_sc as plsc

NUM_CORES = 2
NUM_SUBCORES = 16
NUM_WORKERS = NUM_CORES * NUM_SUBCORES
LANES = 16


PACK_BR = 65536


def _make_packer(V, D):
    BR = PACK_BR
    nblk = (V + BR - 1) // BR
    CH = 2048
    S = CH // 4

    def body(in_ref, out_ref):
        for c in range(BR // CH):
            x = in_ref[:, pl.ds(c * CH, CH)]
            z = jnp.concatenate(
                [x[:, b * S:(b + 1) * S] for b in range(4)], axis=0)
            out_ref[pl.ds(c * CH * D, CH * D)] = (
                jnp.transpose(z).reshape(CH * D))

    return pl.pallas_call(
        body,
        grid=(nblk,),
        in_specs=[pl.BlockSpec((D, BR), lambda i: (0, i))],
        out_specs=pl.BlockSpec((BR * D,), lambda i: (i,)),
        out_shape=jax.ShapeDtypeStruct((nblk * BR * D,), jnp.float32),
    )


def _remap_ids(ids):
    h = ids >> 11
    q = ids & 2047
    b = q >> 9
    i = q & 511
    return (h << 11) + (i << 2) + b


def _make_ids_packer(B, L, LP):
    BB = 512

    def body(in_ref, out_ref, inv_ref):
        p = _remap_ids(in_ref[...])
        z = jnp.concatenate(
            [p, jnp.zeros((LP - L, BB), jnp.int32)], axis=0)
        out_ref[...] = jnp.transpose(z).reshape(BB * LP)
        cnt = jnp.sum((p != 0).astype(jnp.float32), axis=0)
        inv_ref[...] = 1.0 / jnp.maximum(cnt, 1.0)

    return pl.pallas_call(
        body,
        grid=(B // BB,),
        in_specs=[pl.BlockSpec((L, BB), lambda i: (0, i))],
        out_specs=[pl.BlockSpec((BB * LP,), lambda i: (i,)),
                   pl.BlockSpec((BB,), lambda i: (i,))],
        out_shape=[jax.ShapeDtypeStruct((B * LP,), jnp.int32),
                   jax.ShapeDtypeStruct((B,), jnp.float32)],
    )


def _make_kernel(B, L, LP, V, D):
    rpw = B // NUM_WORKERS
    assert B % NUM_WORKERS == 0
    assert D == 2 * LANES
    assert L % 8 == 0 and L > 128 and L <= 256
    l_hi = L - 128
    n_full = L // LANES
    l_tail = L - n_full * LANES

    mesh = plsc.VectorSubcoreMesh(core_axis_name="c", subcore_axis_name="s")

    @functools.partial(
        pl.kernel,
        out_type=jax.ShapeDtypeStruct((B, D), jnp.float32),
        mesh=mesh,
        compiler_params=pltpu.CompilerParams(
            needs_layout_passes=False, use_tc_tiling_on_sc=False),
        scratch_types=[
            pltpu.VMEM((rpw * LP,), jnp.int32),
            pltpu.VMEM((L, D), jnp.float32),
            pltpu.VMEM((L, D), jnp.float32),
            pltpu.VMEM((L, D), jnp.float32),
            pltpu.VMEM((L, D), jnp.float32),
            pltpu.VMEM((L, D), jnp.float32),
            pltpu.VMEM((L, D), jnp.float32),
            pltpu.VMEM((L, D), jnp.float32),
            pltpu.VMEM((L, D), jnp.float32),
            pltpu.VMEM((rpw, D), jnp.float32),
            pltpu.VMEM((rpw,), jnp.float32),
            pltpu.SemaphoreType.DMA,
            pltpu.SemaphoreType.DMA,
            pltpu.SemaphoreType.DMA,
            pltpu.SemaphoreType.DMA,
            pltpu.SemaphoreType.DMA,
            pltpu.SemaphoreType.DMA,
            pltpu.SemaphoreType.DMA,
            pltpu.SemaphoreType.DMA,
        ],
    )
    def run(ids_hbm, invd_hbm, table_hbm, out_hbm, ids_v, buf0, buf1, buf2,
            buf3, buf4, buf5, buf6, buf7, out_v, inv_v,
            sem0, sem1, sem2, sem3, sem4, sem5, sem6, sem7):
        bufs = (buf0, buf1, buf2, buf3, buf4, buf5, buf6, buf7)
        sems = (sem0, sem1, sem2, sem3, sem4, sem5, sem6, sem7)
        nbuf = len(bufs)
        wid = lax.axis_index("s") * NUM_CORES + lax.axis_index("c")
        row0 = wid * rpw
        pltpu.sync_copy(ids_hbm.at[pl.ds(row0 * LP, rpw * LP)], ids_v)
        pltpu.sync_copy(invd_hbm.at[pl.ds(row0, rpw)], inv_v)

        def issue(r, buf, sem):
            off = r * LP
            pltpu.async_copy(
                table_hbm.at[ids_v.at[pl.ds(off, 128)]],
                buf.at[pl.ds(0, 128)], sem)
            pltpu.async_copy(
                table_hbm.at[ids_v.at[pl.ds(off + 128, l_hi)]],
                buf.at[pl.ds(128, l_hi)], sem)

        def wait_buf(buf, sem):
            pltpu.make_async_copy(table_hbm.at[pl.ds(0, L)], buf, sem).wait()

        def compute(r, buf):
            def sum_body(j, accs):
                a0, a1 = accs
                return (a0 + buf[j, pl.ds(0, LANES)],
                        a1 + buf[j, pl.ds(LANES, LANES)])
            a0, a1 = lax.fori_loop(
                0, L, sum_body,
                (jnp.zeros(LANES, jnp.float32), jnp.zeros(LANES, jnp.float32)),
                unroll=8)
            inv = plsc.load_gather(inv_v, [jnp.full((LANES,), r, jnp.int32)])
            out_v[r, pl.ds(0, LANES)] = a0 * inv
            out_v[r, pl.ds(LANES, LANES)] = a1 * inv

        for k in range(nbuf):
            issue(k, bufs[k], sems[k])

        def outer(g, carry):
            r0 = g * nbuf
            for k in range(nbuf):
                wait_buf(bufs[k], sems[k])
                compute(r0 + k, bufs[k])

                @pl.when(r0 + k + nbuf < rpw)
                def _():
                    issue(r0 + k + nbuf, bufs[k], sems[k])
            return carry

        lax.fori_loop(0, rpw // nbuf, outer, 0)
        pltpu.sync_copy(out_v, out_hbm.at[pl.ds(row0, rpw)])

    return run


def kernel(token_ids, table):
    B, L = token_ids.shape
    V, D = table.shape
    lp = 256
    ids_packed, invd = _make_ids_packer(B, L, lp)(token_ids.T.astype(jnp.int32))
    packed = _make_packer(V, D)(table.T)
    vp = packed.shape[0] // D
    run = _make_kernel(B, L, lp, vp, D)
    return run(ids_packed, invd, packed.reshape(vp, D))

# --- scband reference (transcript-rebuilt; emitter-appended) ---
"""Pipeline reference for scband-mean-embedding-18571438588440 (READ-ONLY COPY).

The authoritative reference and input builder live on the scoring server;
editing this copy changes nothing except your own understanding.
"""

import jax, jax.numpy as jnp
import numpy as np

VOCAB = 1000000
EMB_DIM = 32
BATCH = 4096
HIST = 200


def setup_inputs(seed: int = 0) -> dict:
    key = jax.random.key(seed)
    k_idx, k_tab = jax.random.split(key)
    token_ids = jax.random.randint(k_idx, (BATCH, HIST), 0, VOCAB, dtype=jnp.int64 if jax.config.jax_enable_x64 else jnp.int32)
    table = jax.random.normal(k_tab, (VOCAB, EMB_DIM), dtype=jnp.float32)
    # padding_idx=0: that embedding row is zero in torch
    table = table.at[0].set(0.0)
    return {"token_ids": token_ids, "table": table}


def reference(token_ids, table):
    # embs = self.emb(token_ids)
    embs = jnp.take(table, token_ids, axis=0)  # [B, L, D]
    # mask = (token_ids != 0).float()
    mask = (token_ids != 0).astype(jnp.float32)  # [B, L]
    # denom = mask.sum(dim=1, keepdim=True).clamp(min=1.0)
    denom = jnp.clip(jnp.sum(mask, axis=1, keepdims=True), 1.0, None)  # [B, 1]
    # pooled = (embs * mask.unsqueeze(-1)).sum(dim=1) / denom
    pooled = jnp.sum(embs * mask[..., None], axis=1) / denom  # [B, D]
    return pooled

if __name__ == "__main__":
    import jax
    _d = setup_inputs()
    print(jax.jit(kernel)(*tuple(_d.values())))

</pallas_src>

<mosaic_0001>
#map = affine_map<(d0, d1) -> (0)>
#map1 = affine_map<(d0, d1) -> (0, 0)>
module attributes {stable_mosaic.version = 14 : i64} {
  func.func @run(%arg0: i32, %arg1: i32, %arg2: memref<1048576xi32, #tpu.memory_space<hbm>>, %arg3: memref<4096xf32, #tpu.memory_space<hbm>>, %arg4: memref<1048576x32xf32, #tpu.memory_space<hbm>>, %arg5: memref<4096x32xf32, #tpu.memory_space<hbm>>, %arg6: memref<32768xi32, #tpu.memory_space<vmem>>, %arg7: memref<200x32xf32, #tpu.memory_space<vmem>>, %arg8: memref<200x32xf32, #tpu.memory_space<vmem>>, %arg9: memref<200x32xf32, #tpu.memory_space<vmem>>, %arg10: memref<200x32xf32, #tpu.memory_space<vmem>>, %arg11: memref<200x32xf32, #tpu.memory_space<vmem>>, %arg12: memref<200x32xf32, #tpu.memory_space<vmem>>, %arg13: memref<200x32xf32, #tpu.memory_space<vmem>>, %arg14: memref<200x32xf32, #tpu.memory_space<vmem>>, %arg15: memref<128x32xf32, #tpu.memory_space<vmem>>, %arg16: memref<128xf32, #tpu.memory_space<vmem>>, %arg17: memref<!tpu.dma_semaphore, #tpu.memory_space<semaphore_mem>>, %arg18: memref<!tpu.dma_semaphore, #tpu.memory_space<semaphore_mem>>, %arg19: memref<!tpu.dma_semaphore, #tpu.memory_space<semaphore_mem>>, %arg20: memref<!tpu.dma_semaphore, #tpu.memory_space<semaphore_mem>>, %arg21: memref<!tpu.dma_semaphore, #tpu.memory_space<semaphore_mem>>, %arg22: memref<!tpu.dma_semaphore, #tpu.memory_space<semaphore_mem>>, %arg23: memref<!tpu.dma_semaphore, #tpu.memory_space<semaphore_mem>>, %arg24: memref<!tpu.dma_semaphore, #tpu.memory_space<semaphore_mem>>) attributes {dimension_semantics = [#tpu.dimension_semantics<core_parallel>, #tpu.dimension_semantics<subcore_parallel>], iteration_bounds = array<i64: 2, 16>, scalar_prefetch = 0 : i64, scratch_operands = 19 : i64, tpu.core_type = #tpu.core_type<sc_vector_subcore>, window_params = [{transform_indices = #map}, {transform_indices = #map}, {transform_indices = #map1}, {transform_indices = #map1}]} {
    %mul3A = arith.constant 2 : i32
    %mul3A_0 = arith.muli %arg1, %mul3A : i32
    %add3A = arith.addi %mul3A_0, %arg0 : i32
    %mul3A_1 = arith.constant 128 : i32
    %mul3A_2 = arith.muli %add3A, %mul3A_1 : i32
    %mul3A_3 = arith.constant 256 : i32
    %mul3A_4 = arith.muli %mul3A_2, %mul3A_3 : i32
    "tpu.region"() ({
      %run_scoped3A = tpu.sem_alloc : memref<!tpu.dma_semaphore, #tpu.memory_space<semaphore_mem>>
      %dma_start3A_137 = tpu.memref_slice %arg2[%mul3A_4] : memref<1048576xi32, #tpu.memory_space<hbm>> -> memref<32768xi32, #tpu.memory_space<hbm>>
      %dma_start3A_138 = tpu.memref_slice %arg2[%mul3A_4] : memref<1048576xi32, #tpu.memory_space<hbm>> -> memref<32768xi32, #tpu.memory_space<hbm>>
      tpu.enqueue_dma source(%dma_start3A_138 : memref<32768xi32, #tpu.memory_space<hbm>>) target(%arg6 : memref<32768xi32, #tpu.memory_space<vmem>>) target_semaphore(%run_scoped3A : memref<!tpu.dma_semaphore, #tpu.memory_space<semaphore_mem>>)
      %dma_wait3A = tpu.memref_slice %arg2[%mul3A_4] : memref<1048576xi32, #tpu.memory_space<hbm>> -> memref<32768xi32, #tpu.memory_space<hbm>>
      %dma_wait3A_139 = tpu.memref_slice %arg2[%mul3A_4] : memref<1048576xi32, #tpu.memory_space<hbm>> -> memref<32768xi32, #tpu.memory_space<hbm>>
      tpu.wait_dma2 semaphore(%run_scoped3A : memref<!tpu.dma_semaphore, #tpu.memory_space<semaphore_mem>>) src(%dma_wait3A_139 : memref<32768xi32, #tpu.memory_space<hbm>>) dst(%arg6 : memref<32768xi32, #tpu.memory_space<vmem>>)
      tpu.yield
    }) : () -> ()
    "tpu.region"() ({
      %run_scoped3A = tpu.sem_alloc : memref<!tpu.dma_semaphore, #tpu.memory_space<semaphore_mem>>
      %dma_start3A_137 = tpu.memref_slice %arg3[%mul3A_2] : memref<4096xf32, #tpu.memory_space<hbm>> -> memref<128xf32, #tpu.memory_space<hbm>>
      %dma_start3A_138 = tpu.memref_slice %arg3[%mul3A_2] : memref<4096xf32, #tpu.memory_space<hbm>> -> memref<128xf32, #tpu.memory_space<hbm>>
      tpu.enqueue_dma source(%dma_start3A_138 : memref<128xf32, #tpu.memory_space<hbm>>) target(%arg16 : memref<128xf32, #tpu.memory_space<vmem>>) target_semaphore(%run_scoped3A : memref<!tpu.dma_semaphore, #tpu.memory_space<semaphore_mem>>)
      %dma_wait3A = tpu.memref_slice %arg3[%mul3A_2] : memref<4096xf32, #tpu.memory_space<hbm>> -> memref<128xf32, #tpu.memory_space<hbm>>
      %dma_wait3A_139 = tpu.memref_slice %arg3[%mul3A_2] : memref<4096xf32, #tpu.memory_space<hbm>> -> memref<128xf32, #tpu.memory_space<hbm>>
      tpu.wait_dma2 semaphore(%run_scoped3A : memref<!tpu.dma_semaphore, #tpu.memory_space<semaphore_mem>>) src(%dma_wait3A_139 : memref<128xf32, #tpu.memory_space<hbm>>) dst(%arg16 : memref<128xf32, #tpu.memory_space<vmem>>)
      tpu.yield
    }) : () -> ()
    %dma_start3A = arith.constant 0 : i32
    %dma_start3A_5 = arith.constant 0 : i32
    %dma_start3A_6 = tpu.memref_slice %arg7[%dma_start3A, %dma_start3A_5] : memref<200x32xf32, #tpu.memory_space<vmem>> -> memref<128x32xf32, #tpu.memory_space<vmem>>
    %dma_start3A_7 = arith.constant 0 : i32
    %dma_start3A_8 = tpu.memref_slice %arg6[%dma_start3A_7] : memref<32768xi32, #tpu.memory_space<vmem>> -> memref<128xi32, #tpu.memory_space<vmem>>
    %dma_start3A_9 = arith.constant 0 : i32
    %dma_start3A_10 = arith.constant 0 : i32
    %dma_start3A_11 = tpu.memref_slice %arg4[%dma_start3A_9, %dma_start3A_10] : memref<1048576x32xf32, #tpu.memory_space<hbm>> -> memref<1048576x32xf32, #tpu.memory_space<hbm>>
    tpu.enqueue_indirect_dma source(%dma_start3A_11 : memref<1048576x32xf32, #tpu.memory_space<hbm>>) target(%dma_start3A_6 : memref<128x32xf32, #tpu.memory_space<vmem>>) offsets(%dma_start3A_8 : memref<128xi32, #tpu.memory_space<vmem>>) semaphore(%arg17 : memref<!tpu.dma_semaphore, #tpu.memory_space<semaphore_mem>>)
    %dma_start3A_12 = arith.constant 128 : i32
    %dma_start3A_13 = arith.constant 0 : i32
    %dma_start3A_14 = tpu.memref_slice %arg7[%dma_start3A_12, %dma_start3A_13] : memref<200x32xf32, #tpu.memory_space<vmem>> -> memref<72x32xf32, #tpu.memory_space<vmem>>
    %dma_start3A_15 = arith.constant 128 : i32
    %dma_start3A_16 = tpu.memref_slice %arg6[%dma_start3A_15] : memref<32768xi32, #tpu.memory_space<vmem>> -> memref<72xi32, #tpu.memory_space<vmem>>
    %dma_start3A_17 = arith.constant 0 : i32
    %dma_start3A_18 = arith.constant 0 : i32
    %dma_start3A_19 = tpu.memref_slice %arg4[%dma_start3A_17, %dma_start3A_18] : memref<1048576x32xf32, #tpu.memory_space<hbm>> -> memref<1048576x32xf32, #tpu.memory_space<hbm>>
    tpu.enqueue_indirect_dma source(%dma_start3A_19 : memref<1048576x32xf32, #tpu.memory_space<hbm>>) target(%dma_start3A_14 : memref<72x32xf32, #tpu.memory_space<vmem>>) offsets(%dma_start3A_16 : memref<72xi32, #tpu.memory_space<vmem>>) semaphore(%arg17 : memref<!tpu.dma_semaphore, #tpu.memory_space<semaphore_mem>>)
    %dma_start3A_20 = arith.constant 0 : i32
    %dma_start3A_21 = arith.constant 0 : i32
    %dma_start3A_22 = tpu.memref_slice %arg8[%dma_start3A_20, %dma_start3A_21] : memref<200x32xf32, #tpu.memory_space<vmem>> -> memref<128x32xf32, #tpu.memory_space<vmem>>
    %dma_start3A_23 = arith.constant 256 : i32
    %dma_start3A_24 = tpu.memref_slice %arg6[%dma_start3A_23] : memref<32768xi32, #tpu.memory_space<vmem>> -> memref<128xi32, #tpu.memory_space<vmem>>
    %dma_start3A_25 = arith.constant 0 : i32
    %dma_start3A_26 = arith.constant 0 : i32
    %dma_start3A_27 = tpu.memref_slice %arg4[%dma_start3A_25, %dma_start3A_26] : memref<1048576x32xf32, #tpu.memory_space<hbm>> -> memref<1048576x32xf32, #tpu.memory_space<hbm>>
    tpu.enqueue_indirect_dma source(%dma_start3A_27 : memref<1048576x32xf32, #tpu.memory_space<hbm>>) target(%dma_start3A_22 : memref<128x32xf32, #tpu.memory_space<vmem>>) offsets(%dma_start3A_24 : memref<128xi32, #tpu.memory_space<vmem>>) semaphore(%arg18 : memref<!tpu.dma_semaphore, #tpu.memory_space<semaphore_mem>>)
    %dma_start3A_28 = arith.constant 128 : i32
    %dma_start3A_29 = arith.constant 0 : i32
    %dma_start3A_30 = tpu.memref_slice %arg8[%dma_start3A_28, %dma_start3A_29] : memref<200x32xf32, #tpu.memory_space<vmem>> -> memref<72x32xf32, #tpu.memory_space<vmem>>
    %dma_start3A_31 = arith.constant 384 : i32
    %dma_start3A_32 = tpu.memref_slice %arg6[%dma_start3A_31] : memref<32768xi32, #tpu.memory_space<vmem>> -> memref<72xi32, #tpu.memory_space<vmem>>
    %dma_start3A_33 = arith.constant 0 : i32
    %dma_start3A_34 = arith.constant 0 : i32
    %dma_start3A_35 = tpu.memref_slice %arg4[%dma_start3A_33, %dma_start3A_34] : memref<1048576x32xf32, #tpu.memory_space<hbm>> -> memref<1048576x32xf32, #tpu.memory_space<hbm>>
    tpu.enqueue_indirect_dma source(%dma_start3A_35 : memref<1048576x32xf32, #tpu.memory_space<hbm>>) target(%dma_start3A_30 : memref<72x32xf32, #tpu.memory_space<vmem>>) offsets(%dma_start3A_32 : memref<72xi32, #tpu.memory_space<vmem>>) semaphore(%arg18 : memref<!tpu.dma_semaphore, #tpu.memory_space<semaphore_mem>>)
    %dma_start3A_36 = arith.constant 0 : i32
    %dma_start3A_37 = arith.constant 0 : i32
    %dma_start3A_38 = tpu.memref_slice %arg9[%dma_start3A_36, %dma_start3A_37] : memref<200x32xf32, #tpu.memory_space<vmem>> -> memref<128x32xf32, #tpu.memory_space<vmem>>
    %dma_start3A_39 = arith.constant 512 : i32
    %dma_start3A_40 = tpu.memref_slice %arg6[%dma_start3A_39] : memref<32768xi32, #tpu.memory_space<vmem>> -> memref<128xi32, #tpu.memory_space<vmem>>
    %dma_start3A_41 = arith.constant 0 : i32
    %dma_start3A_42 = arith.constant 0 : i32
    %dma_start3A_43 = tpu.memref_slice %arg4[%dma_start3A_41, %dma_start3A_42] : memref<1048576x32xf32, #tpu.memory_space<hbm>> -> memref<1048576x32xf32, #tpu.memory_space<hbm>>
    tpu.enqueue_indirect_dma source(%dma_start3A_43 : memref<1048576x32xf32, #tpu.memory_space<hbm>>) target(%dma_start3A_38 : memref<128x32xf32, #tpu.memory_space<vmem>>) offsets(%dma_start3A_40 : memref<128xi32, #tpu.memory_space<vmem>>) semaphore(%arg19 : memref<!tpu.dma_semaphore, #tpu.memory_space<semaphore_mem>>)
    %dma_start3A_44 = arith.constant 128 : i32
    %dma_start3A_45 = arith.constant 0 : i32
    %dma_start3A_46 = tpu.memref_slice %arg9[%dma_start3A_44, %dma_start3A_45] : memref<200x32xf32, #tpu.memory_space<vmem>> -> memref<72x32xf32, #tpu.memory_space<vmem>>
    %dma_start3A_47 = arith.constant 640 : i32
    %dma_start3A_48 = tpu.memref_slice %arg6[%dma_start3A_47] : memref<32768xi32, #tpu.memory_space<vmem>> -> memref<72xi32, #tpu.memory_space<vmem>>
    %dma_start3A_49 = arith.constant 0 : i32
    %dma_start3A_50 = arith.constant 0 : i32
    %dma_start3A_51 = tpu.memref_slice %arg4[%dma_start3A_49, %dma_start3A_50] : memref<1048576x32xf32, #tpu.memory_space<hbm>> -> memref<1048576x32xf32, #tpu.memory_space<hbm>>
    tpu.enqueue_indirect_dma source(%dma_start3A_51 : memref<1048576x32xf32, #tpu.memory_space<hbm>>) target(%dma_start3A_46 : memref<72x32xf32, #tpu.memory_space<vmem>>) offsets(%dma_start3A_48 : memref<72xi32, #tpu.memory_space<vmem>>) semaphore(%arg19 : memref<!tpu.dma_semaphore, #tpu.memory_space<semaphore_mem>>)
    %dma_start3A_52 = arith.constant 0 : i32
    %dma_start3A_53 = arith.constant 0 : i32
    %dma_start3A_54 = tpu.memref_slice %arg10[%dma_start3A_52, %dma_start3A_53] : memref<200x32xf32, #tpu.memory_space<vmem>> -> memref<128x32xf32, #tpu.memory_space<vmem>>
    %dma_start3A_55 = arith.constant 768 : i32
    %dma_start3A_56 = tpu.memref_slice %arg6[%dma_start3A_55] : memref<32768xi32, #tpu.memory_space<vmem>> -> memref<128xi32, #tpu.memory_space<vmem>>
    %dma_start3A_57 = arith.constant 0 : i32
    %dma_start3A_58 = arith.constant 0 : i32
    %dma_start3A_59 = tpu.memref_slice %arg4[%dma_start3A_57, %dma_start3A_58] : memref<1048576x32xf32, #tpu.memory_space<hbm>> -> memref<1048576x32xf32, #tpu.memory_space<hbm>>
    tpu.enqueue_indirect_dma source(%dma_start3A_59 : memref<1048576x32xf32, #tpu.memory_space<hbm>>) target(%dma_start3A_54 : memref<128x32xf32, #tpu.memory_space<vmem>>) offsets(%dma_start3A_56 : memref<128xi32, #tpu.memory_space<vmem>>) semaphore(%arg20 : memref<!tpu.dma_semaphore, #tpu.memory_space<semaphore_mem>>)
    %dma_start3A_60 = arith.constant 128 : i32
    %dma_start3A_61 = arith.constant 0 : i32
    %dma_start3A_62 = tpu.memref_slice %arg10[%dma_start3A_60, %dma_start3A_61] : memref<200x32xf32, #tpu.memory_space<vmem>> -> memref<72x32xf32, #tpu.memory_space<vmem>>
    %dma_start3A_63 = arith.constant 896 : i32
    %dma_start3A_64 = tpu.memref_slice %arg6[%dma_start3A_63] : memref<32768xi32, #tpu.memory_space<vmem>> -> memref<72xi32, #tpu.memory_space<vmem>>
    %dma_start3A_65 = arith.constant 0 : i32
    %dma_start3A_66 = arith.constant 0 : i32
    %dma_start3A_67 = tpu.memref_slice %arg4[%dma_start3A_65, %dma_start3A_66] : memref<1048576x32xf32, #tpu.memory_space<hbm>> -> memref<1048576x32xf32, #tpu.memory_space<hbm>>
    tpu.enqueue_indirect_dma source(%dma_start3A_67 : memref<1048576x32xf32, #tpu.memory_space<hbm>>) target(%dma_start3A_62 : memref<72x32xf32, #tpu.memory_space<vmem>>) offsets(%dma_start3A_64 : memref<72xi32, #tpu.memory_space<vmem>>) semaphore(%arg20 : memref<!tpu.dma_semaphore, #tpu.memory_space<semaphore_mem>>)
    %dma_start3A_68 = arith.constant 0 : i32
    %dma_start3A_69 = arith.constant 0 : i32
    %dma_start3A_70 = tpu.memref_slice %arg11[%dma_start3A_68, %dma_start3A_69] : memref<200x32xf32, #tpu.memory_space<vmem>> -> memref<128x32xf32, #tpu.memory_space<vmem>>
    %dma_start3A_71 = arith.constant 1024 : i32
    %dma_start3A_72 = tpu.memref_slice %arg6[%dma_start3A_71] : memref<32768xi32, #tpu.memory_space<vmem>> -> memref<128xi32, #tpu.memory_space<vmem>>
    %dma_start3A_73 = arith.constant 0 : i32
    %dma_start3A_74 = arith.constant 0 : i32
    %dma_start3A_75 = tpu.memref_slice %arg4[%dma_start3A_73, %dma_start3A_74] : memref<1048576x32xf32, #tpu.memory_space<hbm>> -> memref<1048576x32xf32, #tpu.memory_space<hbm>>
    tpu.enqueue_indirect_dma source(%dma_start3A_75 : memref<1048576x32xf32, #tpu.memory_space<hbm>>) target(%dma_start3A_70 : memref<128x32xf32, #tpu.memory_space<vmem>>) offsets(%dma_start3A_72 : memref<128xi32, #tpu.memory_space<vmem>>) semaphore(%arg21 : memref<!tpu.dma_semaphore, #tpu.memory_space<semaphore_mem>>)
    %dma_start3A_76 = arith.constant 128 : i32
    %dma_start3A_77 = arith.constant 0 : i32
    %dma_start3A_78 = tpu.memref_slice %arg11[%dma_start3A_76, %dma_start3A_77] : memref<200x32xf32, #tpu.memory_space<vmem>> -> memref<72x32xf32, #tpu.memory_space<vmem>>
    %dma_start3A_79 = arith.constant 1152 : i32
    %dma_start3A_80 = tpu.memref_slice %arg6[%dma_start3A_79] : memref<32768xi32, #tpu.memory_space<vmem>> -> memref<72xi32, #tpu.memory_space<vmem>>
    %dma_start3A_81 = arith.constant 0 : i32
    %dma_start3A_82 = arith.constant 0 : i32
    %dma_start3A_83 = tpu.memref_slice %arg4[%dma_start3A_81, %dma_start3A_82] : memref<1048576x32xf32, #tpu.memory_space<hbm>> -> memref<1048576x32xf32, #tpu.memory_space<hbm>>
    tpu.enqueue_indirect_dma source(%dma_start3A_83 : memref<1048576x32xf32, #tpu.memory_space<hbm>>) target(%dma_start3A_78 : memref<72x32xf32, #tpu.memory_space<vmem>>) offsets(%dma_start3A_80 : memref<72xi32, #tpu.memory_space<vmem>>) semaphore(%arg21 : memref<!tpu.dma_semaphore, #tpu.memory_space<semaphore_mem>>)
    %dma_start3A_84 = arith.constant 0 : i32
    %dma_start3A_85 = arith.constant 0 : i32
    %dma_start3A_86 = tpu.memref_slice %arg12[%dma_start3A_84, %dma_start3A_85] : memref<200x32xf32, #tpu.memory_space<vmem>> -> memref<128x32xf32, #tpu.memory_space<vmem>>
    %dma_start3A_87 = arith.constant 1280 : i32
    %dma_start3A_88 = tpu.memref_slice %arg6[%dma_start3A_87] : memref<32768xi32, #tpu.memory_space<vmem>> -> memref<128xi32, #tpu.memory_space<vmem>>
    %dma_start3A_89 = arith.constant 0 : i32
    %dma_start3A_90 = arith.constant 0 : i32
    %dma_start3A_91 = tpu.memref_slice %arg4[%dma_start3A_89, %dma_start3A_90] : memref<1048576x32xf32, #tpu.memory_space<hbm>> -> memref<1048576x32xf32, #tpu.memory_space<hbm>>
    tpu.enqueue_indirect_dma source(%dma_start3A_91 : memref<1048576x32xf32, #tpu.memory_space<hbm>>) target(%dma_start3A_86 : memref<128x32xf32, #tpu.memory_space<vmem>>) offsets(%dma_start3A_88 : memref<128xi32, #tpu.memory_space<vmem>>) semaphore(%arg22 : memref<!tpu.dma_semaphore, #tpu.memory_space<semaphore_mem>>)
    %dma_start3A_92 = arith.constant 128 : i32
    %dma_start3A_93 = arith.constant 0 : i32
    %dma_start3A_94 = tpu.memref_slice %arg12[%dma_start3A_92, %dma_start3A_93] : memref<200x32xf32, #tpu.memory_space<vmem>> -> memref<72x32xf32, #tpu.memory_space<vmem>>
    %dma_start3A_95 = arith.constant 1408 : i32
    %dma_start3A_96 = tpu.memref_slice %arg6[%dma_start3A_95] : memref<32768xi32, #tpu.memory_space<vmem>> -> memref<72xi32, #tpu.memory_space<vmem>>
    %dma_start3A_97 = arith.constant 0 : i32
    %dma_start3A_98 = arith.constant 0 : i32
    %dma_start3A_99 = tpu.memref_slice %arg4[%dma_start3A_97, %dma_start3A_98] : memref<1048576x32xf32, #tpu.memory_space<hbm>> -> memref<1048576x32xf32, #tpu.memory_space<hbm>>
    tpu.enqueue_indirect_dma source(%dma_start3A_99 : memref<1048576x32xf32, #tpu.memory_space<hbm>>) target(%dma_start3A_94 : memref<72x32xf32, #tpu.memory_space<vmem>>) offsets(%dma_start3A_96 : memref<72xi32, #tpu.memory_space<vmem>>) semaphore(%arg22 : memref<!tpu.dma_semaphore, #tpu.memory_space<semaphore_mem>>)
    %dma_start3A_100 = arith.constant 0 : i32
    %dma_start3A_101 = arith.constant 0 : i32
    %dma_start3A_102 = tpu.memref_slice %arg13[%dma_start3A_100, %dma_start3A_101] : memref<200x32xf32, #tpu.memory_space<vmem>> -> memref<128x32xf32, #tpu.memory_space<vmem>>
    %dma_start3A_103 = arith.constant 1536 : i32
    %dma_start3A_104 = tpu.memref_slice %arg6[%dma_start3A_103] : memref<32768xi32, #tpu.memory_space<vmem>> -> memref<128xi32, #tpu.memory_space<vmem>>
    %dma_start3A_105 = arith.constant 0 : i32
    %dma_start3A_106 = arith.constant 0 : i32
    %dma_start3A_107 = tpu.memref_slice %arg4[%dma_start3A_105, %dma_start3A_106] : memref<1048576x32xf32, #tpu.memory_space<hbm>> -> memref<1048576x32xf32, #tpu.memory_space<hbm>>
    tpu.enqueue_indirect_dma source(%dma_start3A_107 : memref<1048576x32xf32, #tpu.memory_space<hbm>>) target(%dma_start3A_102 : memref<128x32xf32, #tpu.memory_space<vmem>>) offsets(%dma_start3A_104 : memref<128xi32, #tpu.memory_space<vmem>>) semaphore(%arg23 : memref<!tpu.dma_semaphore, #tpu.memory_space<semaphore_mem>>)
    %dma_start3A_108 = arith.constant 128 : i32
    %dma_start3A_109 = arith.constant 0 : i32
    %dma_start3A_110 = tpu.memref_slice %arg13[%dma_start3A_108, %dma_start3A_109] : memref<200x32xf32, #tpu.memory_space<vmem>> -> memref<72x32xf32, #tpu.memory_space<vmem>>
    %dma_start3A_111 = arith.constant 1664 : i32
    %dma_start3A_112 = tpu.memref_slice %arg6[%dma_start3A_111] : memref<32768xi32, #tpu.memory_space<vmem>> -> memref<72xi32, #tpu.memory_space<vmem>>
    %dma_start3A_113 = arith.constant 0 : i32
    %dma_start3A_114 = arith.constant 0 : i32
    %dma_start3A_115 = tpu.memref_slice %arg4[%dma_start3A_113, %dma_start3A_114] : memref<1048576x32xf32, #tpu.memory_space<hbm>> -> memref<1048576x32xf32, #tpu.memory_space<hbm>>
    tpu.enqueue_indirect_dma source(%dma_start3A_115 : memref<1048576x32xf32, #tpu.memory_space<hbm>>) target(%dma_start3A_110 : memref<72x32xf32, #tpu.memory_space<vmem>>) offsets(%dma_start3A_112 : memref<72xi32, #tpu.memory_space<vmem>>) semaphore(%arg23 : memref<!tpu.dma_semaphore, #tpu.memory_space<semaphore_mem>>)
    %dma_start3A_116 = arith.constant 0 : i32
    %dma_start3A_117 = arith.constant 0 : i32
    %dma_start3A_118 = tpu.memref_slice %arg14[%dma_start3A_116, %dma_start3A_117] : memref<200x32xf32, #tpu.memory_space<vmem>> -> memref<128x32xf32, #tpu.memory_space<vmem>>
    %dma_start3A_119 = arith.constant 1792 : i32
    %dma_start3A_120 = tpu.memref_slice %arg6[%dma_start3A_119] : memref<32768xi32, #tpu.memory_space<vmem>> -> memref<128xi32, #tpu.memory_space<vmem>>
    %dma_start3A_121 = arith.constant 0 : i32
    %dma_start3A_122 = arith.constant 0 : i32
    %dma_start3A_123 = tpu.memref_slice %arg4[%dma_start3A_121, %dma_start3A_122] : memref<1048576x32xf32, #tpu.memory_space<hbm>> -> memref<1048576x32xf32, #tpu.memory_space<hbm>>
    tpu.enqueue_indirect_dma source(%dma_start3A_123 : memref<1048576x32xf32, #tpu.memory_space<hbm>>) target(%dma_start3A_118 : memref<128x32xf32, #tpu.memory_space<vmem>>) offsets(%dma_start3A_120 : memref<128xi32, #tpu.memory_space<vmem>>) semaphore(%arg24 : memref<!tpu.dma_semaphore, #tpu.memory_space<semaphore_mem>>)
    %dma_start3A_124 = arith.constant 128 : i32
    %dma_start3A_125 = arith.constant 0 : i32
    %dma_start3A_126 = tpu.memref_slice %arg14[%dma_start3A_124, %dma_start3A_125] : memref<200x32xf32, #tpu.memory_space<vmem>> -> memref<72x32xf32, #tpu.memory_space<vmem>>
    %dma_start3A_127 = arith.constant 1920 : i32
    %dma_start3A_128 = tpu.memref_slice %arg6[%dma_start3A_127] : memref<32768xi32, #tpu.memory_space<vmem>> -> memref<72xi32, #tpu.memory_space<vmem>>
    %dma_start3A_129 = arith.constant 0 : i32
    %dma_start3A_130 = arith.constant 0 : i32
    %dma_start3A_131 = tpu.memref_slice %arg4[%dma_start3A_129, %dma_start3A_130] : memref<1048576x32xf32, #tpu.memory_space<hbm>> -> memref<1048576x32xf32, #tpu.memory_space<hbm>>
    tpu.enqueue_indirect_dma source(%dma_start3A_131 : memref<1048576x32xf32, #tpu.memory_space<hbm>>) target(%dma_start3A_126 : memref<72x32xf32, #tpu.memory_space<vmem>>) offsets(%dma_start3A_128 : memref<72xi32, #tpu.memory_space<vmem>>) semaphore(%arg24 : memref<!tpu.dma_semaphore, #tpu.memory_space<semaphore_mem>>)
    %scan3A = arith.constant 0 : i32
    %scan3A_132 = arith.constant 0 : i32
    %scan3A_133 = arith.constant 16 : i32
    %scan3A_134 = arith.addi %scan3A_132, %scan3A_133 : i32
    %scan3A_135 = arith.constant 1 : i32
    scf.for %scan3A_137 = %scan3A_132 to %scan3A_134 step %scan3A_135  : i32 {
      %mul3A_138 = arith.constant 8 : i32
      %mul3A_139 = arith.muli %scan3A_137, %mul3A_138 : i32
      %dma_wait3A = arith.constant 0 : i32
      %dma_wait3A_140 = arith.constant 0 : i32
      %dma_wait3A_141 = tpu.memref_slice %arg4[%dma_wait3A, %dma_wait3A_140] : memref<1048576x32xf32, #tpu.memory_space<hbm>> -> memref<200x32xf32, #tpu.memory_space<hbm>>
      %dma_wait3A_142 = arith.constant 0 : i32
      %dma_wait3A_143 = arith.constant 0 : i32
      %dma_wait3A_144 = tpu.memref_slice %arg4[%dma_wait3A_142, %dma_wait3A_143] : memref<1048576x32xf32, #tpu.memory_space<hbm>> -> memref<200x32xf32, #tpu.memory_space<hbm>>
      tpu.wait_dma2 semaphore(%arg17 : memref<!tpu.dma_semaphore, #tpu.memory_space<semaphore_mem>>) src(%dma_wait3A_144 : memref<200x32xf32, #tpu.memory_space<hbm>>) dst(%arg7 : memref<200x32xf32, #tpu.memory_space<vmem>>)
      %add3A_145 = arith.constant 0 : i32
      %add3A_146 = arith.addi %mul3A_139, %add3A_145 : i32
      %broadcast_in_dim3A = arith.constant 0.000000e+00 : f32
      %broadcast_in_dim3A_147 = vector.broadcast %broadcast_in_dim3A : f32 to vector<16xf32>
      %broadcast_in_dim3A_148 = arith.constant 0.000000e+00 : f32
      %broadcast_in_dim3A_149 = vector.broadcast %broadcast_in_dim3A_148 : f32 to vector<16xf32>
      %scan3A_150 = arith.constant 0 : i32
      %scan3A_151 = arith.constant 200 : i32
      %scan3A_152 = arith.addi %scan3A_150, %scan3A_151 : i32
      %scan3A_153 = arith.constant 8 : i32
      %scan3A_154:2 = scf.for %scan3A_429 = %scan3A_150 to %scan3A_152 step %scan3A_153 iter_args(%scan3A_430 = %broadcast_in_dim3A_147, %scan3A_431 = %broadcast_in_dim3A_149) -> (vector<16xf32>, vector<16xf32>)  : i32 {
        %get3A = arith.index_cast %scan3A_429 : i32 to index
        %get3A_432 = arith.constant 0 : index
        %get3A_433 = tpu.vector_load %arg7[%get3A, %get3A_432] {strides = array<i32>} : memref<200x32xf32, #tpu.memory_space<vmem>>, vector<16xf32>,
        %add3A_434 = arith.addf %scan3A_430, %get3A_433 : vector<16xf32>
        %get3A_435 = arith.index_cast %scan3A_429 : i32 to index
        %get3A_436 = arith.constant 16 : index
        %get3A_437 = tpu.vector_load %arg7[%get3A_435, %get3A_436] {strides = array<i32>} : memref<200x32xf32, #tpu.memory_space<vmem>>, vector<16xf32>,
        %add3A_438 = arith.addf %scan3A_431, %get3A_437 : vector<16xf32>
        %scan3A_439 = arith.constant 1 : i32
        %scan3A_440 = arith.addi %scan3A_429, %scan3A_439 : i32
        %get3A_441 = arith.index_cast %scan3A_440 : i32 to index
        %get3A_442 = arith.constant 0 : index
        %get3A_443 = tpu.vector_load %arg7[%get3A_441, %get3A_442] {strides = array<i32>} : memref<200x32xf32, #tpu.memory_space<vmem>>, vector<16xf32>,
        %add3A_444 = arith.addf %add3A_434, %get3A_443 : vector<16xf32>
        %get3A_445 = arith.index_cast %scan3A_440 : i32 to index
        %get3A_446 = arith.constant 16 : index
        %get3A_447 = tpu.vector_load %arg7[%get3A_445, %get3A_446] {strides = array<i32>} : memref<200x32xf32, #tpu.memory_space<vmem>>, vector<16xf32>,
        %add3A_448 = arith.addf %add3A_438, %get3A_447 : vector<16xf32>
        %scan3A_449 = arith.constant 2 : i32
        %scan3A_450 = arith.addi %scan3A_429, %scan3A_449 : i32
        %get3A_451 = arith.index_cast %scan3A_450 : i32 to index
        %get3A_452 = arith.constant 0 : index
        %get3A_453 = tpu.vector_load %arg7[%get3A_451, %get3A_452] {strides = array<i32>} : memref<200x32xf32, #tpu.memory_space<vmem>>, vector<16xf32>,
        %add3A_454 = arith.addf %add3A_444, %get3A_453 : vector<16xf32>
        %get3A_455 = arith.index_cast %scan3A_450 : i32 to index
        %get3A_456 = arith.constant 16 : index
        %get3A_457 = tpu.vector_load %arg7[%get3A_455, %get3A_456] {strides = array<i32>} : memref<200x32xf32, #tpu.memory_space<vmem>>, vector<16xf32>,
        %add3A_458 = arith.addf %add3A_448, %get3A_457 : vector<16xf32>
        %scan3A_459 = arith.constant 3 : i32
        %scan3A_460 = arith.addi %scan3A_429, %scan3A_459 : i32
        %get3A_461 = arith.index_cast %scan3A_460 : i32 to index
        %get3A_462 = arith.constant 0 : index
        %get3A_463 = tpu.vector_load %arg7[%get3A_461, %get3A_462] {strides = array<i32>} : memref<200x32xf32, #tpu.memory_space<vmem>>, vector<16xf32>,
        %add3A_464 = arith.addf %add3A_454, %get3A_463 : vector<16xf32>
        %get3A_465 = arith.index_cast %scan3A_460 : i32 to index
        %get3A_466 = arith.constant 16 : index
        %get3A_467 = tpu.vector_load %arg7[%get3A_465, %get3A_466] {strides = array<i32>} : memref<200x32xf32, #tpu.memory_space<vmem>>, vector<16xf32>,
        %add3A_468 = arith.addf %add3A_458, %get3A_467 : vector<16xf32>
        %scan3A_469 = arith.constant 4 : i32
        %scan3A_470 = arith.addi %scan3A_429, %scan3A_469 : i32
        %get3A_471 = arith.index_cast %scan3A_470 : i32 to index
        %get3A_472 = arith.constant 0 : index
        %get3A_473 = tpu.vector_load %arg7[%get3A_471, %get3A_472] {strides = array<i32>} : memref<200x32xf32, #tpu.memory_space<vmem>>, vector<16xf32>,
        %add3A_474 = arith.addf %add3A_464, %get3A_473 : vector<16xf32>
        %get3A_475 = arith.index_cast %scan3A_470 : i32 to index
        %get3A_476 = arith.constant 16 : index
        %get3A_477 = tpu.vector_load %arg7[%get3A_475, %get3A_476] {strides = array<i32>} : memref<200x32xf32, #tpu.memory_space<vmem>>, vector<16xf32>,
        %add3A_478 = arith.addf %add3A_468, %get3A_477 : vector<16xf32>
        %scan3A_479 = arith.constant 5 : i32
        %scan3A_480 = arith.addi %scan3A_429, %scan3A_479 : i32
        %get3A_481 = arith.index_cast %scan3A_480 : i32 to index
        %get3A_482 = arith.constant 0 : index
        %get3A_483 = tpu.vector_load %arg7[%get3A_481, %get3A_482] {strides = array<i32>} : memref<200x32xf32, #tpu.memory_space<vmem>>, vector<16xf32>,
        %add3A_484 = arith.addf %add3A_474, %get3A_483 : vector<16xf32>
        %get3A_485 = arith.index_cast %scan3A_480 : i32 to index
        %get3A_486 = arith.constant 16 : index
        %get3A_487 = tpu.vector_load %arg7[%get3A_485, %get3A_486] {strides = array<i32>} : memref<200x32xf32, #tpu.memory_space<vmem>>, vector<16xf32>,
        %add3A_488 = arith.addf %add3A_478, %get3A_487 : vector<16xf32>
        %scan3A_489 = arith.constant 6 : i32
        %scan3A_490 = arith.addi %scan3A_429, %scan3A_489 : i32
        %get3A_491 = arith.index_cast %scan3A_490 : i32 to index
        %get3A_492 = arith.constant 0 : index
        %get3A_493 = tpu.vector_load %arg7[%get3A_491, %get3A_492] {strides = array<i32>} : memref<200x32xf32, #tpu.memory_space<vmem>>, vector<16xf32>,
        %add3A_494 = arith.addf %add3A_484, %get3A_493 : vector<16xf32>
        %get3A_495 = arith.index_cast %scan3A_490 : i32 to index
        %get3A_496 = arith.constant 16 : index
        %get3A_497 = tpu.vector_load %arg7[%get3A_495, %get3A_496] {strides = array<i32>} : memref<200x32xf32, #tpu.memory_space<vmem>>, vector<16xf32>,
        %add3A_498 = arith.addf %add3A_488, %get3A_497 : vector<16xf32>
        %scan3A_499 = arith.constant 7 : i32
        %scan3A_500 = arith.addi %scan3A_429, %scan3A_499 : i32
        %get3A_501 = arith.index_cast %scan3A_500 : i32 to index
        %get3A_502 = arith.constant 0 : index
        %get3A_503 = tpu.vector_load %arg7[%get3A_501, %get3A_502] {strides = array<i32>} : memref<200x32xf32, #tpu.memory_space<vmem>>, vector<16xf32>,
        %add3A_504 = arith.addf %add3A_494, %get3A_503 : vector<16xf32>
        %get3A_505 = arith.index_cast %scan3A_500 : i32 to index
        %get3A_506 = arith.constant 16 : index
        %get3A_507 = tpu.vector_load %arg7[%get3A_505, %get3A_506] {strides = array<i32>} : memref<200x32xf32, #tpu.memory_space<vmem>>, vector<16xf32>,
        %add3A_508 = arith.addf %add3A_498, %get3A_507 : vector<16xf32>
        scf.yield %add3A_504, %add3A_508 : vector<16xf32>, vector<16xf32>
      }
      %scan3A_155 = arith.constant 200 : i32
      %broadcast_in_dim3A_156 = vector.broadcast %add3A_146 : i32 to vector<16xi32>
      %gather3A = tpu.vector_load_idx %arg16[%broadcast_in_dim3A_156] : memref<128xf32, #tpu.memory_space<vmem>>[vector<16xi32>], vector<16xf32>,
      %mul3A_157 = arith.mulf %scan3A_154#0, %gather3A : vector<16xf32>
      %swap3A = arith.index_cast %add3A_146 : i32 to index
      %swap3A_158 = arith.constant 0 : index
      %swap3A_159 = tpu.vector_load %arg15[%swap3A, %swap3A_158] {strides = array<i32>} : memref<128x32xf32, #tpu.memory_space<vmem>>, vector<16xf32>,
      tpu.vector_store %arg15[%swap3A, %swap3A_158], %mul3A_157 {strides = array<i32>} : memref<128x32xf32, #tpu.memory_space<vmem>>, vector<16xf32>,
      %mul3A_160 = arith.mulf %scan3A_154#1, %gather3A : vector<16xf32>
      %swap3A_161 = arith.index_cast %add3A_146 : i32 to index
      %swap3A_162 = arith.constant 16 : index
      %swap3A_163 = tpu.vector_load %arg15[%swap3A_161, %swap3A_162] {strides = array<i32>} : memref<128x32xf32, #tpu.memory_space<vmem>>, vector<16xf32>,
      tpu.vector_store %arg15[%swap3A_161, %swap3A_162], %mul3A_160 {strides = array<i32>} : memref<128x32xf32, #tpu.memory_space<vmem>>, vector<16xf32>,
      %add3A_164 = arith.constant 0 : i32
      %add3A_165 = arith.addi %mul3A_139, %add3A_164 : i32
      %add3A_166 = arith.constant 8 : i32
      %add3A_167 = arith.addi %add3A_165, %add3A_166 : i32
      %lt3A = arith.constant 128 : i32
      %lt3A_168 = arith.cmpi slt, %add3A_167, %lt3A : i32
      %convert_element_type3A = arith.extui %lt3A_168 : i1 to i32
      %cond3A = arith.constant 0 : i32
      %cond3A_169 = arith.cmpi ne, %convert_element_type3A, %cond3A : i32
      scf.if %cond3A_169 {
        %add3A_429 = arith.constant 0 : i32
        %add3A_430 = arith.addi %mul3A_139, %add3A_429 : i32
        %add3A_431 = arith.constant 8 : i32
        %add3A_432 = arith.addi %add3A_430, %add3A_431 : i32
        %mul3A_433 = arith.constant 256 : i32
        %mul3A_434 = arith.muli %add3A_432, %mul3A_433 : i32
        %dma_start3A_435 = arith.constant 0 : i32
        %dma_start3A_436 = arith.constant 0 : i32
        %dma_start3A_437 = tpu.memref_slice %arg7[%dma_start3A_435, %dma_start3A_436] : memref<200x32xf32, #tpu.memory_space<vmem>> -> memref<128x32xf32, #tpu.memory_space<vmem>>
        %dma_start3A_438 = tpu.memref_slice %arg6[%mul3A_434] : memref<32768xi32, #tpu.memory_space<vmem>> -> memref<128xi32, #tpu.memory_space<vmem>>
        %dma_start3A_439 = arith.constant 0 : i32
        %dma_start3A_440 = arith.constant 0 : i32
        %dma_start3A_441 = tpu.memref_slice %arg4[%dma_start3A_439, %dma_start3A_440] : memref<1048576x32xf32, #tpu.memory_space<hbm>> -> memref<1048576x32xf32, #tpu.memory_space<hbm>>
        tpu.enqueue_indirect_dma source(%dma_start3A_441 : memref<1048576x32xf32, #tpu.memory_space<hbm>>) target(%dma_start3A_437 : memref<128x32xf32, #tpu.memory_space<vmem>>) offsets(%dma_start3A_438 : memref<128xi32, #tpu.memory_space<vmem>>) semaphore(%arg17 : memref<!tpu.dma_semaphore, #tpu.memory_space<semaphore_mem>>)
        %add3A_442 = arith.constant 128 : i32
        %add3A_443 = arith.addi %mul3A_434, %add3A_442 : i32
        %dma_start3A_444 = arith.constant 128 : i32
        %dma_start3A_445 = arith.constant 0 : i32
        %dma_start3A_446 = tpu.memref_slice %arg7[%dma_start3A_444, %dma_start3A_445] : memref<200x32xf32, #tpu.memory_space<vmem>> -> memref<72x32xf32, #tpu.memory_space<vmem>>
        %dma_start3A_447 = tpu.memref_slice %arg6[%add3A_443] : memref<32768xi32, #tpu.memory_space<vmem>> -> memref<72xi32, #tpu.memory_space<vmem>>
        %dma_start3A_448 = arith.constant 0 : i32
        %dma_start3A_449 = arith.constant 0 : i32
        %dma_start3A_450 = tpu.memref_slice %arg4[%dma_start3A_448, %dma_start3A_449] : memref<1048576x32xf32, #tpu.memory_space<hbm>> -> memref<1048576x32xf32, #tpu.memory_space<hbm>>
        tpu.enqueue_indirect_dma source(%dma_start3A_450 : memref<1048576x32xf32, #tpu.memory_space<hbm>>) target(%dma_start3A_446 : memref<72x32xf32, #tpu.memory_space<vmem>>) offsets(%dma_start3A_447 : memref<72xi32, #tpu.memory_space<vmem>>) semaphore(%arg17 : memref<!tpu.dma_semaphore, #tpu.memory_space<semaphore_mem>>)
      } else {
      }
      %dma_wait3A_170 = arith.constant 0 : i32
      %dma_wait3A_171 = arith.constant 0 : i32
      %dma_wait3A_172 = tpu.memref_slice %arg4[%dma_wait3A_170, %dma_wait3A_171] : memref<1048576x32xf32, #tpu.memory_space<hbm>> -> memref<200x32xf32, #tpu.memory_space<hbm>>
      %dma_wait3A_173 = arith.constant 0 : i32
      %dma_wait3A_174 = arith.constant 0 : i32
      %dma_wait3A_175 = tpu.memref_slice %arg4[%dma_wait3A_173, %dma_wait3A_174] : memref<1048576x32xf32, #tpu.memory_space<hbm>> -> memref<200x32xf32, #tpu.memory_space<hbm>>
      tpu.wait_dma2 semaphore(%arg18 : memref<!tpu.dma_semaphore, #tpu.memory_space<semaphore_mem>>) src(%dma_wait3A_175 : memref<200x32xf32, #tpu.memory_space<hbm>>) dst(%arg8 : memref<200x32xf32, #tpu.memory_space<vmem>>)
      %add3A_176 = arith.constant 1 : i32
      %add3A_177 = arith.addi %mul3A_139, %add3A_176 : i32
      %broadcast_in_dim3A_178 = arith.constant 0.000000e+00 : f32
      %broadcast_in_dim3A_179 = vector.broadcast %broadcast_in_dim3A_178 : f32 to vector<16xf32>
      %broadcast_in_dim3A_180 = arith.constant 0.000000e+00 : f32
      %broadcast_in_dim3A_181 = vector.broadcast %broadcast_in_dim3A_180 : f32 to vector<16xf32>
      %scan3A_182 = arith.constant 0 : i32
      %scan3A_183 = arith.constant 200 : i32
      %scan3A_184 = arith.addi %scan3A_182, %scan3A_183 : i32
      %scan3A_185 = arith.constant 8 : i32
      %scan3A_186:2 = scf.for %scan3A_429 = %scan3A_182 to %scan3A_184 step %scan3A_185 iter_args(%scan3A_430 = %broadcast_in_dim3A_179, %scan3A_431 = %broadcast_in_dim3A_181) -> (vector<16xf32>, vector<16xf32>)  : i32 {
        %get3A = arith.index_cast %scan3A_429 : i32 to index
        %get3A_432 = arith.constant 0 : index
        %get3A_433 = tpu.vector_load %arg8[%get3A, %get3A_432] {strides = array<i32>} : memref<200x32xf32, #tpu.memory_space<vmem>>, vector<16xf32>,
        %add3A_434 = arith.addf %scan3A_430, %get3A_433 : vector<16xf32>
        %get3A_435 = arith.index_cast %scan3A_429 : i32 to index
        %get3A_436 = arith.constant 16 : index
        %get3A_437 = tpu.vector_load %arg8[%get3A_435, %get3A_436] {strides = array<i32>} : memref<200x32xf32, #tpu.memory_space<vmem>>, vector<16xf32>,
        %add3A_438 = arith.addf %scan3A_431, %get3A_437 : vector<16xf32>
        %scan3A_439 = arith.constant 1 : i32
        %scan3A_440 = arith.addi %scan3A_429, %scan3A_439 : i32
        %get3A_441 = arith.index_cast %scan3A_440 : i32 to index
        %get3A_442 = arith.constant 0 : index
        %get3A_443 = tpu.vector_load %arg8[%get3A_441, %get3A_442] {strides = array<i32>} : memref<200x32xf32, #tpu.memory_space<vmem>>, vector<16xf32>,
        %add3A_444 = arith.addf %add3A_434, %get3A_443 : vector<16xf32>
        %get3A_445 = arith.index_cast %scan3A_440 : i32 to index
        %get3A_446 = arith.constant 16 : index
        %get3A_447 = tpu.vector_load %arg8[%get3A_445, %get3A_446] {strides = array<i32>} : memref<200x32xf32, #tpu.memory_space<vmem>>, vector<16xf32>,
        %add3A_448 = arith.addf %add3A_438, %get3A_447 : vector<16xf32>
        %scan3A_449 = arith.constant 2 : i32
        %scan3A_450 = arith.addi %scan3A_429, %scan3A_449 : i32
        %get3A_451 = arith.index_cast %scan3A_450 : i32 to index
        %get3A_452 = arith.constant 0 : index
        %get3A_453 = tpu.vector_load %arg8[%get3A_451, %get3A_452] {strides = array<i32>} : memref<200x32xf32, #tpu.memory_space<vmem>>, vector<16xf32>,
        %add3A_454 = arith.addf %add3A_444, %get3A_453 : vector<16xf32>
        %get3A_455 = arith.index_cast %scan3A_450 : i32 to index
        %get3A_456 = arith.constant 16 : index
        %get3A_457 = tpu.vector_load %arg8[%get3A_455, %get3A_456] {strides = array<i32>} : memref<200x32xf32, #tpu.memory_space<vmem>>, vector<16xf32>,
        %add3A_458 = arith.addf %add3A_448, %get3A_457 : vector<16xf32>
        %scan3A_459 = arith.constant 3 : i32
        %scan3A_460 = arith.addi %scan3A_429, %scan3A_459 : i32
        %get3A_461 = arith.index_cast %scan3A_460 : i32 to index
        %get3A_462 = arith.constant 0 : index
        %get3A_463 = tpu.vector_load %arg8[%get3A_461, %get3A_462] {strides = array<i32>} : memref<200x32xf32, #tpu.memory_space<vmem>>, vector<16xf32>,
        %add3A_464 = arith.addf %add3A_454, %get3A_463 : vector<16xf32>
        %get3A_465 = arith.index_cast %scan3A_460 : i32 to index
        %get3A_466 = arith.constant 16 : index
        %get3A_467 = tpu.vector_load %arg8[%get3A_465, %get3A_466] {strides = array<i32>} : memref<200x32xf32, #tpu.memory_space<vmem>>, vector<16xf32>,
        %add3A_468 = arith.addf %add3A_458, %get3A_467 : vector<16xf32>
        %scan3A_469 = arith.constant 4 : i32
        %scan3A_470 = arith.addi %scan3A_429, %scan3A_469 : i32
        %get3A_471 = arith.index_cast %scan3A_470 : i32 to index
        %get3A_472 = arith.constant 0 : index
        %get3A_473 = tpu.vector_load %arg8[%get3A_471, %get3A_472] {strides = array<i32>} : memref<200x32xf32, #tpu.memory_space<vmem>>, vector<16xf32>,
        %add3A_474 = arith.addf %add3A_464, %get3A_473 : vector<16xf32>
        %get3A_475 = arith.index_cast %scan3A_470 : i32 to index
        %get3A_476 = arith.constant 16 : index
        %get3A_477 = tpu.vector_load %arg8[%get3A_475, %get3A_476] {strides = array<i32>} : memref<200x32xf32, #tpu.memory_space<vmem>>, vector<16xf32>,
        %add3A_478 = arith.addf %add3A_468, %get3A_477 : vector<16xf32>
        %scan3A_479 = arith.constant 5 : i32
        %scan3A_480 = arith.addi %scan3A_429, %scan3A_479 : i32
        %get3A_481 = arith.index_cast %scan3A_480 : i32 to index
        %get3A_482 = arith.constant 0 : index
        %get3A_483 = tpu.vector_load %arg8[%get3A_481, %get3A_482] {strides = array<i32>} : memref<200x32xf32, #tpu.memory_space<vmem>>, vector<16xf32>,
        %add3A_484 = arith.addf %add3A_474, %get3A_483 : vector<16xf32>
        %get3A_485 = arith.index_cast %scan3A_480 : i32 to index
        %get3A_486 = arith.constant 16 : index
        %get3A_487 = tpu.vector_load %arg8[%get3A_485, %get3A_486] {strides = array<i32>} : memref<200x32xf32, #tpu.memory_space<vmem>>, vector<16xf32>,
        %add3A_488 = arith.addf %add3A_478, %get3A_487 : vector<16xf32>
        %scan3A_489 = arith.constant 6 : i32
        %scan3A_490 = arith.addi %scan3A_429, %scan3A_489 : i32
        %get3A_491 = arith.index_cast %scan3A_490 : i32 to index
        %get3A_492 = arith.constant 0 : index
        %get3A_493 = tpu.vector_load %arg8[%get3A_491, %get3A_492] {strides = array<i32>} : memref<200x32xf32, #tpu.memory_space<vmem>>, vector<16xf32>,
        %add3A_494 = arith.addf %add3A_484, %get3A_493 : vector<16xf32>
        %get3A_495 = arith.index_cast %scan3A_490 : i32 to index
        %get3A_496 = arith.constant 16 : index
        %get3A_497 = tpu.vector_load %arg8[%get3A_495, %get3A_496] {strides = array<i32>} : memref<200x32xf32, #tpu.memory_space<vmem>>, vector<16xf32>,
        %add3A_498 = arith.addf %add3A_488, %get3A_497 : vector<16xf32>
        %scan3A_499 = arith.constant 7 : i32
        %scan3A_500 = arith.addi %scan3A_429, %scan3A_499 : i32
        %get3A_501 = arith.index_cast %scan3A_500 : i32 to index
        %get3A_502 = arith.constant 0 : index
        %get3A_503 = tpu.vector_load %arg8[%get3A_501, %get3A_502] {strides = array<i32>} : memref<200x32xf32, #tpu.memory_space<vmem>>, vector<16xf32>,
        %add3A_504 = arith.addf %add3A_494, %get3A_503 : vector<16xf32>
        %get3A_505 = arith.index_cast %scan3A_500 : i32 to index
        %get3A_506 = arith.constant 16 : index
        %get3A_507 = tpu.vector_load %arg8[%get3A_505, %get3A_506] {strides = array<i32>} : memref<200x32xf32, #tpu.memory_space<vmem>>, vector<16xf32>,
        %add3A_508 = arith.addf %add3A_498, %get3A_507 : vector<16xf32>
        scf.yield %add3A_504, %add3A_508 : vector<16xf32>, vector<16xf32>
      }
      %scan3A_187 = arith.constant 200 : i32
      %broadcast_in_dim3A_188 = vector.broadcast %add3A_177 : i32 to vector<16xi32>
      %gather3A_189 = tpu.vector_load_idx %arg16[%broadcast_in_dim3A_188] : memref<128xf32, #tpu.memory_space<vmem>>[vector<16xi32>], vector<16xf32>,
      %mul3A_190 = arith.mulf %scan3A_186#0, %gather3A_189 : vector<16xf32>
      %swap3A_191 = arith.index_cast %add3A_177 : i32 to index
      %swap3A_192 = arith.constant 0 : index
      %swap3A_193 = tpu.vector_load %arg15[%swap3A_191, %swap3A_192] {strides = array<i32>} : memref<128x32xf32, #tpu.memory_space<vmem>>, vector<16xf32>,
      tpu.vector_store %arg15[%swap3A_191, %swap3A_192], %mul3A_190 {strides = array<i32>} : memref<128x32xf32, #tpu.memory_space<vmem>>, vector<16xf32>,
      %mul3A_194 = arith.mulf %scan3A_186#1, %gather3A_189 : vector<16xf32>
      %swap3A_195 = arith.index_cast %add3A_177 : i32 to index
      %swap3A_196 = arith.constant 16 : index
      %swap3A_197 = tpu.vector_load %arg15[%swap3A_195, %swap3A_196] {strides = array<i32>} : memref<128x32xf32, #tpu.memory_space<vmem>>, vector<16xf32>,
      tpu.vector_store %arg15[%swap3A_195, %swap3A_196], %mul3A_194 {strides = array<i32>} : memref<128x32xf32, #tpu.memory_space<vmem>>, vector<16xf32>,
      %add3A_198 = arith.constant 1 : i32
      %add3A_199 = arith.addi %mul3A_139, %add3A_198 : i32
      %add3A_200 = arith.constant 8 : i32
      %add3A_201 = arith.addi %add3A_199, %add3A_200 : i32
      %lt3A_202 = arith.constant 128 : i32
      %lt3A_203 = arith.cmpi slt, %add3A_201, %lt3A_202 : i32
      %convert_element_type3A_204 = arith.extui %lt3A_203 : i1 to i32
      %cond3A_205 = arith.constant 0 : i32
      %cond3A_206 = arith.cmpi ne, %convert_element_type3A_204, %cond3A_205 : i32
      scf.if %cond3A_206 {
        %add3A_429 = arith.constant 1 : i32
        %add3A_430 = arith.addi %mul3A_139, %add3A_429 : i32
        %add3A_431 = arith.constant 8 : i32
        %add3A_432 = arith.addi %add3A_430, %add3A_431 : i32
        %mul3A_433 = arith.constant 256 : i32
        %mul3A_434 = arith.muli %add3A_432, %mul3A_433 : i32
        %dma_start3A_435 = arith.constant 0 : i32
        %dma_start3A_436 = arith.constant 0 : i32
        %dma_start3A_437 = tpu.memref_slice %arg8[%dma_start3A_435, %dma_start3A_436] : memref<200x32xf32, #tpu.memory_space<vmem>> -> memref<128x32xf32, #tpu.memory_space<vmem>>
        %dma_start3A_438 = tpu.memref_slice %arg6[%mul3A_434] : memref<32768xi32, #tpu.memory_space<vmem>> -> memref<128xi32, #tpu.memory_space<vmem>>
        %dma_start3A_439 = arith.constant 0 : i32
        %dma_start3A_440 = arith.constant 0 : i32
        %dma_start3A_441 = tpu.memref_slice %arg4[%dma_start3A_439, %dma_start3A_440] : memref<1048576x32xf32, #tpu.memory_space<hbm>> -> memref<1048576x32xf32, #tpu.memory_space<hbm>>
        tpu.enqueue_indirect_dma source(%dma_start3A_441 : memref<1048576x32xf32, #tpu.memory_space<hbm>>) target(%dma_start3A_437 : memref<128x32xf32, #tpu.memory_space<vmem>>) offsets(%dma_start3A_438 : memref<128xi32, #tpu.memory_space<vmem>>) semaphore(%arg18 : memref<!tpu.dma_semaphore, #tpu.memory_space<semaphore_mem>>)
        %add3A_442 = arith.constant 128 : i32
        %add3A_443 = arith.addi %mul3A_434, %add3A_442 : i32
        %dma_start3A_444 = arith.constant 128 : i32
        %dma_start3A_445 = arith.constant 0 : i32
        %dma_start3A_446 = tpu.memref_slice %arg8[%dma_start3A_444, %dma_start3A_445] : memref<200x32xf32, #tpu.memory_space<vmem>> -> memref<72x32xf32, #tpu.memory_space<vmem>>
        %dma_start3A_447 = tpu.memref_slice %arg6[%add3A_443] : memref<32768xi32, #tpu.memory_space<vmem>> -> memref<72xi32, #tpu.memory_space<vmem>>
        %dma_start3A_448 = arith.constant 0 : i32
        %dma_start3A_449 = arith.constant 0 : i32
        %dma_start3A_450 = tpu.memref_slice %arg4[%dma_start3A_448, %dma_start3A_449] : memref<1048576x32xf32, #tpu.memory_space<hbm>> -> memref<1048576x32xf32, #tpu.memory_space<hbm>>
        tpu.enqueue_indirect_dma source(%dma_start3A_450 : memref<1048576x32xf32, #tpu.memory_space<hbm>>) target(%dma_start3A_446 : memref<72x32xf32, #tpu.memory_space<vmem>>) offsets(%dma_start3A_447 : memref<72xi32, #tpu.memory_space<vmem>>) semaphore(%arg18 : memref<!tpu.dma_semaphore, #tpu.memory_space<semaphore_mem>>)
      } else {
      }
      %dma_wait3A_207 = arith.constant 0 : i32
      %dma_wait3A_208 = arith.constant 0 : i32
      %dma_wait3A_209 = tpu.memref_slice %arg4[%dma_wait3A_207, %dma_wait3A_208] : memref<1048576x32xf32, #tpu.memory_space<hbm>> -> memref<200x32xf32, #tpu.memory_space<hbm>>
      %dma_wait3A_210 = arith.constant 0 : i32
      %dma_wait3A_211 = arith.constant 0 : i32
      %dma_wait3A_212 = tpu.memref_slice %arg4[%dma_wait3A_210, %dma_wait3A_211] : memref<1048576x32xf32, #tpu.memory_space<hbm>> -> memref<200x32xf32, #tpu.memory_space<hbm>>
      tpu.wait_dma2 semaphore(%arg19 : memref<!tpu.dma_semaphore, #tpu.memory_space<semaphore_mem>>) src(%dma_wait3A_212 : memref<200x32xf32, #tpu.memory_space<hbm>>) dst(%arg9 : memref<200x32xf32, #tpu.memory_space<vmem>>)
      %add3A_213 = arith.constant 2 : i32
      %add3A_214 = arith.addi %mul3A_139, %add3A_213 : i32
      %broadcast_in_dim3A_215 = arith.constant 0.000000e+00 : f32
      %broadcast_in_dim3A_216 = vector.broadcast %broadcast_in_dim3A_215 : f32 to vector<16xf32>
      %broadcast_in_dim3A_217 = arith.constant 0.000000e+00 : f32
      %broadcast_in_dim3A_218 = vector.broadcast %broadcast_in_dim3A_217 : f32 to vector<16xf32>
      %scan3A_219 = arith.constant 0 : i32
      %scan3A_220 = arith.constant 200 : i32
      %scan3A_221 = arith.addi %scan3A_219, %scan3A_220 : i32
      %scan3A_222 = arith.constant 8 : i32
      %scan3A_223:2 = scf.for %scan3A_429 = %scan3A_219 to %scan3A_221 step %scan3A_222 iter_args(%scan3A_430 = %broadcast_in_dim3A_216, %scan3A_431 = %broadcast_in_dim3A_218) -> (vector<16xf32>, vector<16xf32>)  : i32 {
        %get3A = arith.index_cast %scan3A_429 : i32 to index
        %get3A_432 = arith.constant 0 : index
        %get3A_433 = tpu.vector_load %arg9[%get3A, %get3A_432] {strides = array<i32>} : memref<200x32xf32, #tpu.memory_space<vmem>>, vector<16xf32>,
        %add3A_434 = arith.addf %scan3A_430, %get3A_433 : vector<16xf32>
        %get3A_435 = arith.index_cast %scan3A_429 : i32 to index
        %get3A_436 = arith.constant 16 : index
        %get3A_437 = tpu.vector_load %arg9[%get3A_435, %get3A_436] {strides = array<i32>} : memref<200x32xf32, #tpu.memory_space<vmem>>, vector<16xf32>,
        %add3A_438 = arith.addf %scan3A_431, %get3A_437 : vector<16xf32>
        %scan3A_439 = arith.constant 1 : i32
        %scan3A_440 = arith.addi %scan3A_429, %scan3A_439 : i32
        %get3A_441 = arith.index_cast %scan3A_440 : i32 to index
        %get3A_442 = arith.constant 0 : index
        %get3A_443 = tpu.vector_load %arg9[%get3A_441, %get3A_442] {strides = array<i32>} : memref<200x32xf32, #tpu.memory_space<vmem>>, vector<16xf32>,
        %add3A_444 = arith.addf %add3A_434, %get3A_443 : vector<16xf32>
        %get3A_445 = arith.index_cast %scan3A_440 : i32 to index
        %get3A_446 = arith.constant 16 : index
        %get3A_447 = tpu.vector_load %arg9[%get3A_445, %get3A_446] {strides = array<i32>} : memref<200x32xf32, #tpu.memory_space<vmem>>, vector<16xf32>,
        %add3A_448 = arith.addf %add3A_438, %get3A_447 : vector<16xf32>
        %scan3A_449 = arith.constant 2 : i32
        %scan3A_450 = arith.addi %scan3A_429, %scan3A_449 : i32
        %get3A_451 = arith.index_cast %scan3A_450 : i32 to index
        %get3A_452 = arith.constant 0 : index
        %get3A_453 = tpu.vector_load %arg9[%get3A_451, %get3A_452] {strides = array<i32>} : memref<200x32xf32, #tpu.memory_space<vmem>>, vector<16xf32>,
        %add3A_454 = arith.addf %add3A_444, %get3A_453 : vector<16xf32>
        %get3A_455 = arith.index_cast %scan3A_450 : i32 to index
        %get3A_456 = arith.constant 16 : index
        %get3A_457 = tpu.vector_load %arg9[%get3A_455, %get3A_456] {strides = array<i32>} : memref<200x32xf32, #tpu.memory_space<vmem>>, vector<16xf32>,
        %add3A_458 = arith.addf %add3A_448, %get3A_457 : vector<16xf32>
        %scan3A_459 = arith.constant 3 : i32
        %scan3A_460 = arith.addi %scan3A_429, %scan3A_459 : i32
        %get3A_461 = arith.index_cast %scan3A_460 : i32 to index
        %get3A_462 = arith.constant 0 : index
        %get3A_463 = tpu.vector_load %arg9[%get3A_461, %get3A_462] {strides = array<i32>} : memref<200x32xf32, #tpu.memory_space<vmem>>, vector<16xf32>,
        %add3A_464 = arith.addf %add3A_454, %get3A_463 : vector<16xf32>
        %get3A_465 = arith.index_cast %scan3A_460 : i32 to index
        %get3A_466 = arith.constant 16 : index
        %get3A_467 = tpu.vector_load %arg9[%get3A_465, %get3A_466] {strides = array<i32>} : memref<200x32xf32, #tpu.memory_space<vmem>>, vector<16xf32>,
        %add3A_468 = arith.addf %add3A_458, %get3A_467 : vector<16xf32>
        %scan3A_469 = arith.constant 4 : i32
        %scan3A_470 = arith.addi %scan3A_429, %scan3A_469 : i32
        %get3A_471 = arith.index_cast %scan3A_470 : i32 to index
        %get3A_472 = arith.constant 0 : index
        %get3A_473 = tpu.vector_load %arg9[%get3A_471, %get3A_472] {strides = array<i32>} : memref<200x32xf32, #tpu.memory_space<vmem>>, vector<16xf32>,
        %add3A_474 = arith.addf %add3A_464, %get3A_473 : vector<16xf32>
        %get3A_475 = arith.index_cast %scan3A_470 : i32 to index
        %get3A_476 = arith.constant 16 : index
        %get3A_477 = tpu.vector_load %arg9[%get3A_475, %get3A_476] {strides = array<i32>} : memref<200x32xf32, #tpu.memory_space<vmem>>, vector<16xf32>,
        %add3A_478 = arith.addf %add3A_468, %get3A_477 : vector<16xf32>
        %scan3A_479 = arith.constant 5 : i32
        %scan3A_480 = arith.addi %scan3A_429, %scan3A_479 : i32
        %get3A_481 = arith.index_cast %scan3A_480 : i32 to index
        %get3A_482 = arith.constant 0 : index
        %get3A_483 = tpu.vector_load %arg9[%get3A_481, %get3A_482] {strides = array<i32>} : memref<200x32xf32, #tpu.memory_space<vmem>>, vector<16xf32>,
        %add3A_484 = arith.addf %add3A_474, %get3A_483 : vector<16xf32>
        %get3A_485 = arith.index_cast %scan3A_480 : i32 to index
        %get3A_486 = arith.constant 16 : index
        %get3A_487 = tpu.vector_load %arg9[%get3A_485, %get3A_486] {strides = array<i32>} : memref<200x32xf32, #tpu.memory_space<vmem>>, vector<16xf32>,
        %add3A_488 = arith.addf %add3A_478, %get3A_487 : vector<16xf32>
        %scan3A_489 = arith.constant 6 : i32
        %scan3A_490 = arith.addi %scan3A_429, %scan3A_489 : i32
        %get3A_491 = arith.index_cast %scan3A_490 : i32 to index
        %get3A_492 = arith.constant 0 : index
        %get3A_493 = tpu.vector_load %arg9[%get3A_491, %get3A_492] {strides = array<i32>} : memref<200x32xf32, #tpu.memory_space<vmem>>, vector<16xf32>,
        %add3A_494 = arith.addf %add3A_484, %get3A_493 : vector<16xf32>
        %get3A_495 = arith.index_cast %scan3A_490 : i32 to index
        %get3A_496 = arith.constant 16 : index
        %get3A_497 = tpu.vector_load %arg9[%get3A_495, %get3A_496] {strides = array<i32>} : memref<200x32xf32, #tpu.memory_space<vmem>>, vector<16xf32>,
        %add3A_498 = arith.addf %add3A_488, %get3A_497 : vector<16xf32>
        %scan3A_499 = arith.constant 7 : i32
        %scan3A_500 = arith.addi %scan3A_429, %scan3A_499 : i32
        %get3A_501 = arith.index_cast %scan3A_500 : i32 to index
        %get3A_502 = arith.constant 0 : index
        %get3A_503 = tpu.vector_load %arg9[%get3A_501, %get3A_502] {strides = array<i32>} : memref<200x32xf32, #tpu.memory_space<vmem>>, vector<16xf32>,
        %add3A_504 = arith.addf %add3A_494, %get3A_503 : vector<16xf32>
        %get3A_505 = arith.index_cast %scan3A_500 : i32 to index
        %get3A_506 = arith.constant 16 : index
        %get3A_507 = tpu.vector_load %arg9[%get3A_505, %get3A_506] {strides = array<i32>} : memref<200x32xf32, #tpu.memory_space<vmem>>, vector<16xf32>,
        %add3A_508 = arith.addf %add3A_498, %get3A_507 : vector<16xf32>
        scf.yield %add3A_504, %add3A_508 : vector<16xf32>, vector<16xf32>
      }
      %scan3A_224 = arith.constant 200 : i32
      %broadcast_in_dim3A_225 = vector.broadcast %add3A_214 : i32 to vector<16xi32>
      %gather3A_226 = tpu.vector_load_idx %arg16[%broadcast_in_dim3A_225] : memref<128xf32, #tpu.memory_space<vmem>>[vector<16xi32>], vector<16xf32>,
      %mul3A_227 = arith.mulf %scan3A_223#0, %gather3A_226 : vector<16xf32>
      %swap3A_228 = arith.index_cast %add3A_214 : i32 to index
      %swap3A_229 = arith.constant 0 : index
      %swap3A_230 = tpu.vector_load %arg15[%swap3A_228, %swap3A_229] {strides = array<i32>} : memref<128x32xf32, #tpu.memory_space<vmem>>, vector<16xf32>,
      tpu.vector_store %arg15[%swap3A_228, %swap3A_229], %mul3A_227 {strides = array<i32>} : memref<128x32xf32, #tpu.memory_space<vmem>>, vector<16xf32>,
      %mul3A_231 = arith.mulf %scan3A_223#1, %gather3A_226 : vector<16xf32>
      %swap3A_232 = arith.index_cast %add3A_214 : i32 to index
      %swap3A_233 = arith.constant 16 : index
      %swap3A_234 = tpu.vector_load %arg15[%swap3A_232, %swap3A_233] {strides = array<i32>} : memref<128x32xf32, #tpu.memory_space<vmem>>, vector<16xf32>,
      tpu.vector_store %arg15[%swap3A_232, %swap3A_233], %mul3A_231 {strides = array<i32>} : memref<128x32xf32, #tpu.memory_space<vmem>>, vector<16xf32>,
      %add3A_235 = arith.constant 2 : i32
      %add3A_236 = arith.addi %mul3A_139, %add3A_235 : i32
      %add3A_237 = arith.constant 8 : i32
      %add3A_238 = arith.addi %add3A_236, %add3A_237 : i32
      %lt3A_239 = arith.constant 128 : i32
      %lt3A_240 = arith.cmpi slt, %add3A_238, %lt3A_239 : i32
      %convert_element_type3A_241 = arith.extui %lt3A_240 : i1 to i32
      %cond3A_242 = arith.constant 0 : i32
      %cond3A_243 = arith.cmpi ne, %convert_element_type3A_241, %cond3A_242 : i32
      scf.if %cond3A_243 {
        %add3A_429 = arith.constant 2 : i32
        %add3A_430 = arith.addi %mul3A_139, %add3A_429 : i32
        %add3A_431 = arith.constant 8 : i32
        %add3A_432 = arith.addi %add3A_430, %add3A_431 : i32
        %mul3A_433 = arith.constant 256 : i32
        %mul3A_434 = arith.muli %add3A_432, %mul3A_433 : i32
        %dma_start3A_435 = arith.constant 0 : i32
        %dma_start3A_436 = arith.constant 0 : i32
        %dma_start3A_437 = tpu.memref_slice %arg9[%dma_start3A_435, %dma_start3A_436] : memref<200x32xf32, #tpu.memory_space<vmem>> -> memref<128x32xf32, #tpu.memory_space<vmem>>
        %dma_start3A_438 = tpu.memref_slice %arg6[%mul3A_434] : memref<32768xi32, #tpu.memory_space<vmem>> -> memref<128xi32, #tpu.memory_space<vmem>>
        %dma_start3A_439 = arith.constant 0 : i32
        %dma_start3A_440 = arith.constant 0 : i32
        %dma_start3A_441 = tpu.memref_slice %arg4[%dma_start3A_439, %dma_start3A_440] : memref<1048576x32xf32, #tpu.memory_space<hbm>> -> memref<1048576x32xf32, #tpu.memory_space<hbm>>
        tpu.enqueue_indirect_dma source(%dma_start3A_441 : memref<1048576x32xf32, #tpu.memory_space<hbm>>) target(%dma_start3A_437 : memref<128x32xf32, #tpu.memory_space<vmem>>) offsets(%dma_start3A_438 : memref<128xi32, #tpu.memory_space<vmem>>) semaphore(%arg19 : memref<!tpu.dma_semaphore, #tpu.memory_space<semaphore_mem>>)
        %add3A_442 = arith.constant 128 : i32
        %add3A_443 = arith.addi %mul3A_434, %add3A_442 : i32
        %dma_start3A_444 = arith.constant 128 : i32
        %dma_start3A_445 = arith.constant 0 : i32
        %dma_start3A_446 = tpu.memref_slice %arg9[%dma_start3A_444, %dma_start3A_445] : memref<200x32xf32, #tpu.memory_space<vmem>> -> memref<72x32xf32, #tpu.memory_space<vmem>>
        %dma_start3A_447 = tpu.memref_slice %arg6[%add3A_443] : memref<32768xi32, #tpu.memory_space<vmem>> -> memref<72xi32, #tpu.memory_space<vmem>>
        %dma_start3A_448 = arith.constant 0 : i32
        %dma_start3A_449 = arith.constant 0 : i32
        %dma_start3A_450 = tpu.memref_slice %arg4[%dma_start3A_448, %dma_start3A_449] : memref<1048576x32xf32, #tpu.memory_space<hbm>> -> memref<1048576x32xf32, #tpu.memory_space<hbm>>
        tpu.enqueue_indirect_dma source(%dma_start3A_450 : memref<1048576x32xf32, #tpu.memory_space<hbm>>) target(%dma_start3A_446 : memref<72x32xf32, #tpu.memory_space<vmem>>) offsets(%dma_start3A_447 : memref<72xi32, #tpu.memory_space<vmem>>) semaphore(%arg19 : memref<!tpu.dma_semaphore, #tpu.memory_space<semaphore_mem>>)
      } else {
      }
      %dma_wait3A_244 = arith.constant 0 : i32
      %dma_wait3A_245 = arith.constant 0 : i32
      %dma_wait3A_246 = tpu.memref_slice %arg4[%dma_wait3A_244, %dma_wait3A_245] : memref<1048576x32xf32, #tpu.memory_space<hbm>> -> memref<200x32xf32, #tpu.memory_space<hbm>>
      %dma_wait3A_247 = arith.constant 0 : i32
      %dma_wait3A_248 = arith.constant 0 : i32
      %dma_wait3A_249 = tpu.memref_slice %arg4[%dma_wait3A_247, %dma_wait3A_248] : memref<1048576x32xf32, #tpu.memory_space<hbm>> -> memref<200x32xf32, #tpu.memory_space<hbm>>
      tpu.wait_dma2 semaphore(%arg20 : memref<!tpu.dma_semaphore, #tpu.memory_space<semaphore_mem>>) src(%dma_wait3A_249 : memref<200x32xf32, #tpu.memory_space<hbm>>) dst(%arg10 : memref<200x32xf32, #tpu.memory_space<vmem>>)
      %add3A_250 = arith.constant 3 : i32
      %add3A_251 = arith.addi %mul3A_139, %add3A_250 : i32
      %broadcast_in_dim3A_252 = arith.constant 0.000000e+00 : f32
      %broadcast_in_dim3A_253 = vector.broadcast %broadcast_in_dim3A_252 : f32 to vector<16xf32>
      %broadcast_in_dim3A_254 = arith.constant 0.000000e+00 : f32
      %broadcast_in_dim3A_255 = vector.broadcast %broadcast_in_dim3A_254 : f32 to vector<16xf32>
      %scan3A_256 = arith.constant 0 : i32
      %scan3A_257 = arith.constant 200 : i32
      %scan3A_258 = arith.addi %scan3A_256, %scan3A_257 : i32
      %scan3A_259 = arith.constant 8 : i32
      %scan3A_260:2 = scf.for %scan3A_429 = %scan3A_256 to %scan3A_258 step %scan3A_259 iter_args(%scan3A_430 = %broadcast_in_dim3A_253, %scan3A_431 = %broadcast_in_dim3A_255) -> (vector<16xf32>, vector<16xf32>)  : i32 {
        %get3A = arith.index_cast %scan3A_429 : i32 to index
        %get3A_432 = arith.constant 0 : index
        %get3A_433 = tpu.vector_load %arg10[%get3A, %get3A_432] {strides = array<i32>} : memref<200x32xf32, #tpu.memory_space<vmem>>, vector<16xf32>,
        %add3A_434 = arith.addf %scan3A_430, %get3A_433 : vector<16xf32>
        %get3A_435 = arith.index_cast %scan3A_429 : i32 to index
        %get3A_436 = arith.constant 16 : index
        %get3A_437 = tpu.vector_load %arg10[%get3A_435, %get3A_436] {strides = array<i32>} : memref<200x32xf32, #tpu.memory_space<vmem>>, vector<16xf32>,
        %add3A_438 = arith.addf %scan3A_431, %get3A_437 : vector<16xf32>
        %scan3A_439 = arith.constant 1 : i32
        %scan3A_440 = arith.addi %scan3A_429, %scan3A_439 : i32
        %get3A_441 = arith.index_cast %scan3A_440 : i32 to index
        %get3A_442 = arith.constant 0 : index
        %get3A_443 = tpu.vector_load %arg10[%get3A_441, %get3A_442] {strides = array<i32>} : memref<200x32xf32, #tpu.memory_space<vmem>>, vector<16xf32>,
        %add3A_444 = arith.addf %add3A_434, %get3A_443 : vector<16xf32>
        %get3A_445 = arith.index_cast %scan3A_440 : i32 to index
        %get3A_446 = arith.constant 16 : index
        %get3A_447 = tpu.vector_load %arg10[%get3A_445, %get3A_446] {strides = array<i32>} : memref<200x32xf32, #tpu.memory_space<vmem>>, vector<16xf32>,
        %add3A_448 = arith.addf %add3A_438, %get3A_447 : vector<16xf32>
        %scan3A_449 = arith.constant 2 : i32
        %scan3A_450 = arith.addi %scan3A_429, %scan3A_449 : i32
        %get3A_451 = arith.index_cast %scan3A_450 : i32 to index
        %get3A_452 = arith.constant 0 : index
        %get3A_453 = tpu.vector_load %arg10[%get3A_451, %get3A_452] {strides = array<i32>} : memref<200x32xf32, #tpu.memory_space<vmem>>, vector<16xf32>,
        %add3A_454 = arith.addf %add3A_444, %get3A_453 : vector<16xf32>
        %get3A_455 = arith.index_cast %scan3A_450 : i32 to index
        %get3A_456 = arith.constant 16 : index
        %get3A_457 = tpu.vector_load %arg10[%get3A_455, %get3A_456] {strides = array<i32>} : memref<200x32xf32, #tpu.memory_space<vmem>>, vector<16xf32>,
        %add3A_458 = arith.addf %add3A_448, %get3A_457 : vector<16xf32>
        %scan3A_459 = arith.constant 3 : i32
        %scan3A_460 = arith.addi %scan3A_429, %scan3A_459 : i32
        %get3A_461 = arith.index_cast %scan3A_460 : i32 to index
        %get3A_462 = arith.constant 0 : index
        %get3A_463 = tpu.vector_load %arg10[%get3A_461, %get3A_462] {strides = array<i32>} : memref<200x32xf32, #tpu.memory_space<vmem>>, vector<16xf32>,
        %add3A_464 = arith.addf %add3A_454, %get3A_463 : vector<16xf32>
        %get3A_465 = arith.index_cast %scan3A_460 : i32 to index
        %get3A_466 = arith.constant 16 : index
        %get3A_467 = tpu.vector_load %arg10[%get3A_465, %get3A_466] {strides = array<i32>} : memref<200x32xf32, #tpu.memory_space<vmem>>, vector<16xf32>,
        %add3A_468 = arith.addf %add3A_458, %get3A_467 : vector<16xf32>
        %scan3A_469 = arith.constant 4 : i32
        %scan3A_470 = arith.addi %scan3A_429, %scan3A_469 : i32
        %get3A_471 = arith.index_cast %scan3A_470 : i32 to index
        %get3A_472 = arith.constant 0 : index
        %get3A_473 = tpu.vector_load %arg10[%get3A_471, %get3A_472] {strides = array<i32>} : memref<200x32xf32, #tpu.memory_space<vmem>>, vector<16xf32>,
        %add3A_474 = arith.addf %add3A_464, %get3A_473 : vector<16xf32>
        %get3A_475 = arith.index_cast %scan3A_470 : i32 to index
        %get3A_476 = arith.constant 16 : index
        %get3A_477 = tpu.vector_load %arg10[%get3A_475, %get3A_476] {strides = array<i32>} : memref<200x32xf32, #tpu.memory_space<vmem>>, vector<16xf32>,
        %add3A_478 = arith.addf %add3A_468, %get3A_477 : vector<16xf32>
        %scan3A_479 = arith.constant 5 : i32
        %scan3A_480 = arith.addi %scan3A_429, %scan3A_479 : i32
        %get3A_481 = arith.index_cast %scan3A_480 : i32 to index
        %get3A_482 = arith.constant 0 : index
        %get3A_483 = tpu.vector_load %arg10[%get3A_481, %get3A_482] {strides = array<i32>} : memref<200x32xf32, #tpu.memory_space<vmem>>, vector<16xf32>,
        %add3A_484 = arith.addf %add3A_474, %get3A_483 : vector<16xf32>
        %get3A_485 = arith.index_cast %scan3A_480 : i32 to index
        %get3A_486 = arith.constant 16 : index
        %get3A_487 = tpu.vector_load %arg10[%get3A_485, %get3A_486] {strides = array<i32>} : memref<200x32xf32, #tpu.memory_space<vmem>>, vector<16xf32>,
        %add3A_488 = arith.addf %add3A_478, %get3A_487 : vector<16xf32>
        %scan3A_489 = arith.constant 6 : i32
        %scan3A_490 = arith.addi %scan3A_429, %scan3A_489 : i32
        %get3A_491 = arith.index_cast %scan3A_490 : i32 to index
        %get3A_492 = arith.constant 0 : index
        %get3A_493 = tpu.vector_load %arg10[%get3A_491, %get3A_492] {strides = array<i32>} : memref<200x32xf32, #tpu.memory_space<vmem>>, vector<16xf32>,
        %add3A_494 = arith.addf %add3A_484, %get3A_493 : vector<16xf32>
        %get3A_495 = arith.index_cast %scan3A_490 : i32 to index
        %get3A_496 = arith.constant 16 : index
        %get3A_497 = tpu.vector_load %arg10[%get3A_495, %get3A_496] {strides = array<i32>} : memref<200x32xf32, #tpu.memory_space<vmem>>, vector<16xf32>,
        %add3A_498 = arith.addf %add3A_488, %get3A_497 : vector<16xf32>
        %scan3A_499 = arith.constant 7 : i32
        %scan3A_500 = arith.addi %scan3A_429, %scan3A_499 : i32
        %get3A_501 = arith.index_cast %scan3A_500 : i32 to index
        %get3A_502 = arith.constant 0 : index
        %get3A_503 = tpu.vector_load %arg10[%get3A_501, %get3A_502] {strides = array<i32>} : memref<200x32xf32, #tpu.memory_space<vmem>>, vector<16xf32>,
        %add3A_504 = arith.addf %add3A_494, %get3A_503 : vector<16xf32>
        %get3A_505 = arith.index_cast %scan3A_500 : i32 to index
        %get3A_506 = arith.constant 16 : index
        %get3A_507 = tpu.vector_load %arg10[%get3A_505, %get3A_506] {strides = array<i32>} : memref<200x32xf32, #tpu.memory_space<vmem>>, vector<16xf32>,
        %add3A_508 = arith.addf %add3A_498, %get3A_507 : vector<16xf32>
        scf.yield %add3A_504, %add3A_508 : vector<16xf32>, vector<16xf32>
      }
      %scan3A_261 = arith.constant 200 : i32
      %broadcast_in_dim3A_262 = vector.broadcast %add3A_251 : i32 to vector<16xi32>
      %gather3A_263 = tpu.vector_load_idx %arg16[%broadcast_in_dim3A_262] : memref<128xf32, #tpu.memory_space<vmem>>[vector<16xi32>], vector<16xf32>,
      %mul3A_264 = arith.mulf %scan3A_260#0, %gather3A_263 : vector<16xf32>
      %swap3A_265 = arith.index_cast %add3A_251 : i32 to index
      %swap3A_266 = arith.constant 0 : index
      %swap3A_267 = tpu.vector_load %arg15[%swap3A_265, %swap3A_266] {strides = array<i32>} : memref<128x32xf32, #tpu.memory_space<vmem>>, vector<16xf32>,
      tpu.vector_store %arg15[%swap3A_265, %swap3A_266], %mul3A_264 {strides = array<i32>} : memref<128x32xf32, #tpu.memory_space<vmem>>, vector<16xf32>,
      %mul3A_268 = arith.mulf %scan3A_260#1, %gather3A_263 : vector<16xf32>
      %swap3A_269 = arith.index_cast %add3A_251 : i32 to index
      %swap3A_270 = arith.constant 16 : index
      %swap3A_271 = tpu.vector_load %arg15[%swap3A_269, %swap3A_270] {strides = array<i32>} : memref<128x32xf32, #tpu.memory_space<vmem>>, vector<16xf32>,
      tpu.vector_store %arg15[%swap3A_269, %swap3A_270], %mul3A_268 {strides = array<i32>} : memref<128x32xf32, #tpu.memory_space<vmem>>, vector<16xf32>,
      %add3A_272 = arith.constant 3 : i32
      %add3A_273 = arith.addi %mul3A_139, %add3A_272 : i32
      %add3A_274 = arith.constant 8 : i32
      %add3A_275 = arith.addi %add3A_273, %add3A_274 : i32
      %lt3A_276 = arith.constant 128 : i32
      %lt3A_277 = arith.cmpi slt, %add3A_275, %lt3A_276 : i32
      %convert_element_type3A_278 = arith.extui %lt3A_277 : i1 to i32
      %cond3A_279 = arith.constant 0 : i32
      %cond3A_280 = arith.cmpi ne, %convert_element_type3A_278, %cond3A_279 : i32
      scf.if %cond3A_280 {
        %add3A_429 = arith.constant 3 : i32
        %add3A_430 = arith.addi %mul3A_139, %add3A_429 : i32
        %add3A_431 = arith.constant 8 : i32
        %add3A_432 = arith.addi %add3A_430, %add3A_431 : i32
        %mul3A_433 = arith.constant 256 : i32
        %mul3A_434 = arith.muli %add3A_432, %mul3A_433 : i32
        %dma_start3A_435 = arith.constant 0 : i32
        %dma_start3A_436 = arith.constant 0 : i32
        %dma_start3A_437 = tpu.memref_slice %arg10[%dma_start3A_435, %dma_start3A_436] : memref<200x32xf32, #tpu.memory_space<vmem>> -> memref<128x32xf32, #tpu.memory_space<vmem>>
        %dma_start3A_438 = tpu.memref_slice %arg6[%mul3A_434] : memref<32768xi32, #tpu.memory_space<vmem>> -> memref<128xi32, #tpu.memory_space<vmem>>
        %dma_start3A_439 = arith.constant 0 : i32
        %dma_start3A_440 = arith.constant 0 : i32
        %dma_start3A_441 = tpu.memref_slice %arg4[%dma_start3A_439, %dma_start3A_440] : memref<1048576x32xf32, #tpu.memory_space<hbm>> -> memref<1048576x32xf32, #tpu.memory_space<hbm>>
        tpu.enqueue_indirect_dma source(%dma_start3A_441 : memref<1048576x32xf32, #tpu.memory_space<hbm>>) target(%dma_start3A_437 : memref<128x32xf32, #tpu.memory_space<vmem>>) offsets(%dma_start3A_438 : memref<128xi32, #tpu.memory_space<vmem>>) semaphore(%arg20 : memref<!tpu.dma_semaphore, #tpu.memory_space<semaphore_mem>>)
        %add3A_442 = arith.constant 128 : i32
        %add3A_443 = arith.addi %mul3A_434, %add3A_442 : i32
        %dma_start3A_444 = arith.constant 128 : i32
        %dma_start3A_445 = arith.constant 0 : i32
        %dma_start3A_446 = tpu.memref_slice %arg10[%dma_start3A_444, %dma_start3A_445] : memref<200x32xf32, #tpu.memory_space<vmem>> -> memref<72x32xf32, #tpu.memory_space<vmem>>
        %dma_start3A_447 = tpu.memref_slice %arg6[%add3A_443] : memref<32768xi32, #tpu.memory_space<vmem>> -> memref<72xi32, #tpu.memory_space<vmem>>
        %dma_start3A_448 = arith.constant 0 : i32
        %dma_start3A_449 = arith.constant 0 : i32
        %dma_start3A_450 = tpu.memref_slice %arg4[%dma_start3A_448, %dma_start3A_449] : memref<1048576x32xf32, #tpu.memory_space<hbm>> -> memref<1048576x32xf32, #tpu.memory_space<hbm>>
        tpu.enqueue_indirect_dma source(%dma_start3A_450 : memref<1048576x32xf32, #tpu.memory_space<hbm>>) target(%dma_start3A_446 : memref<72x32xf32, #tpu.memory_space<vmem>>) offsets(%dma_start3A_447 : memref<72xi32, #tpu.memory_space<vmem>>) semaphore(%arg20 : memref<!tpu.dma_semaphore, #tpu.memory_space<semaphore_mem>>)
      } else {
      }
      %dma_wait3A_281 = arith.constant 0 : i32
      %dma_wait3A_282 = arith.constant 0 : i32
      %dma_wait3A_283 = tpu.memref_slice %arg4[%dma_wait3A_281, %dma_wait3A_282] : memref<1048576x32xf32, #tpu.memory_space<hbm>> -> memref<200x32xf32, #tpu.memory_space<hbm>>
      %dma_wait3A_284 = arith.constant 0 : i32
      %dma_wait3A_285 = arith.constant 0 : i32
      %dma_wait3A_286 = tpu.memref_slice %arg4[%dma_wait3A_284, %dma_wait3A_285] : memref<1048576x32xf32, #tpu.memory_space<hbm>> -> memref<200x32xf32, #tpu.memory_space<hbm>>
      tpu.wait_dma2 semaphore(%arg21 : memref<!tpu.dma_semaphore, #tpu.memory_space<semaphore_mem>>) src(%dma_wait3A_286 : memref<200x32xf32, #tpu.memory_space<hbm>>) dst(%arg11 : memref<200x32xf32, #tpu.memory_space<vmem>>)
      %add3A_287 = arith.constant 4 : i32
      %add3A_288 = arith.addi %mul3A_139, %add3A_287 : i32
      %broadcast_in_dim3A_289 = arith.constant 0.000000e+00 : f32
      %broadcast_in_dim3A_290 = vector.broadcast %broadcast_in_dim3A_289 : f32 to vector<16xf32>
      %broadcast_in_dim3A_291 = arith.constant 0.000000e+00 : f32
      %broadcast_in_dim3A_292 = vector.broadcast %broadcast_in_dim3A_291 : f32 to vector<16xf32>
      %scan3A_293 = arith.constant 0 : i32
      %scan3A_294 = arith.constant 200 : i32
      %scan3A_295 = arith.addi %scan3A_293, %scan3A_294 : i32
      %scan3A_296 = arith.constant 8 : i32
      %scan3A_297:2 = scf.for %scan3A_429 = %scan3A_293 to %scan3A_295 step %scan3A_296 iter_args(%scan3A_430 = %broadcast_in_dim3A_290, %scan3A_431 = %broadcast_in_dim3A_292) -> (vector<16xf32>, vector<16xf32>)  : i32 {
        %get3A = arith.index_cast %scan3A_429 : i32 to index
        %get3A_432 = arith.constant 0 : index
        %get3A_433 = tpu.vector_load %arg11[%get3A, %get3A_432] {strides = array<i32>} : memref<200x32xf32, #tpu.memory_space<vmem>>, vector<16xf32>,
        %add3A_434 = arith.addf %scan3A_430, %get3A_433 : vector<16xf32>
        %get3A_435 = arith.index_cast %scan3A_429 : i32 to index
        %get3A_436 = arith.constant 16 : index
        %get3A_437 = tpu.vector_load %arg11[%get3A_435, %get3A_436] {strides = array<i32>} : memref<200x32xf32, #tpu.memory_space<vmem>>, vector<16xf32>,
        %add3A_438 = arith.addf %scan3A_431, %get3A_437 : vector<16xf32>
        %scan3A_439 = arith.constant 1 : i32
        %scan3A_440 = arith.addi %scan3A_429, %scan3A_439 : i32
        %get3A_441 = arith.index_cast %scan3A_440 : i32 to index
        %get3A_442 = arith.constant 0 : index
        %get3A_443 = tpu.vector_load %arg11[%get3A_441, %get3A_442] {strides = array<i32>} : memref<200x32xf32, #tpu.memory_space<vmem>>, vector<16xf32>,
        %add3A_444 = arith.addf %add3A_434, %get3A_443 : vector<16xf32>
        %get3A_445 = arith.index_cast %scan3A_440 : i32 to index
        %get3A_446 = arith.constant 16 : index
        %get3A_447 = tpu.vector_load %arg11[%get3A_445, %get3A_446] {strides = array<i32>} : memref<200x32xf32, #tpu.memory_space<vmem>>, vector<16xf32>,
        %add3A_448 = arith.addf %add3A_438, %get3A_447 : vector<16xf32>
        %scan3A_449 = arith.constant 2 : i32
        %scan3A_450 = arith.addi %scan3A_429, %scan3A_449 : i32
        %get3A_451 = arith.index_cast %scan3A_450 : i32 to index
        %get3A_452 = arith.constant 0 : index
        %get3A_453 = tpu.vector_load %arg11[%get3A_451, %get3A_452] {strides = array<i32>} : memref<200x32xf32, #tpu.memory_space<vmem>>, vector<16xf32>,
        %add3A_454 = arith.addf %add3A_444, %get3A_453 : vector<16xf32>
        %get3A_455 = arith.index_cast %scan3A_450 : i32 to index
        %get3A_456 = arith.constant 16 : index
        %get3A_457 = tpu.vector_load %arg11[%get3A_455, %get3A_456] {strides = array<i32>} : memref<200x32xf32, #tpu.memory_space<vmem>>, vector<16xf32>,
        %add3A_458 = arith.addf %add3A_448, %get3A_457 : vector<16xf32>
        %scan3A_459 = arith.constant 3 : i32
        %scan3A_460 = arith.addi %scan3A_429, %scan3A_459 : i32
        %get3A_461 = arith.index_cast %scan3A_460 : i32 to index
        %get3A_462 = arith.constant 0 : index
        %get3A_463 = tpu.vector_load %arg11[%get3A_461, %get3A_462] {strides = array<i32>} : memref<200x32xf32, #tpu.memory_space<vmem>>, vector<16xf32>,
        %add3A_464 = arith.addf %add3A_454, %get3A_463 : vector<16xf32>
        %get3A_465 = arith.index_cast %scan3A_460 : i32 to index
        %get3A_466 = arith.constant 16 : index
        %get3A_467 = tpu.vector_load %arg11[%get3A_465, %get3A_466] {strides = array<i32>} : memref<200x32xf32, #tpu.memory_space<vmem>>, vector<16xf32>,
        %add3A_468 = arith.addf %add3A_458, %get3A_467 : vector<16xf32>
        %scan3A_469 = arith.constant 4 : i32
        %scan3A_470 = arith.addi %scan3A_429, %scan3A_469 : i32
        %get3A_471 = arith.index_cast %scan3A_470 : i32 to index
        %get3A_472 = arith.constant 0 : index
        %get3A_473 = tpu.vector_load %arg11[%get3A_471, %get3A_472] {strides = array<i32>} : memref<200x32xf32, #tpu.memory_space<vmem>>, vector<16xf32>,
        %add3A_474 = arith.addf %add3A_464, %get3A_473 : vector<16xf32>
        %get3A_475 = arith.index_cast %scan3A_470 : i32 to index
        %get3A_476 = arith.constant 16 : index
        %get3A_477 = tpu.vector_load %arg11[%get3A_475, %get3A_476] {strides = array<i32>} : memref<200x32xf32, #tpu.memory_space<vmem>>, vector<16xf32>,
        %add3A_478 = arith.addf %add3A_468, %get3A_477 : vector<16xf32>
        %scan3A_479 = arith.constant 5 : i32
        %scan3A_480 = arith.addi %scan3A_429, %scan3A_479 : i32
        %get3A_481 = arith.index_cast %scan3A_480 : i32 to index
        %get3A_482 = arith.constant 0 : index
        %get3A_483 = tpu.vector_load %arg11[%get3A_481, %get3A_482] {strides = array<i32>} : memref<200x32xf32, #tpu.memory_space<vmem>>, vector<16xf32>,
        %add3A_484 = arith.addf %add3A_474, %get3A_483 : vector<16xf32>
        %get3A_485 = arith.index_cast %scan3A_480 : i32 to index
        %get3A_486 = arith.constant 16 : index
        %get3A_487 = tpu.vector_load %arg11[%get3A_485, %get3A_486] {strides = array<i32>} : memref<200x32xf32, #tpu.memory_space<vmem>>, vector<16xf32>,
        %add3A_488 = arith.addf %add3A_478, %get3A_487 : vector<16xf32>
        %scan3A_489 = arith.constant 6 : i32
        %scan3A_490 = arith.addi %scan3A_429, %scan3A_489 : i32
        %get3A_491 = arith.index_cast %scan3A_490 : i32 to index
        %get3A_492 = arith.constant 0 : index
        %get3A_493 = tpu.vector_load %arg11[%get3A_491, %get3A_492] {strides = array<i32>} : memref<200x32xf32, #tpu.memory_space<vmem>>, vector<16xf32>,
        %add3A_494 = arith.addf %add3A_484, %get3A_493 : vector<16xf32>
        %get3A_495 = arith.index_cast %scan3A_490 : i32 to index
        %get3A_496 = arith.constant 16 : index
        %get3A_497 = tpu.vector_load %arg11[%get3A_495, %get3A_496] {strides = array<i32>} : memref<200x32xf32, #tpu.memory_space<vmem>>, vector<16xf32>,
        %add3A_498 = arith.addf %add3A_488, %get3A_497 : vector<16xf32>
        %scan3A_499 = arith.constant 7 : i32
        %scan3A_500 = arith.addi %scan3A_429, %scan3A_499 : i32
        %get3A_501 = arith.index_cast %scan3A_500 : i32 to index
        %get3A_502 = arith.constant 0 : index
        %get3A_503 = tpu.vector_load %arg11[%get3A_501, %get3A_502] {strides = array<i32>} : memref<200x32xf32, #tpu.memory_space<vmem>>, vector<16xf32>,
        %add3A_504 = arith.addf %add3A_494, %get3A_503 : vector<16xf32>
        %get3A_505 = arith.index_cast %scan3A_500 : i32 to index
        %get3A_506 = arith.constant 16 : index
        %get3A_507 = tpu.vector_load %arg11[%get3A_505, %get3A_506] {strides = array<i32>} : memref<200x32xf32, #tpu.memory_space<vmem>>, vector<16xf32>,
        %add3A_508 = arith.addf %add3A_498, %get3A_507 : vector<16xf32>
        scf.yield %add3A_504, %add3A_508 : vector<16xf32>, vector<16xf32>
      }
      %scan3A_298 = arith.constant 200 : i32
      %broadcast_in_dim3A_299 = vector.broadcast %add3A_288 : i32 to vector<16xi32>
      %gather3A_300 = tpu.vector_load_idx %arg16[%broadcast_in_dim3A_299] : memref<128xf32, #tpu.memory_space<vmem>>[vector<16xi32>], vector<16xf32>,
      %mul3A_301 = arith.mulf %scan3A_297#0, %gather3A_300 : vector<16xf32>
      %swap3A_302 = arith.index_cast %add3A_288 : i32 to index
      %swap3A_303 = arith.constant 0 : index
      %swap3A_304 = tpu.vector_load %arg15[%swap3A_302, %swap3A_303] {strides = array<i32>} : memref<128x32xf32, #tpu.memory_space<vmem>>, vector<16xf32>,
      tpu.vector_store %arg15[%swap3A_302, %swap3A_303], %mul3A_301 {strides = array<i32>} : memref<128x32xf32, #tpu.memory_space<vmem>>, vector<16xf32>,
      %mul3A_305 = arith.mulf %scan3A_297#1, %gather3A_300 : vector<16xf32>
      %swap3A_306 = arith.index_cast %add3A_288 : i32 to index
      %swap3A_307 = arith.constant 16 : index
      %swap3A_308 = tpu.vector_load %arg15[%swap3A_306, %swap3A_307] {strides = array<i32>} : memref<128x32xf32, #tpu.memory_space<vmem>>, vector<16xf32>,
      tpu.vector_store %arg15[%swap3A_306, %swap3A_307], %mul3A_305 {strides = array<i32>} : memref<128x32xf32, #tpu.memory_space<vmem>>, vector<16xf32>,
      %add3A_309 = arith.constant 4 : i32
      %add3A_310 = arith.addi %mul3A_139, %add3A_309 : i32
      %add3A_311 = arith.constant 8 : i32
      %add3A_312 = arith.addi %add3A_310, %add3A_311 : i32
      %lt3A_313 = arith.constant 128 : i32
      %lt3A_314 = arith.cmpi slt, %add3A_312, %lt3A_313 : i32
      %convert_element_type3A_315 = arith.extui %lt3A_314 : i1 to i32
      %cond3A_316 = arith.constant 0 : i32
      %cond3A_317 = arith.cmpi ne, %convert_element_type3A_315, %cond3A_316 : i32
      scf.if %cond3A_317 {
        %add3A_429 = arith.constant 4 : i32
        %add3A_430 = arith.addi %mul3A_139, %add3A_429 : i32
        %add3A_431 = arith.constant 8 : i32
        %add3A_432 = arith.addi %add3A_430, %add3A_431 : i32
        %mul3A_433 = arith.constant 256 : i32
        %mul3A_434 = arith.muli %add3A_432, %mul3A_433 : i32
        %dma_start3A_435 = arith.constant 0 : i32
        %dma_start3A_436 = arith.constant 0 : i32
        %dma_start3A_437 = tpu.memref_slice %arg11[%dma_start3A_435, %dma_start3A_436] : memref<200x32xf32, #tpu.memory_space<vmem>> -> memref<128x32xf32, #tpu.memory_space<vmem>>
        %dma_start3A_438 = tpu.memref_slice %arg6[%mul3A_434] : memref<32768xi32, #tpu.memory_space<vmem>> -> memref<128xi32, #tpu.memory_space<vmem>>
        %dma_start3A_439 = arith.constant 0 : i32
        %dma_start3A_440 = arith.constant 0 : i32
        %dma_start3A_441 = tpu.memref_slice %arg4[%dma_start3A_439, %dma_start3A_440] : memref<1048576x32xf32, #tpu.memory_space<hbm>> -> memref<1048576x32xf32, #tpu.memory_space<hbm>>
        tpu.enqueue_indirect_dma source(%dma_start3A_441 : memref<1048576x32xf32, #tpu.memory_space<hbm>>) target(%dma_start3A_437 : memref<128x32xf32, #tpu.memory_space<vmem>>) offsets(%dma_start3A_438 : memref<128xi32, #tpu.memory_space<vmem>>) semaphore(%arg21 : memref<!tpu.dma_semaphore, #tpu.memory_space<semaphore_mem>>)
        %add3A_442 = arith.constant 128 : i32
        %add3A_443 = arith.addi %mul3A_434, %add3A_442 : i32
        %dma_start3A_444 = arith.constant 128 : i32
        %dma_start3A_445 = arith.constant 0 : i32
        %dma_start3A_446 = tpu.memref_slice %arg11[%dma_start3A_444, %dma_start3A_445] : memref<200x32xf32, #tpu.memory_space<vmem>> -> memref<72x32xf32, #tpu.memory_space<vmem>>
        %dma_start3A_447 = tpu.memref_slice %arg6[%add3A_443] : memref<32768xi32, #tpu.memory_space<vmem>> -> memref<72xi32, #tpu.memory_space<vmem>>
        %dma_start3A_448 = arith.constant 0 : i32
        %dma_start3A_449 = arith.constant 0 : i32
        %dma_start3A_450 = tpu.memref_slice %arg4[%dma_start3A_448, %dma_start3A_449] : memref<1048576x32xf32, #tpu.memory_space<hbm>> -> memref<1048576x32xf32, #tpu.memory_space<hbm>>
        tpu.enqueue_indirect_dma source(%dma_start3A_450 : memref<1048576x32xf32, #tpu.memory_space<hbm>>) target(%dma_start3A_446 : memref<72x32xf32, #tpu.memory_space<vmem>>) offsets(%dma_start3A_447 : memref<72xi32, #tpu.memory_space<vmem>>) semaphore(%arg21 : memref<!tpu.dma_semaphore, #tpu.memory_space<semaphore_mem>>)
      } else {
      }
      %dma_wait3A_318 = arith.constant 0 : i32
      %dma_wait3A_319 = arith.constant 0 : i32
      %dma_wait3A_320 = tpu.memref_slice %arg4[%dma_wait3A_318, %dma_wait3A_319] : memref<1048576x32xf32, #tpu.memory_space<hbm>> -> memref<200x32xf32, #tpu.memory_space<hbm>>
      %dma_wait3A_321 = arith.constant 0 : i32
      %dma_wait3A_322 = arith.constant 0 : i32
      %dma_wait3A_323 = tpu.memref_slice %arg4[%dma_wait3A_321, %dma_wait3A_322] : memref<1048576x32xf32, #tpu.memory_space<hbm>> -> memref<200x32xf32, #tpu.memory_space<hbm>>
      tpu.wait_dma2 semaphore(%arg22 : memref<!tpu.dma_semaphore, #tpu.memory_space<semaphore_mem>>) src(%dma_wait3A_323 : memref<200x32xf32, #tpu.memory_space<hbm>>) dst(%arg12 : memref<200x32xf32, #tpu.memory_space<vmem>>)
      %add3A_324 = arith.constant 5 : i32
      %add3A_325 = arith.addi %mul3A_139, %add3A_324 : i32
      %broadcast_in_dim3A_326 = arith.constant 0.000000e+00 : f32
      %broadcast_in_dim3A_327 = vector.broadcast %broadcast_in_dim3A_326 : f32 to vector<16xf32>
      %broadcast_in_dim3A_328 = arith.constant 0.000000e+00 : f32
      %broadcast_in_dim3A_329 = vector.broadcast %broadcast_in_dim3A_328 : f32 to vector<16xf32>
      %scan3A_330 = arith.constant 0 : i32
      %scan3A_331 = arith.constant 200 : i32
      %scan3A_332 = arith.addi %scan3A_330, %scan3A_331 : i32
      %scan3A_333 = arith.constant 8 : i32
      %scan3A_334:2 = scf.for %scan3A_429 = %scan3A_330 to %scan3A_332 step %scan3A_333 iter_args(%scan3A_430 = %broadcast_in_dim3A_327, %scan3A_431 = %broadcast_in_dim3A_329) -> (vector<16xf32>, vector<16xf32>)  : i32 {
        %get3A = arith.index_cast %scan3A_429 : i32 to index
        %get3A_432 = arith.constant 0 : index
        %get3A_433 = tpu.vector_load %arg12[%get3A, %get3A_432] {strides = array<i32>} : memref<200x32xf32, #tpu.memory_space<vmem>>, vector<16xf32>,
        %add3A_434 = arith.addf %scan3A_430, %get3A_433 : vector<16xf32>
        %get3A_435 = arith.index_cast %scan3A_429 : i32 to index
        %get3A_436 = arith.constant 16 : index
        %get3A_437 = tpu.vector_load %arg12[%get3A_435, %get3A_436] {strides = array<i32>} : memref<200x32xf32, #tpu.memory_space<vmem>>, vector<16xf32>,
        %add3A_438 = arith.addf %scan3A_431, %get3A_437 : vector<16xf32>
        %scan3A_439 = arith.constant 1 : i32
        %scan3A_440 = arith.addi %scan3A_429, %scan3A_439 : i32
        %get3A_441 = arith.index_cast %scan3A_440 : i32 to index
        %get3A_442 = arith.constant 0 : index
        %get3A_443 = tpu.vector_load %arg12[%get3A_441, %get3A_442] {strides = array<i32>} : memref<200x32xf32, #tpu.memory_space<vmem>>, vector<16xf32>,
        %add3A_444 = arith.addf %add3A_434, %get3A_443 : vector<16xf32>
        %get3A_445 = arith.index_cast %scan3A_440 : i32 to index
        %get3A_446 = arith.constant 16 : index
        %get3A_447 = tpu.vector_load %arg12[%get3A_445, %get3A_446] {strides = array<i32>} : memref<200x32xf32, #tpu.memory_space<vmem>>, vector<16xf32>,
        %add3A_448 = arith.addf %add3A_438, %get3A_447 : vector<16xf32>
        %scan3A_449 = arith.constant 2 : i32
        %scan3A_450 = arith.addi %scan3A_429, %scan3A_449 : i32
        %get3A_451 = arith.index_cast %scan3A_450 : i32 to index
        %get3A_452 = arith.constant 0 : index
        %get3A_453 = tpu.vector_load %arg12[%get3A_451, %get3A_452] {strides = array<i32>} : memref<200x32xf32, #tpu.memory_space<vmem>>, vector<16xf32>,
        %add3A_454 = arith.addf %add3A_444, %get3A_453 : vector<16xf32>
        %get3A_455 = arith.index_cast %scan3A_450 : i32 to index
        %get3A_456 = arith.constant 16 : index
        %get3A_457 = tpu.vector_load %arg12[%get3A_455, %get3A_456] {strides = array<i32>} : memref<200x32xf32, #tpu.memory_space<vmem>>, vector<16xf32>,
        %add3A_458 = arith.addf %add3A_448, %get3A_457 : vector<16xf32>
        %scan3A_459 = arith.constant 3 : i32
        %scan3A_460 = arith.addi %scan3A_429, %scan3A_459 : i32
        %get3A_461 = arith.index_cast %scan3A_460 : i32 to index
        %get3A_462 = arith.constant 0 : index
        %get3A_463 = tpu.vector_load %arg12[%get3A_461, %get3A_462] {strides = array<i32>} : memref<200x32xf32, #tpu.memory_space<vmem>>, vector<16xf32>,
        %add3A_464 = arith.addf %add3A_454, %get3A_463 : vector<16xf32>
        %get3A_465 = arith.index_cast %scan3A_460 : i32 to index
        %get3A_466 = arith.constant 16 : index
        %get3A_467 = tpu.vector_load %arg12[%get3A_465, %get3A_466] {strides = array<i32>} : memref<200x32xf32, #tpu.memory_space<vmem>>, vector<16xf32>,
        %add3A_468 = arith.addf %add3A_458, %get3A_467 : vector<16xf32>
        %scan3A_469 = arith.constant 4 : i32
        %scan3A_470 = arith.addi %scan3A_429, %scan3A_469 : i32
        %get3A_471 = arith.index_cast %scan3A_470 : i32 to index
        %get3A_472 = arith.constant 0 : index
        %get3A_473 = tpu.vector_load %arg12[%get3A_471, %get3A_472] {strides = array<i32>} : memref<200x32xf32, #tpu.memory_space<vmem>>, vector<16xf32>,
        %add3A_474 = arith.addf %add3A_464, %get3A_473 : vector<16xf32>
        %get3A_475 = arith.index_cast %scan3A_470 : i32 to index
        %get3A_476 = arith.constant 16 : index
        %get3A_477 = tpu.vector_load %arg12[%get3A_475, %get3A_476] {strides = array<i32>} : memref<200x32xf32, #tpu.memory_space<vmem>>, vector<16xf32>,
        %add3A_478 = arith.addf %add3A_468, %get3A_477 : vector<16xf32>
        %scan3A_479 = arith.constant 5 : i32
        %scan3A_480 = arith.addi %scan3A_429, %scan3A_479 : i32
        %get3A_481 = arith.index_cast %scan3A_480 : i32 to index
        %get3A_482 = arith.constant 0 : index
        %get3A_483 = tpu.vector_load %arg12[%get3A_481, %get3A_482] {strides = array<i32>} : memref<200x32xf32, #tpu.memory_space<vmem>>, vector<16xf32>,
        %add3A_484 = arith.addf %add3A_474, %get3A_483 : vector<16xf32>
        %get3A_485 = arith.index_cast %scan3A_480 : i32 to index
        %get3A_486 = arith.constant 16 : index
        %get3A_487 = tpu.vector_load %arg12[%get3A_485, %get3A_486] {strides = array<i32>} : memref<200x32xf32, #tpu.memory_space<vmem>>, vector<16xf32>,
        %add3A_488 = arith.addf %add3A_478, %get3A_487 : vector<16xf32>
        %scan3A_489 = arith.constant 6 : i32
        %scan3A_490 = arith.addi %scan3A_429, %scan3A_489 : i32
        %get3A_491 = arith.index_cast %scan3A_490 : i32 to index
        %get3A_492 = arith.constant 0 : index
        %get3A_493 = tpu.vector_load %arg12[%get3A_491, %get3A_492] {strides = array<i32>} : memref<200x32xf32, #tpu.memory_space<vmem>>, vector<16xf32>,
        %add3A_494 = arith.addf %add3A_484, %get3A_493 : vector<16xf32>
        %get3A_495 = arith.index_cast %scan3A_490 : i32 to index
        %get3A_496 = arith.constant 16 : index
        %get3A_497 = tpu.vector_load %arg12[%get3A_495, %get3A_496] {strides = array<i32>} : memref<200x32xf32, #tpu.memory_space<vmem>>, vector<16xf32>,
        %add3A_498 = arith.addf %add3A_488, %get3A_497 : vector<16xf32>
        %scan3A_499 = arith.constant 7 : i32
        %scan3A_500 = arith.addi %scan3A_429, %scan3A_499 : i32
        %get3A_501 = arith.index_cast %scan3A_500 : i32 to index
        %get3A_502 = arith.constant 0 : index
        %get3A_503 = tpu.vector_load %arg12[%get3A_501, %get3A_502] {strides = array<i32>} : memref<200x32xf32, #tpu.memory_space<vmem>>, vector<16xf32>,
        %add3A_504 = arith.addf %add3A_494, %get3A_503 : vector<16xf32>
        %get3A_505 = arith.index_cast %scan3A_500 : i32 to index
        %get3A_506 = arith.constant 16 : index
        %get3A_507 = tpu.vector_load %arg12[%get3A_505, %get3A_506] {strides = array<i32>} : memref<200x32xf32, #tpu.memory_space<vmem>>, vector<16xf32>,
        %add3A_508 = arith.addf %add3A_498, %get3A_507 : vector<16xf32>
        scf.yield %add3A_504, %add3A_508 : vector<16xf32>, vector<16xf32>
      }
      %scan3A_335 = arith.constant 200 : i32
      %broadcast_in_dim3A_336 = vector.broadcast %add3A_325 : i32 to vector<16xi32>
      %gather3A_337 = tpu.vector_load_idx %arg16[%broadcast_in_dim3A_336] : memref<128xf32, #tpu.memory_space<vmem>>[vector<16xi32>], vector<16xf32>,
      %mul3A_338 = arith.mulf %scan3A_334#0, %gather3A_337 : vector<16xf32>
      %swap3A_339 = arith.index_cast %add3A_325 : i32 to index
      %swap3A_340 = arith.constant 0 : index
      %swap3A_341 = tpu.vector_load %arg15[%swap3A_339, %swap3A_340] {strides = array<i32>} : memref<128x32xf32, #tpu.memory_space<vmem>>, vector<16xf32>,
      tpu.vector_store %arg15[%swap3A_339, %swap3A_340], %mul3A_338 {strides = array<i32>} : memref<128x32xf32, #tpu.memory_space<vmem>>, vector<16xf32>,
      %mul3A_342 = arith.mulf %scan3A_334#1, %gather3A_337 : vector<16xf32>
      %swap3A_343 = arith.index_cast %add3A_325 : i32 to index
      %swap3A_344 = arith.constant 16 : index
      %swap3A_345 = tpu.vector_load %arg15[%swap3A_343, %swap3A_344] {strides = array<i32>} : memref<128x32xf32, #tpu.memory_space<vmem>>, vector<16xf32>,
      tpu.vector_store %arg15[%swap3A_343, %swap3A_344], %mul3A_342 {strides = array<i32>} : memref<128x32xf32, #tpu.memory_space<vmem>>, vector<16xf32>,
      %add3A_346 = arith.constant 5 : i32
      %add3A_347 = arith.addi %mul3A_139, %add3A_346 : i32
      %add3A_348 = arith.constant 8 : i32
      %add3A_349 = arith.addi %add3A_347, %add3A_348 : i32
      %lt3A_350 = arith.constant 128 : i32
      %lt3A_351 = arith.cmpi slt, %add3A_349, %lt3A_350 : i32
      %convert_element_type3A_352 = arith.extui %lt3A_351 : i1 to i32
      %cond3A_353 = arith.constant 0 : i32
      %cond3A_354 = arith.cmpi ne, %convert_element_type3A_352, %cond3A_353 : i32
      scf.if %cond3A_354 {
        %add3A_429 = arith.constant 5 : i32
        %add3A_430 = arith.addi %mul3A_139, %add3A_429 : i32
        %add3A_431 = arith.constant 8 : i32
        %add3A_432 = arith.addi %add3A_430, %add3A_431 : i32
        %mul3A_433 = arith.constant 256 : i32
        %mul3A_434 = arith.muli %add3A_432, %mul3A_433 : i32
        %dma_start3A_435 = arith.constant 0 : i32
        %dma_start3A_436 = arith.constant 0 : i32
        %dma_start3A_437 = tpu.memref_slice %arg12[%dma_start3A_435, %dma_start3A_436] : memref<200x32xf32, #tpu.memory_space<vmem>> -> memref<128x32xf32, #tpu.memory_space<vmem>>
        %dma_start3A_438 = tpu.memref_slice %arg6[%mul3A_434] : memref<32768xi32, #tpu.memory_space<vmem>> -> memref<128xi32, #tpu.memory_space<vmem>>
        %dma_start3A_439 = arith.constant 0 : i32
        %dma_start3A_440 = arith.constant 0 : i32
        %dma_start3A_441 = tpu.memref_slice %arg4[%dma_start3A_439, %dma_start3A_440] : memref<1048576x32xf32, #tpu.memory_space<hbm>> -> memref<1048576x32xf32, #tpu.memory_space<hbm>>
        tpu.enqueue_indirect_dma source(%dma_start3A_441 : memref<1048576x32xf32, #tpu.memory_space<hbm>>) target(%dma_start3A_437 : memref<128x32xf32, #tpu.memory_space<vmem>>) offsets(%dma_start3A_438 : memref<128xi32, #tpu.memory_space<vmem>>) semaphore(%arg22 : memref<!tpu.dma_semaphore, #tpu.memory_space<semaphore_mem>>)
        %add3A_442 = arith.constant 128 : i32
        %add3A_443 = arith.addi %mul3A_434, %add3A_442 : i32
        %dma_start3A_444 = arith.constant 128 : i32
        %dma_start3A_445 = arith.constant 0 : i32
        %dma_start3A_446 = tpu.memref_slice %arg12[%dma_start3A_444, %dma_start3A_445] : memref<200x32xf32, #tpu.memory_space<vmem>> -> memref<72x32xf32, #tpu.memory_space<vmem>>
        %dma_start3A_447 = tpu.memref_slice %arg6[%add3A_443] : memref<32768xi32, #tpu.memory_space<vmem>> -> memref<72xi32, #tpu.memory_space<vmem>>
        %dma_start3A_448 = arith.constant 0 : i32
        %dma_start3A_449 = arith.constant 0 : i32
        %dma_start3A_450 = tpu.memref_slice %arg4[%dma_start3A_448, %dma_start3A_449] : memref<1048576x32xf32, #tpu.memory_space<hbm>> -> memref<1048576x32xf32, #tpu.memory_space<hbm>>
        tpu.enqueue_indirect_dma source(%dma_start3A_450 : memref<1048576x32xf32, #tpu.memory_space<hbm>>) target(%dma_start3A_446 : memref<72x32xf32, #tpu.memory_space<vmem>>) offsets(%dma_start3A_447 : memref<72xi32, #tpu.memory_space<vmem>>) semaphore(%arg22 : memref<!tpu.dma_semaphore, #tpu.memory_space<semaphore_mem>>)
      } else {
      }
      %dma_wait3A_355 = arith.constant 0 : i32
      %dma_wait3A_356 = arith.constant 0 : i32
      %dma_wait3A_357 = tpu.memref_slice %arg4[%dma_wait3A_355, %dma_wait3A_356] : memref<1048576x32xf32, #tpu.memory_space<hbm>> -> memref<200x32xf32, #tpu.memory_space<hbm>>
      %dma_wait3A_358 = arith.constant 0 : i32
      %dma_wait3A_359 = arith.constant 0 : i32
      %dma_wait3A_360 = tpu.memref_slice %arg4[%dma_wait3A_358, %dma_wait3A_359] : memref<1048576x32xf32, #tpu.memory_space<hbm>> -> memref<200x32xf32, #tpu.memory_space<hbm>>
      tpu.wait_dma2 semaphore(%arg23 : memref<!tpu.dma_semaphore, #tpu.memory_space<semaphore_mem>>) src(%dma_wait3A_360 : memref<200x32xf32, #tpu.memory_space<hbm>>) dst(%arg13 : memref<200x32xf32, #tpu.memory_space<vmem>>)
      %add3A_361 = arith.constant 6 : i32
      %add3A_362 = arith.addi %mul3A_139, %add3A_361 : i32
      %broadcast_in_dim3A_363 = arith.constant 0.000000e+00 : f32
      %broadcast_in_dim3A_364 = vector.broadcast %broadcast_in_dim3A_363 : f32 to vector<16xf32>
      %broadcast_in_dim3A_365 = arith.constant 0.000000e+00 : f32
      %broadcast_in_dim3A_366 = vector.broadcast %broadcast_in_dim3A_365 : f32 to vector<16xf32>
      %scan3A_367 = arith.constant 0 : i32
      %scan3A_368 = arith.constant 200 : i32
      %scan3A_369 = arith.addi %scan3A_367, %scan3A_368 : i32
      %scan3A_370 = arith.constant 8 : i32
      %scan3A_371:2 = scf.for %scan3A_429 = %scan3A_367 to %scan3A_369 step %scan3A_370 iter_args(%scan3A_430 = %broadcast_in_dim3A_364, %scan3A_431 = %broadcast_in_dim3A_366) -> (vector<16xf32>, vector<16xf32>)  : i32 {
        %get3A = arith.index_cast %scan3A_429 : i32 to index
        %get3A_432 = arith.constant 0 : index
        %get3A_433 = tpu.vector_load %arg13[%get3A, %get3A_432] {strides = array<i32>} : memref<200x32xf32, #tpu.memory_space<vmem>>, vector<16xf32>,
        %add3A_434 = arith.addf %scan3A_430, %get3A_433 : vector<16xf32>
        %get3A_435 = arith.index_cast %scan3A_429 : i32 to index
        %get3A_436 = arith.constant 16 : index
        %get3A_437 = tpu.vector_load %arg13[%get3A_435, %get3A_436] {strides = array<i32>} : memref<200x32xf32, #tpu.memory_space<vmem>>, vector<16xf32>,
        %add3A_438 = arith.addf %scan3A_431, %get3A_437 : vector<16xf32>
        %scan3A_439 = arith.constant 1 : i32
        %scan3A_440 = arith.addi %scan3A_429, %scan3A_439 : i32
        %get3A_441 = arith.index_cast %scan3A_440 : i32 to index
        %get3A_442 = arith.constant 0 : index
        %get3A_443 = tpu.vector_load %arg13[%get3A_441, %get3A_442] {strides = array<i32>} : memref<200x32xf32, #tpu.memory_space<vmem>>, vector<16xf32>,
        %add3A_444 = arith.addf %add3A_434, %get3A_443 : vector<16xf32>
        %get3A_445 = arith.index_cast %scan3A_440 : i32 to index
        %get3A_446 = arith.constant 16 : index
        %get3A_447 = tpu.vector_load %arg13[%get3A_445, %get3A_446] {strides = array<i32>} : memref<200x32xf32, #tpu.memory_space<vmem>>, vector<16xf32>,
        %add3A_448 = arith.addf %add3A_438, %get3A_447 : vector<16xf32>
        %scan3A_449 = arith.constant 2 : i32
        %scan3A_450 = arith.addi %scan3A_429, %scan3A_449 : i32
        %get3A_451 = arith.index_cast %scan3A_450 : i32 to index
        %get3A_452 = arith.constant 0 : index
        %get3A_453 = tpu.vector_load %arg13[%get3A_451, %get3A_452] {strides = array<i32>} : memref<200x32xf32, #tpu.memory_space<vmem>>, vector<16xf32>,
        %add3A_454 = arith.addf %add3A_444, %get3A_453 : vector<16xf32>
        %get3A_455 = arith.index_cast %scan3A_450 : i32 to index
        %get3A_456 = arith.constant 16 : index
        %get3A_457 = tpu.vector_load %arg13[%get3A_455, %get3A_456] {strides = array<i32>} : memref<200x32xf32, #tpu.memory_space<vmem>>, vector<16xf32>,
        %add3A_458 = arith.addf %add3A_448, %get3A_457 : vector<16xf32>
        %scan3A_459 = arith.constant 3 : i32
        %scan3A_460 = arith.addi %scan3A_429, %scan3A_459 : i32
        %get3A_461 = arith.index_cast %scan3A_460 : i32 to index
        %get3A_462 = arith.constant 0 : index
        %get3A_463 = tpu.vector_load %arg13[%get3A_461, %get3A_462] {strides = array<i32>} : memref<200x32xf32, #tpu.memory_space<vmem>>, vector<16xf32>,
        %add3A_464 = arith.addf %add3A_454, %get3A_463 : vector<16xf32>
        %get3A_465 = arith.index_cast %scan3A_460 : i32 to index
        %get3A_466 = arith.constant 16 : index
        %get3A_467 = tpu.vector_load %arg13[%get3A_465, %get3A_466] {strides = array<i32>} : memref<200x32xf32, #tpu.memory_space<vmem>>, vector<16xf32>,
        %add3A_468 = arith.addf %add3A_458, %get3A_467 : vector<16xf32>
        %scan3A_469 = arith.constant 4 : i32
        %scan3A_470 = arith.addi %scan3A_429, %scan3A_469 : i32
        %get3A_471 = arith.index_cast %scan3A_470 : i32 to index
        %get3A_472 = arith.constant 0 : index
        %get3A_473 = tpu.vector_load %arg13[%get3A_471, %get3A_472] {strides = array<i32>} : memref<200x32xf32, #tpu.memory_space<vmem>>, vector<16xf32>,
        %add3A_474 = arith.addf %add3A_464, %get3A_473 : vector<16xf32>
        %get3A_475 = arith.index_cast %scan3A_470 : i32 to index
        %get3A_476 = arith.constant 16 : index
        %get3A_477 = tpu.vector_load %arg13[%get3A_475, %get3A_476] {strides = array<i32>} : memref<200x32xf32, #tpu.memory_space<vmem>>, vector<16xf32>,
        %add3A_478 = arith.addf %add3A_468, %get3A_477 : vector<16xf32>
        %scan3A_479 = arith.constant 5 : i32
        %scan3A_480 = arith.addi %scan3A_429, %scan3A_479 : i32
        %get3A_481 = arith.index_cast %scan3A_480 : i32 to index
        %get3A_482 = arith.constant 0 : index
        %get3A_483 = tpu.vector_load %arg13[%get3A_481, %get3A_482] {strides = array<i32>} : memref<200x32xf32, #tpu.memory_space<vmem>>, vector<16xf32>,
        %add3A_484 = arith.addf %add3A_474, %get3A_483 : vector<16xf32>
        %get3A_485 = arith.index_cast %scan3A_480 : i32 to index
        %get3A_486 = arith.constant 16 : index
        %get3A_487 = tpu.vector_load %arg13[%get3A_485, %get3A_486] {strides = array<i32>} : memref<200x32xf32, #tpu.memory_space<vmem>>, vector<16xf32>,
        %add3A_488 = arith.addf %add3A_478, %get3A_487 : vector<16xf32>
        %scan3A_489 = arith.constant 6 : i32
        %scan3A_490 = arith.addi %scan3A_429, %scan3A_489 : i32
        %get3A_491 = arith.index_cast %scan3A_490 : i32 to index
        %get3A_492 = arith.constant 0 : index
        %get3A_493 = tpu.vector_load %arg13[%get3A_491, %get3A_492] {strides = array<i32>} : memref<200x32xf32, #tpu.memory_space<vmem>>, vector<16xf32>,
        %add3A_494 = arith.addf %add3A_484, %get3A_493 : vector<16xf32>
        %get3A_495 = arith.index_cast %scan3A_490 : i32 to index
        %get3A_496 = arith.constant 16 : index
        %get3A_497 = tpu.vector_load %arg13[%get3A_495, %get3A_496] {strides = array<i32>} : memref<200x32xf32, #tpu.memory_space<vmem>>, vector<16xf32>,
        %add3A_498 = arith.addf %add3A_488, %get3A_497 : vector<16xf32>
        %scan3A_499 = arith.constant 7 : i32
        %scan3A_500 = arith.addi %scan3A_429, %scan3A_499 : i32
        %get3A_501 = arith.index_cast %scan3A_500 : i32 to index
        %get3A_502 = arith.constant 0 : index
        %get3A_503 = tpu.vector_load %arg13[%get3A_501, %get3A_502] {strides = array<i32>} : memref<200x32xf32, #tpu.memory_space<vmem>>, vector<16xf32>,
        %add3A_504 = arith.addf %add3A_494, %get3A_503 : vector<16xf32>
        %get3A_505 = arith.index_cast %scan3A_500 : i32 to index
        %get3A_506 = arith.constant 16 : index
        %get3A_507 = tpu.vector_load %arg13[%get3A_505, %get3A_506] {strides = array<i32>} : memref<200x32xf32, #tpu.memory_space<vmem>>, vector<16xf32>,
        %add3A_508 = arith.addf %add3A_498, %get3A_507 : vector<16xf32>
        scf.yield %add3A_504, %add3A_508 : vector<16xf32>, vector<16xf32>
      }
      %scan3A_372 = arith.constant 200 : i32
      %broadcast_in_dim3A_373 = vector.broadcast %add3A_362 : i32 to vector<16xi32>
      %gather3A_374 = tpu.vector_load_idx %arg16[%broadcast_in_dim3A_373] : memref<128xf32, #tpu.memory_space<vmem>>[vector<16xi32>], vector<16xf32>,
      %mul3A_375 = arith.mulf %scan3A_371#0, %gather3A_374 : vector<16xf32>
      %swap3A_376 = arith.index_cast %add3A_362 : i32 to index
      %swap3A_377 = arith.constant 0 : index
      %swap3A_378 = tpu.vector_load %arg15[%swap3A_376, %swap3A_377] {strides = array<i32>} : memref<128x32xf32, #tpu.memory_space<vmem>>, vector<16xf32>,
      tpu.vector_store %arg15[%swap3A_376, %swap3A_377], %mul3A_375 {strides = array<i32>} : memref<128x32xf32, #tpu.memory_space<vmem>>, vector<16xf32>,
      %mul3A_379 = arith.mulf %scan3A_371#1, %gather3A_374 : vector<16xf32>
      %swap3A_380 = arith.index_cast %add3A_362 : i32 to index
      %swap3A_381 = arith.constant 16 : index
      %swap3A_382 = tpu.vector_load %arg15[%swap3A_380, %swap3A_381] {strides = array<i32>} : memref<128x32xf32, #tpu.memory_space<vmem>>, vector<16xf32>,
      tpu.vector_store %arg15[%swap3A_380, %swap3A_381], %mul3A_379 {strides = array<i32>} : memref<128x32xf32, #tpu.memory_space<vmem>>, vector<16xf32>,
      %add3A_383 = arith.constant 6 : i32
      %add3A_384 = arith.addi %mul3A_139, %add3A_383 : i32
      %add3A_385 = arith.constant 8 : i32
      %add3A_386 = arith.addi %add3A_384, %add3A_385 : i32
      %lt3A_387 = arith.constant 128 : i32
      %lt3A_388 = arith.cmpi slt, %add3A_386, %lt3A_387 : i32
      %convert_element_type3A_389 = arith.extui %lt3A_388 : i1 to i32
      %cond3A_390 = arith.constant 0 : i32
      %cond3A_391 = arith.cmpi ne, %convert_element_type3A_389, %cond3A_390 : i32
      scf.if %cond3A_391 {
        %add3A_429 = arith.constant 6 : i32
        %add3A_430 = arith.addi %mul3A_139, %add3A_429 : i32
        %add3A_431 = arith.constant 8 : i32
        %add3A_432 = arith.addi %add3A_430, %add3A_431 : i32
        %mul3A_433 = arith.constant 256 : i32
        %mul3A_434 = arith.muli %add3A_432, %mul3A_433 : i32
        %dma_start3A_435 = arith.constant 0 : i32
        %dma_start3A_436 = arith.constant 0 : i32
        %dma_start3A_437 = tpu.memref_slice %arg13[%dma_start3A_435, %dma_start3A_436] : memref<200x32xf32, #tpu.memory_space<vmem>> -> memref<128x32xf32, #tpu.memory_space<vmem>>
        %dma_start3A_438 = tpu.memref_slice %arg6[%mul3A_434] : memref<32768xi32, #tpu.memory_space<vmem>> -> memref<128xi32, #tpu.memory_space<vmem>>
        %dma_start3A_439 = arith.constant 0 : i32
        %dma_start3A_440 = arith.constant 0 : i32
        %dma_start3A_441 = tpu.memref_slice %arg4[%dma_start3A_439, %dma_start3A_440] : memref<1048576x32xf32, #tpu.memory_space<hbm>> -> memref<1048576x32xf32, #tpu.memory_space<hbm>>
        tpu.enqueue_indirect_dma source(%dma_start3A_441 : memref<1048576x32xf32, #tpu.memory_space<hbm>>) target(%dma_start3A_437 : memref<128x32xf32, #tpu.memory_space<vmem>>) offsets(%dma_start3A_438 : memref<128xi32, #tpu.memory_space<vmem>>) semaphore(%arg23 : memref<!tpu.dma_semaphore, #tpu.memory_space<semaphore_mem>>)
        %add3A_442 = arith.constant 128 : i32
        %add3A_443 = arith.addi %mul3A_434, %add3A_442 : i32
        %dma_start3A_444 = arith.constant 128 : i32
        %dma_start3A_445 = arith.constant 0 : i32
        %dma_start3A_446 = tpu.memref_slice %arg13[%dma_start3A_444, %dma_start3A_445] : memref<200x32xf32, #tpu.memory_space<vmem>> -> memref<72x32xf32, #tpu.memory_space<vmem>>
        %dma_start3A_447 = tpu.memref_slice %arg6[%add3A_443] : memref<32768xi32, #tpu.memory_space<vmem>> -> memref<72xi32, #tpu.memory_space<vmem>>
        %dma_start3A_448 = arith.constant 0 : i32
        %dma_start3A_449 = arith.constant 0 : i32
        %dma_start3A_450 = tpu.memref_slice %arg4[%dma_start3A_448, %dma_start3A_449] : memref<1048576x32xf32, #tpu.memory_space<hbm>> -> memref<1048576x32xf32, #tpu.memory_space<hbm>>
        tpu.enqueue_indirect_dma source(%dma_start3A_450 : memref<1048576x32xf32, #tpu.memory_space<hbm>>) target(%dma_start3A_446 : memref<72x32xf32, #tpu.memory_space<vmem>>) offsets(%dma_start3A_447 : memref<72xi32, #tpu.memory_space<vmem>>) semaphore(%arg23 : memref<!tpu.dma_semaphore, #tpu.memory_space<semaphore_mem>>)
      } else {
      }
      %dma_wait3A_392 = arith.constant 0 : i32
      %dma_wait3A_393 = arith.constant 0 : i32
      %dma_wait3A_394 = tpu.memref_slice %arg4[%dma_wait3A_392, %dma_wait3A_393] : memref<1048576x32xf32, #tpu.memory_space<hbm>> -> memref<200x32xf32, #tpu.memory_space<hbm>>
      %dma_wait3A_395 = arith.constant 0 : i32
      %dma_wait3A_396 = arith.constant 0 : i32
      %dma_wait3A_397 = tpu.memref_slice %arg4[%dma_wait3A_395, %dma_wait3A_396] : memref<1048576x32xf32, #tpu.memory_space<hbm>> -> memref<200x32xf32, #tpu.memory_space<hbm>>
      tpu.wait_dma2 semaphore(%arg24 : memref<!tpu.dma_semaphore, #tpu.memory_space<semaphore_mem>>) src(%dma_wait3A_397 : memref<200x32xf32, #tpu.memory_space<hbm>>) dst(%arg14 : memref<200x32xf32, #tpu.memory_space<vmem>>)
      %add3A_398 = arith.constant 7 : i32
      %add3A_399 = arith.addi %mul3A_139, %add3A_398 : i32
      %broadcast_in_dim3A_400 = arith.constant 0.000000e+00 : f32
      %broadcast_in_dim3A_401 = vector.broadcast %broadcast_in_dim3A_400 : f32 to vector<16xf32>
      %broadcast_in_dim3A_402 = arith.constant 0.000000e+00 : f32
      %broadcast_in_dim3A_403 = vector.broadcast %broadcast_in_dim3A_402 : f32 to vector<16xf32>
      %scan3A_404 = arith.constant 0 : i32
      %scan3A_405 = arith.constant 200 : i32
      %scan3A_406 = arith.addi %scan3A_404, %scan3A_405 : i32
      %scan3A_407 = arith.constant 8 : i32
      %scan3A_408:2 = scf.for %scan3A_429 = %scan3A_404 to %scan3A_406 step %scan3A_407 iter_args(%scan3A_430 = %broadcast_in_dim3A_401, %scan3A_431 = %broadcast_in_dim3A_403) -> (vector<16xf32>, vector<16xf32>)  : i32 {
        %get3A = arith.index_cast %scan3A_429 : i32 to index
        %get3A_432 = arith.constant 0 : index
        %get3A_433 = tpu.vector_load %arg14[%get3A, %get3A_432] {strides = array<i32>} : memref<200x32xf32, #tpu.memory_space<vmem>>, vector<16xf32>,
        %add3A_434 = arith.addf %scan3A_430, %get3A_433 : vector<16xf32>
        %get3A_435 = arith.index_cast %scan3A_429 : i32 to index
        %get3A_436 = arith.constant 16 : index
        %get3A_437 = tpu.vector_load %arg14[%get3A_435, %get3A_436] {strides = array<i32>} : memref<200x32xf32, #tpu.memory_space<vmem>>, vector<16xf32>,
        %add3A_438 = arith.addf %scan3A_431, %get3A_437 : vector<16xf32>
        %scan3A_439 = arith.constant 1 : i32
        %scan3A_440 = arith.addi %scan3A_429, %scan3A_439 : i32
        %get3A_441 = arith.index_cast %scan3A_440 : i32 to index
        %get3A_442 = arith.constant 0 : index
        %get3A_443 = tpu.vector_load %arg14[%get3A_441, %get3A_442] {strides = array<i32>} : memref<200x32xf32, #tpu.memory_space<vmem>>, vector<16xf32>,
        %add3A_444 = arith.addf %add3A_434, %get3A_443 : vector<16xf32>
        %get3A_445 = arith.index_cast %scan3A_440 : i32 to index
        %get3A_446 = arith.constant 16 : index
        %get3A_447 = tpu.vector_load %arg14[%get3A_445, %get3A_446] {strides = array<i32>} : memref<200x32xf32, #tpu.memory_space<vmem>>, vector<16xf32>,
        %add3A_448 = arith.addf %add3A_438, %get3A_447 : vector<16xf32>
        %scan3A_449 = arith.constant 2 : i32
        %scan3A_450 = arith.addi %scan3A_429, %scan3A_449 : i32
        %get3A_451 = arith.index_cast %scan3A_450 : i32 to index
        %get3A_452 = arith.constant 0 : index
        %get3A_453 = tpu.vector_load %arg14[%get3A_451, %get3A_452] {strides = array<i32>} : memref<200x32xf32, #tpu.memory_space<vmem>>, vector<16xf32>,
        %add3A_454 = arith.addf %add3A_444, %get3A_453 : vector<16xf32>
        %get3A_455 = arith.index_cast %scan3A_450 : i32 to index
        %get3A_456 = arith.constant 16 : index
        %get3A_457 = tpu.vector_load %arg14[%get3A_455, %get3A_456] {strides = array<i32>} : memref<200x32xf32, #tpu.memory_space<vmem>>, vector<16xf32>,
        %add3A_458 = arith.addf %add3A_448, %get3A_457 : vector<16xf32>
        %scan3A_459 = arith.constant 3 : i32
        %scan3A_460 = arith.addi %scan3A_429, %scan3A_459 : i32
        %get3A_461 = arith.index_cast %scan3A_460 : i32 to index
        %get3A_462 = arith.constant 0 : index
        %get3A_463 = tpu.vector_load %arg14[%get3A_461, %get3A_462] {strides = array<i32>} : memref<200x32xf32, #tpu.memory_space<vmem>>, vector<16xf32>,
        %add3A_464 = arith.addf %add3A_454, %get3A_463 : vector<16xf32>
        %get3A_465 = arith.index_cast %scan3A_460 : i32 to index
        %get3A_466 = arith.constant 16 : index
        %get3A_467 = tpu.vector_load %arg14[%get3A_465, %get3A_466] {strides = array<i32>} : memref<200x32xf32, #tpu.memory_space<vmem>>, vector<16xf32>,
        %add3A_468 = arith.addf %add3A_458, %get3A_467 : vector<16xf32>
        %scan3A_469 = arith.constant 4 : i32
        %scan3A_470 = arith.addi %scan3A_429, %scan3A_469 : i32
        %get3A_471 = arith.index_cast %scan3A_470 : i32 to index
        %get3A_472 = arith.constant 0 : index
        %get3A_473 = tpu.vector_load %arg14[%get3A_471, %get3A_472] {strides = array<i32>} : memref<200x32xf32, #tpu.memory_space<vmem>>, vector<16xf32>,
        %add3A_474 = arith.addf %add3A_464, %get3A_473 : vector<16xf32>
        %get3A_475 = arith.index_cast %scan3A_470 : i32 to index
        %get3A_476 = arith.constant 16 : index
        %get3A_477 = tpu.vector_load %arg14[%get3A_475, %get3A_476] {strides = array<i32>} : memref<200x32xf32, #tpu.memory_space<vmem>>, vector<16xf32>,
        %add3A_478 = arith.addf %add3A_468, %get3A_477 : vector<16xf32>
        %scan3A_479 = arith.constant 5 : i32
        %scan3A_480 = arith.addi %scan3A_429, %scan3A_479 : i32
        %get3A_481 = arith.index_cast %scan3A_480 : i32 to index
        %get3A_482 = arith.constant 0 : index
        %get3A_483 = tpu.vector_load %arg14[%get3A_481, %get3A_482] {strides = array<i32>} : memref<200x32xf32, #tpu.memory_space<vmem>>, vector<16xf32>,
        %add3A_484 = arith.addf %add3A_474, %get3A_483 : vector<16xf32>
        %get3A_485 = arith.index_cast %scan3A_480 : i32 to index
        %get3A_486 = arith.constant 16 : index
        %get3A_487 = tpu.vector_load %arg14[%get3A_485, %get3A_486] {strides = array<i32>} : memref<200x32xf32, #tpu.memory_space<vmem>>, vector<16xf32>,
        %add3A_488 = arith.addf %add3A_478, %get3A_487 : vector<16xf32>
        %scan3A_489 = arith.constant 6 : i32
        %scan3A_490 = arith.addi %scan3A_429, %scan3A_489 : i32
        %get3A_491 = arith.index_cast %scan3A_490 : i32 to index
        %get3A_492 = arith.constant 0 : index
        %get3A_493 = tpu.vector_load %arg14[%get3A_491, %get3A_492] {strides = array<i32>} : memref<200x32xf32, #tpu.memory_space<vmem>>, vector<16xf32>,
        %add3A_494 = arith.addf %add3A_484, %get3A_493 : vector<16xf32>
        %get3A_495 = arith.index_cast %scan3A_490 : i32 to index
        %get3A_496 = arith.constant 16 : index
        %get3A_497 = tpu.vector_load %arg14[%get3A_495, %get3A_496] {strides = array<i32>} : memref<200x32xf32, #tpu.memory_space<vmem>>, vector<16xf32>,
        %add3A_498 = arith.addf %add3A_488, %get3A_497 : vector<16xf32>
        %scan3A_499 = arith.constant 7 : i32
        %scan3A_500 = arith.addi %scan3A_429, %scan3A_499 : i32
        %get3A_501 = arith.index_cast %scan3A_500 : i32 to index
        %get3A_502 = arith.constant 0 : index
        %get3A_503 = tpu.vector_load %arg14[%get3A_501, %get3A_502] {strides = array<i32>} : memref<200x32xf32, #tpu.memory_space<vmem>>, vector<16xf32>,
        %add3A_504 = arith.addf %add3A_494, %get3A_503 : vector<16xf32>
        %get3A_505 = arith.index_cast %scan3A_500 : i32 to index
        %get3A_506 = arith.constant 16 : index
        %get3A_507 = tpu.vector_load %arg14[%get3A_505, %get3A_506] {strides = array<i32>} : memref<200x32xf32, #tpu.memory_space<vmem>>, vector<16xf32>,
        %add3A_508 = arith.addf %add3A_498, %get3A_507 : vector<16xf32>
        scf.yield %add3A_504, %add3A_508 : vector<16xf32>, vector<16xf32>
      }
      %scan3A_409 = arith.constant 200 : i32
      %broadcast_in_dim3A_410 = vector.broadcast %add3A_399 : i32 to vector<16xi32>
      %gather3A_411 = tpu.vector_load_idx %arg16[%broadcast_in_dim3A_410] : memref<128xf32, #tpu.memory_space<vmem>>[vector<16xi32>], vector<16xf32>,
      %mul3A_412 = arith.mulf %scan3A_408#0, %gather3A_411 : vector<16xf32>
      %swap3A_413 = arith.index_cast %add3A_399 : i32 to index
      %swap3A_414 = arith.constant 0 : index
      %swap3A_415 = tpu.vector_load %arg15[%swap3A_413, %swap3A_414] {strides = array<i32>} : memref<128x32xf32, #tpu.memory_space<vmem>>, vector<16xf32>,
      tpu.vector_store %arg15[%swap3A_413, %swap3A_414], %mul3A_412 {strides = array<i32>} : memref<128x32xf32, #tpu.memory_space<vmem>>, vector<16xf32>,
      %mul3A_416 = arith.mulf %scan3A_408#1, %gather3A_411 : vector<16xf32>
      %swap3A_417 = arith.index_cast %add3A_399 : i32 to index
      %swap3A_418 = arith.constant 16 : index
      %swap3A_419 = tpu.vector_load %arg15[%swap3A_417, %swap3A_418] {strides = array<i32>} : memref<128x32xf32, #tpu.memory_space<vmem>>, vector<16xf32>,
      tpu.vector_store %arg15[%swap3A_417, %swap3A_418], %mul3A_416 {strides = array<i32>} : memref<128x32xf32, #tpu.memory_space<vmem>>, vector<16xf32>,
      %add3A_420 = arith.constant 7 : i32
      %add3A_421 = arith.addi %mul3A_139, %add3A_420 : i32
      %add3A_422 = arith.constant 8 : i32
      %add3A_423 = arith.addi %add3A_421, %add3A_422 : i32
      %lt3A_424 = arith.constant 128 : i32
      %lt3A_425 = arith.cmpi slt, %add3A_423, %lt3A_424 : i32
      %convert_element_type3A_426 = arith.extui %lt3A_425 : i1 to i32
      %cond3A_427 = arith.constant 0 : i32
      %cond3A_428 = arith.cmpi ne, %convert_element_type3A_426, %cond3A_427 : i32
      scf.if %cond3A_428 {
        %add3A_429 = arith.constant 7 : i32
        %add3A_430 = arith.addi %mul3A_139, %add3A_429 : i32
        %add3A_431 = arith.constant 8 : i32
        %add3A_432 = arith.addi %add3A_430, %add3A_431 : i32
        %mul3A_433 = arith.constant 256 : i32
        %mul3A_434 = arith.muli %add3A_432, %mul3A_433 : i32
        %dma_start3A_435 = arith.constant 0 : i32
        %dma_start3A_436 = arith.constant 0 : i32
        %dma_start3A_437 = tpu.memref_slice %arg14[%dma_start3A_435, %dma_start3A_436] : memref<200x32xf32, #tpu.memory_space<vmem>> -> memref<128x32xf32, #tpu.memory_space<vmem>>
        %dma_start3A_438 = tpu.memref_slice %arg6[%mul3A_434] : memref<32768xi32, #tpu.memory_space<vmem>> -> memref<128xi32, #tpu.memory_space<vmem>>
        %dma_start3A_439 = arith.constant 0 : i32
        %dma_start3A_440 = arith.constant 0 : i32
        %dma_start3A_441 = tpu.memref_slice %arg4[%dma_start3A_439, %dma_start3A_440] : memref<1048576x32xf32, #tpu.memory_space<hbm>> -> memref<1048576x32xf32, #tpu.memory_space<hbm>>
        tpu.enqueue_indirect_dma source(%dma_start3A_441 : memref<1048576x32xf32, #tpu.memory_space<hbm>>) target(%dma_start3A_437 : memref<128x32xf32, #tpu.memory_space<vmem>>) offsets(%dma_start3A_438 : memref<128xi32, #tpu.memory_space<vmem>>) semaphore(%arg24 : memref<!tpu.dma_semaphore, #tpu.memory_space<semaphore_mem>>)
        %add3A_442 = arith.constant 128 : i32
        %add3A_443 = arith.addi %mul3A_434, %add3A_442 : i32
        %dma_start3A_444 = arith.constant 128 : i32
        %dma_start3A_445 = arith.constant 0 : i32
        %dma_start3A_446 = tpu.memref_slice %arg14[%dma_start3A_444, %dma_start3A_445] : memref<200x32xf32, #tpu.memory_space<vmem>> -> memref<72x32xf32, #tpu.memory_space<vmem>>
        %dma_start3A_447 = tpu.memref_slice %arg6[%add3A_443] : memref<32768xi32, #tpu.memory_space<vmem>> -> memref<72xi32, #tpu.memory_space<vmem>>
        %dma_start3A_448 = arith.constant 0 : i32
        %dma_start3A_449 = arith.constant 0 : i32
        %dma_start3A_450 = tpu.memref_slice %arg4[%dma_start3A_448, %dma_start3A_449] : memref<1048576x32xf32, #tpu.memory_space<hbm>> -> memref<1048576x32xf32, #tpu.memory_space<hbm>>
        tpu.enqueue_indirect_dma source(%dma_start3A_450 : memref<1048576x32xf32, #tpu.memory_space<hbm>>) target(%dma_start3A_446 : memref<72x32xf32, #tpu.memory_space<vmem>>) offsets(%dma_start3A_447 : memref<72xi32, #tpu.memory_space<vmem>>) semaphore(%arg24 : memref<!tpu.dma_semaphore, #tpu.memory_space<semaphore_mem>>)
      } else {
      }
    }
    %scan3A_136 = arith.constant 16 : i32
    "tpu.region"() ({
      %run_scoped3A = tpu.sem_alloc : memref<!tpu.dma_semaphore, #tpu.memory_space<semaphore_mem>>
      %dma_start3A_137 = arith.constant 0 : i32
      %dma_start3A_138 = tpu.memref_slice %arg5[%mul3A_2, %dma_start3A_137] : memref<4096x32xf32, #tpu.memory_space<hbm>> -> memref<128x32xf32, #tpu.memory_space<hbm>>
      %dma_start3A_139 = arith.constant 0 : i32
      %dma_start3A_140 = tpu.memref_slice %arg5[%mul3A_2, %dma_start3A_139] : memref<4096x32xf32, #tpu.memory_space<hbm>> -> memref<128x32xf32, #tpu.memory_space<hbm>>
      tpu.enqueue_dma source(%arg15 : memref<128x32xf32, #tpu.memory_space<vmem>>) target(%dma_start3A_140 : memref<128x32xf32, #tpu.memory_space<hbm>>) target_semaphore(%run_scoped3A : memref<!tpu.dma_semaphore, #tpu.memory_space<semaphore_mem>>)
      %dma_wait3A = arith.constant 0 : i32
      %dma_wait3A_141 = tpu.memref_slice %arg5[%mul3A_2, %dma_wait3A] : memref<4096x32xf32, #tpu.memory_space<hbm>> -> memref<128x32xf32, #tpu.memory_space<hbm>>
      %dma_wait3A_142 = arith.constant 0 : i32
      %dma_wait3A_143 = tpu.memref_slice %arg5[%mul3A_2, %dma_wait3A_142] : memref<4096x32xf32, #tpu.memory_space<hbm>> -> memref<128x32xf32, #tpu.memory_space<hbm>>
      tpu.wait_dma2 semaphore(%run_scoped3A : memref<!tpu.dma_semaphore, #tpu.memory_space<semaphore_mem>>) src(%arg15 : memref<128x32xf32, #tpu.memory_space<vmem>>) dst(%dma_wait3A_143 : memref<128x32xf32, #tpu.memory_space<hbm>>)
      tpu.yield
    }) : () -> ()
    return
  }
}

module attributes {stable_mosaic.version = 14 : i64} {
  func.func @body(%arg0: i32, %arg1: memref<200x512xi32, #tpu.memory_space<vmem>>, %arg2: memref<131072xi32, #tpu.memory_space<vmem>>, %arg3: memref<512xf32, #tpu.memory_space<vmem>>) attributes {dimension_semantics = [#tpu.dimension_semantics<arbitrary>], iteration_bounds = array<i64: 8>, scalar_prefetch = 0 : i64, scratch_operands = 0 : i64, tpu.core_type = #tpu.core_type<tc>, window_params = [{transform_indices = @transform_0, window_bounds = array<i64: 200, 512>}, {transform_indices = @transform_1, window_bounds = array<i64: 131072>}, {transform_indices = @transform_2, window_bounds = array<i64: 512>}]} {
    %get3A = arith.constant 0 : index
    %get3A_0 = arith.constant 0 : index
    %get3A_1 = vector.load %arg1[%get3A, %get3A_0] : memref<200x512xi32, #tpu.memory_space<vmem>>, vector<200x512xi32>
    %shift_right_arithmetic3A = arith.constant 11 : i32
    %shift_right_arithmetic3A_2 = vector.broadcast %shift_right_arithmetic3A : i32 to vector<200x512xi32>
    %shift_right_arithmetic3A_3 = arith.shrsi %get3A_1, %shift_right_arithmetic3A_2 : vector<200x512xi32>
    %and3A = arith.constant 2047 : i32
    %and3A_4 = vector.broadcast %and3A : i32 to vector<200x512xi32>
    %and3A_5 = arith.andi %get3A_1, %and3A_4 : vector<200x512xi32>
    %shift_right_arithmetic3A_6 = arith.constant 9 : i32
    %shift_right_arithmetic3A_7 = vector.broadcast %shift_right_arithmetic3A_6 : i32 to vector<200x512xi32>
    %shift_right_arithmetic3A_8 = arith.shrsi %and3A_5, %shift_right_arithmetic3A_7 : vector<200x512xi32>
    %and3A_9 = arith.constant 511 : i32
    %and3A_10 = vector.broadcast %and3A_9 : i32 to vector<200x512xi32>
    %and3A_11 = arith.andi %and3A_5, %and3A_10 : vector<200x512xi32>
    %shift_left3A = arith.constant 11 : i32
    %shift_left3A_12 = vector.broadcast %shift_left3A : i32 to vector<200x512xi32>
    %shift_left3A_13 = arith.shli %shift_right_arithmetic3A_3, %shift_left3A_12 : vector<200x512xi32>
    %shift_left3A_14 = arith.constant 2 : i32
    %shift_left3A_15 = vector.broadcast %shift_left3A_14 : i32 to vector<200x512xi32>
    %shift_left3A_16 = arith.shli %and3A_11, %shift_left3A_15 : vector<200x512xi32>
    %add3A = arith.addi %shift_left3A_13, %shift_left3A_16 : vector<200x512xi32>
    %add3A_17 = arith.addi %add3A, %shift_right_arithmetic3A_8 : vector<200x512xi32>
    %broadcast_in_dim3A = arith.constant 0 : i32
    %broadcast_in_dim3A_18 = vector.broadcast %broadcast_in_dim3A : i32 to vector<56x512xi32>
    %concatenate3A = tpu.concatenate %add3A_17, %broadcast_in_dim3A_18 in 0 : vector<200x512xi32>, vector<56x512xi32> -> vector<256x512xi32>
    %transpose3A = tpu.transpose %concatenate3A, [1, 0] : vector<256x512xi32> -> vector<512x256xi32>
    %reshape3A = vector.shape_cast %transpose3A : vector<512x256xi32> to vector<131072xi32>
    %swap3A = arith.constant 0 : index
    %swap3A_19 = vector.load %arg2[%swap3A] : memref<131072xi32, #tpu.memory_space<vmem>>, vector<131072xi32>
    tpu.vector_store %arg2[%swap3A], %reshape3A {strides = array<i32>} : memref<131072xi32, #tpu.memory_space<vmem>>, vector<131072xi32>,
    %ne3A = arith.constant 0 : i32
    %ne3A_20 = vector.broadcast %ne3A : i32 to vector<200x512xi32>
    %ne3A_21 = arith.cmpi ne, %add3A_17, %ne3A_20 : vector<200x512xi32>
    %convert_element_type3A = arith.extui %ne3A_21 : vector<200x512xi1> to vector<200x512xi32>
    %convert_element_type3A_22 = arith.sitofp %convert_element_type3A : vector<200x512xi32> to vector<200x512xf32>
    %reduce_sum3A = arith.constant dense<0.000000e+00> : vector<512xf32>
    %reduce_sum3A_23 = vector.multi_reduction <add>, %convert_element_type3A_22, %reduce_sum3A [0] : vector<200x512xf32> to vector<512xf32>
    %max3A = arith.constant 1.000000e+00 : f32
    %max3A_24 = vector.broadcast %max3A : f32 to vector<512xf32>
    %max3A_25 = arith.maximumf %reduce_sum3A_23, %max3A_24 : vector<512xf32>
    %div3A = arith.constant 1.000000e+00 : f32
    %div3A_26 = vector.broadcast %div3A : f32 to vector<512xf32>
    %div3A_27 = arith.divf %div3A_26, %max3A_25 : vector<512xf32>
    %swap3A_28 = arith.constant 0 : index
    %swap3A_29 = vector.load %arg3[%swap3A_28] : memref<512xf32, #tpu.memory_space<vmem>>, vector<512xf32>
    tpu.vector_store %arg3[%swap3A_28], %div3A_27 {strides = array<i32>} : memref<512xf32, #tpu.memory_space<vmem>>, vector<512xf32>,
    return
  }
  func.func @transform_0(%arg0: i32) -> (i32, i32) {
    %c0_i32 = arith.constant 0 : i32
    %c0_i32_0 = arith.constant 0 : i32
    return %c0_i32, %arg0 : i32, i32
  }
  func.func @transform_1(%arg0: i32) -> i32 {
    %c0_i32 = arith.constant 0 : i32
    return %arg0 : i32
  }
  func.func @transform_2(%arg0: i32) -> i32 {
    %c0_i32 = arith.constant 0 : i32
    return %arg0 : i32
  }
}

module attributes {stable_mosaic.version = 14 : i64} {
  func.func @body(%arg0: i32, %arg1: memref<32x65536xf32, #tpu.memory_space<vmem>>, %arg2: memref<2097152xf32, #tpu.memory_space<vmem>>) attributes {dimension_semantics = [#tpu.dimension_semantics<arbitrary>], iteration_bounds = array<i64: 16>, scalar_prefetch = 0 : i64, scratch_operands = 0 : i64, tpu.core_type = #tpu.core_type<tc>, window_params = [{transform_indices = @transform_0, window_bounds = array<i64: 32, 65536>}, {transform_indices = @transform_1, window_bounds = array<i64: 2097152>}]} {
    %get3A = arith.constant 0 : index
    %get3A_0 = arith.constant 0 : index
    %get3A_1 = vector.load %arg1[%get3A, %get3A_0] : memref<32x65536xf32, #tpu.memory_space<vmem>>, vector<32x2048xf32>
    %slice3A = vector.extract_strided_slice %get3A_1 {offsets = [0, 0], sizes = [32, 512], strides = [1, 1]} : vector<32x2048xf32> to vector<32x512xf32>
    %slice3A_2 = vector.extract_strided_slice %get3A_1 {offsets = [0, 512], sizes = [32, 512], strides = [1, 1]} : vector<32x2048xf32> to vector<32x512xf32>
    %slice3A_3 = vector.extract_strided_slice %get3A_1 {offsets = [0, 1024], sizes = [32, 512], strides = [1, 1]} : vector<32x2048xf32> to vector<32x512xf32>
    %slice3A_4 = vector.extract_strided_slice %get3A_1 {offsets = [0, 1536], sizes = [32, 512], strides = [1, 1]} : vector<32x2048xf32> to vector<32x512xf32>
    %concatenate3A = tpu.concatenate %slice3A, %slice3A_2, %slice3A_3, %slice3A_4 in 0 : vector<32x512xf32>, vector<32x512xf32>, vector<32x512xf32>, vector<32x512xf32> -> vector<128x512xf32>
    %transpose3A = tpu.transpose %concatenate3A, [1, 0] : vector<128x512xf32> -> vector<512x128xf32>
    %reshape3A = vector.shape_cast %transpose3A : vector<512x128xf32> to vector<65536xf32>
    %swap3A = arith.constant 0 : index
    %swap3A_5 = vector.load %arg2[%swap3A] : memref<2097152xf32, #tpu.memory_space<vmem>>, vector<65536xf32>
    tpu.vector_store %arg2[%swap3A], %reshape3A {strides = array<i32>} : memref<2097152xf32, #tpu.memory_space<vmem>>, vector<65536xf32>,
    %get3A_6 = arith.constant 0 : index
    %get3A_7 = arith.constant 2048 : index
    %get3A_8 = vector.load %arg1[%get3A_6, %get3A_7] : memref<32x65536xf32, #tpu.memory_space<vmem>>, vector<32x2048xf32>
    %slice3A_9 = vector.extract_strided_slice %get3A_8 {offsets = [0, 0], sizes = [32, 512], strides = [1, 1]} : vector<32x2048xf32> to vector<32x512xf32>
    %slice3A_10 = vector.extract_strided_slice %get3A_8 {offsets = [0, 512], sizes = [32, 512], strides = [1, 1]} : vector<32x2048xf32> to vector<32x512xf32>
    %slice3A_11 = vector.extract_strided_slice %get3A_8 {offsets = [0, 1024], sizes = [32, 512], strides = [1, 1]} : vector<32x2048xf32> to vector<32x512xf32>
    %slice3A_12 = vector.extract_strided_slice %get3A_8 {offsets = [0, 1536], sizes = [32, 512], strides = [1, 1]} : vector<32x2048xf32> to vector<32x512xf32>
    %concatenate3A_13 = tpu.concatenate %slice3A_9, %slice3A_10, %slice3A_11, %slice3A_12 in 0 : vector<32x512xf32>, vector<32x512xf32>, vector<32x512xf32>, vector<32x512xf32> -> vector<128x512xf32>
    %transpose3A_14 = tpu.transpose %concatenate3A_13, [1, 0] : vector<128x512xf32> -> vector<512x128xf32>
    %reshape3A_15 = vector.shape_cast %transpose3A_14 : vector<512x128xf32> to vector<65536xf32>
    %swap3A_16 = arith.constant 65536 : index
    %swap3A_17 = vector.load %arg2[%swap3A_16] : memref<2097152xf32, #tpu.memory_space<vmem>>, vector<65536xf32>
    tpu.vector_store %arg2[%swap3A_16], %reshape3A_15 {strides = array<i32>} : memref<2097152xf32, #tpu.memory_space<vmem>>, vector<65536xf32>,
    %get3A_18 = arith.constant 0 : index
    %get3A_19 = arith.constant 4096 : index
    %get3A_20 = vector.load %arg1[%get3A_18, %get3A_19] : memref<32x65536xf32, #tpu.memory_space<vmem>>, vector<32x2048xf32>
    %slice3A_21 = vector.extract_strided_slice %get3A_20 {offsets = [0, 0], sizes = [32, 512], strides = [1, 1]} : vector<32x2048xf32> to vector<32x512xf32>
    %slice3A_22 = vector.extract_strided_slice %get3A_20 {offsets = [0, 512], sizes = [32, 512], strides = [1, 1]} : vector<32x2048xf32> to vector<32x512xf32>
    %slice3A_23 = vector.extract_strided_slice %get3A_20 {offsets = [0, 1024], sizes = [32, 512], strides = [1, 1]} : vector<32x2048xf32> to vector<32x512xf32>
    %slice3A_24 = vector.extract_strided_slice %get3A_20 {offsets = [0, 1536], sizes = [32, 512], strides = [1, 1]} : vector<32x2048xf32> to vector<32x512xf32>
    %concatenate3A_25 = tpu.concatenate %slice3A_21, %slice3A_22, %slice3A_23, %slice3A_24 in 0 : vector<32x512xf32>, vector<32x512xf32>, vector<32x512xf32>, vector<32x512xf32> -> vector<128x512xf32>
    %transpose3A_26 = tpu.transpose %concatenate3A_25, [1, 0] : vector<128x512xf32> -> vector<512x128xf32>
    %reshape3A_27 = vector.shape_cast %transpose3A_26 : vector<512x128xf32> to vector<65536xf32>
    %swap3A_28 = arith.constant 131072 : index
    %swap3A_29 = vector.load %arg2[%swap3A_28] : memref<2097152xf32, #tpu.memory_space<vmem>>, vector<65536xf32>
    tpu.vector_store %arg2[%swap3A_28], %reshape3A_27 {strides = array<i32>} : memref<2097152xf32, #tpu.memory_space<vmem>>, vector<65536xf32>,
    %get3A_30 = arith.constant 0 : index
    %get3A_31 = arith.constant 6144 : index
    %get3A_32 = vector.load %arg1[%get3A_30, %get3A_31] : memref<32x65536xf32, #tpu.memory_space<vmem>>, vector<32x2048xf32>
    %slice3A_33 = vector.extract_strided_slice %get3A_32 {offsets = [0, 0], sizes = [32, 512], strides = [1, 1]} : vector<32x2048xf32> to vector<32x512xf32>
    %slice3A_34 = vector.extract_strided_slice %get3A_32 {offsets = [0, 512], sizes = [32, 512], strides = [1, 1]} : vector<32x2048xf32> to vector<32x512xf32>
    %slice3A_35 = vector.extract_strided_slice %get3A_32 {offsets = [0, 1024], sizes = [32, 512], strides = [1, 1]} : vector<32x2048xf32> to vector<32x512xf32>
    %slice3A_36 = vector.extract_strided_slice %get3A_32 {offsets = [0, 1536], sizes = [32, 512], strides = [1, 1]} : vector<32x2048xf32> to vector<32x512xf32>
    %concatenate3A_37 = tpu.concatenate %slice3A_33, %slice3A_34, %slice3A_35, %slice3A_36 in 0 : vector<32x512xf32>, vector<32x512xf32>, vector<32x512xf32>, vector<32x512xf32> -> vector<128x512xf32>
    %transpose3A_38 = tpu.transpose %concatenate3A_37, [1, 0] : vector<128x512xf32> -> vector<512x128xf32>
    %reshape3A_39 = vector.shape_cast %transpose3A_38 : vector<512x128xf32> to vector<65536xf32>
    %swap3A_40 = arith.constant 196608 : index
    %swap3A_41 = vector.load %arg2[%swap3A_40] : memref<2097152xf32, #tpu.memory_space<vmem>>, vector<65536xf32>
    tpu.vector_store %arg2[%swap3A_40], %reshape3A_39 {strides = array<i32>} : memref<2097152xf32, #tpu.memory_space<vmem>>, vector<65536xf32>,
    %get3A_42 = arith.constant 0 : index
    %get3A_43 = arith.constant 8192 : index
    %get3A_44 = vector.load %arg1[%get3A_42, %get3A_43] : memref<32x65536xf32, #tpu.memory_space<vmem>>, vector<32x2048xf32>
    %slice3A_45 = vector.extract_strided_slice %get3A_44 {offsets = [0, 0], sizes = [32, 512], strides = [1, 1]} : vector<32x2048xf32> to vector<32x512xf32>
    %slice3A_46 = vector.extract_strided_slice %get3A_44 {offsets = [0, 512], sizes = [32, 512], strides = [1, 1]} : vector<32x2048xf32> to vector<32x512xf32>
    %slice3A_47 = vector.extract_strided_slice %get3A_44 {offsets = [0, 1024], sizes = [32, 512], strides = [1, 1]} : vector<32x2048xf32> to vector<32x512xf32>
    %slice3A_48 = vector.extract_strided_slice %get3A_44 {offsets = [0, 1536], sizes = [32, 512], strides = [1, 1]} : vector<32x2048xf32> to vector<32x512xf32>
    %concatenate3A_49 = tpu.concatenate %slice3A_45, %slice3A_46, %slice3A_47, %slice3A_48 in 0 : vector<32x512xf32>, vector<32x512xf32>, vector<32x512xf32>, vector<32x512xf32> -> vector<128x512xf32>
    %transpose3A_50 = tpu.transpose %concatenate3A_49, [1, 0] : vector<128x512xf32> -> vector<512x128xf32>
    %reshape3A_51 = vector.shape_cast %transpose3A_50 : vector<512x128xf32> to vector<65536xf32>
    %swap3A_52 = arith.constant 262144 : index
    %swap3A_53 = vector.load %arg2[%swap3A_52] : memref<2097152xf32, #tpu.memory_space<vmem>>, vector<65536xf32>
    tpu.vector_store %arg2[%swap3A_52], %reshape3A_51 {strides = array<i32>} : memref<2097152xf32, #tpu.memory_space<vmem>>, vector<65536xf32>,
    %get3A_54 = arith.constant 0 : index
    %get3A_55 = arith.constant 10240 : index
    %get3A_56 = vector.load %arg1[%get3A_54, %get3A_55] : memref<32x65536xf32, #tpu.memory_space<vmem>>, vector<32x2048xf32>
    %slice3A_57 = vector.extract_strided_slice %get3A_56 {offsets = [0, 0], sizes = [32, 512], strides = [1, 1]} : vector<32x2048xf32> to vector<32x512xf32>
    %slice3A_58 = vector.extract_strided_slice %get3A_56 {offsets = [0, 512], sizes = [32, 512], strides = [1, 1]} : vector<32x2048xf32> to vector<32x512xf32>
    %slice3A_59 = vector.extract_strided_slice %get3A_56 {offsets = [0, 1024], sizes = [32, 512], strides = [1, 1]} : vector<32x2048xf32> to vector<32x512xf32>
    %slice3A_60 = vector.extract_strided_slice %get3A_56 {offsets = [0, 1536], sizes = [32, 512], strides = [1, 1]} : vector<32x2048xf32> to vector<32x512xf32>
    %concatenate3A_61 = tpu.concatenate %slice3A_57, %slice3A_58, %slice3A_59, %slice3A_60 in 0 : vector<32x512xf32>, vector<32x512xf32>, vector<32x512xf32>, vector<32x512xf32> -> vector<128x512xf32>
    %transpose3A_62 = tpu.transpose %concatenate3A_61, [1, 0] : vector<128x512xf32> -> vector<512x128xf32>
    %reshape3A_63 = vector.shape_cast %transpose3A_62 : vector<512x128xf32> to vector<65536xf32>
    %swap3A_64 = arith.constant 327680 : index
    %swap3A_65 = vector.load %arg2[%swap3A_64] : memref<2097152xf32, #tpu.memory_space<vmem>>, vector<65536xf32>
    tpu.vector_store %arg2[%swap3A_64], %reshape3A_63 {strides = array<i32>} : memref<2097152xf32, #tpu.memory_space<vmem>>, vector<65536xf32>,
    %get3A_66 = arith.constant 0 : index
    %get3A_67 = arith.constant 12288 : index
    %get3A_68 = vector.load %arg1[%get3A_66, %get3A_67] : memref<32x65536xf32, #tpu.memory_space<vmem>>, vector<32x2048xf32>
    %slice3A_69 = vector.extract_strided_slice %get3A_68 {offsets = [0, 0], sizes = [32, 512], strides = [1, 1]} : vector<32x2048xf32> to vector<32x512xf32>
    %slice3A_70 = vector.extract_strided_slice %get3A_68 {offsets = [0, 512], sizes = [32, 512], strides = [1, 1]} : vector<32x2048xf32> to vector<32x512xf32>
    %slice3A_71 = vector.extract_strided_slice %get3A_68 {offsets = [0, 1024], sizes = [32, 512], strides = [1, 1]} : vector<32x2048xf32> to vector<32x512xf32>
    %slice3A_72 = vector.extract_strided_slice %get3A_68 {offsets = [0, 1536], sizes = [32, 512], strides = [1, 1]} : vector<32x2048xf32> to vector<32x512xf32>
    %concatenate3A_73 = tpu.concatenate %slice3A_69, %slice3A_70, %slice3A_71, %slice3A_72 in 0 : vector<32x512xf32>, vector<32x512xf32>, vector<32x512xf32>, vector<32x512xf32> -> vector<128x512xf32>
    %transpose3A_74 = tpu.transpose %concatenate3A_73, [1, 0] : vector<128x512xf32> -> vector<512x128xf32>
    %reshape3A_75 = vector.shape_cast %transpose3A_74 : vector<512x128xf32> to vector<65536xf32>
    %swap3A_76 = arith.constant 393216 : index
    %swap3A_77 = vector.load %arg2[%swap3A_76] : memref<2097152xf32, #tpu.memory_space<vmem>>, vector<65536xf32>
    tpu.vector_store %arg2[%swap3A_76], %reshape3A_75 {strides = array<i32>} : memref<2097152xf32, #tpu.memory_space<vmem>>, vector<65536xf32>,
    %get3A_78 = arith.constant 0 : index
    %get3A_79 = arith.constant 14336 : index
    %get3A_80 = vector.load %arg1[%get3A_78, %get3A_79] : memref<32x65536xf32, #tpu.memory_space<vmem>>, vector<32x2048xf32>
    %slice3A_81 = vector.extract_strided_slice %get3A_80 {offsets = [0, 0], sizes = [32, 512], strides = [1, 1]} : vector<32x2048xf32> to vector<32x512xf32>
    %slice3A_82 = vector.extract_strided_slice %get3A_80 {offsets = [0, 512], sizes = [32, 512], strides = [1, 1]} : vector<32x2048xf32> to vector<32x512xf32>
    %slice3A_83 = vector.extract_strided_slice %get3A_80 {offsets = [0, 1024], sizes = [32, 512], strides = [1, 1]} : vector<32x2048xf32> to vector<32x512xf32>
    %slice3A_84 = vector.extract_strided_slice %get3A_80 {offsets = [0, 1536], sizes = [32, 512], strides = [1, 1]} : vector<32x2048xf32> to vector<32x512xf32>
    %concatenate3A_85 = tpu.concatenate %slice3A_81, %slice3A_82, %slice3A_83, %slice3A_84 in 0 : vector<32x512xf32>, vector<32x512xf32>, vector<32x512xf32>, vector<32x512xf32> -> vector<128x512xf32>
    %transpose3A_86 = tpu.transpose %concatenate3A_85, [1, 0] : vector<128x512xf32> -> vector<512x128xf32>
    %reshape3A_87 = vector.shape_cast %transpose3A_86 : vector<512x128xf32> to vector<65536xf32>
    %swap3A_88 = arith.constant 458752 : index
    %swap3A_89 = vector.load %arg2[%swap3A_88] : memref<2097152xf32, #tpu.memory_space<vmem>>, vector<65536xf32>
    tpu.vector_store %arg2[%swap3A_88], %reshape3A_87 {strides = array<i32>} : memref<2097152xf32, #tpu.memory_space<vmem>>, vector<65536xf32>,
    %get3A_90 = arith.constant 0 : index
    %get3A_91 = arith.constant 16384 : index
    %get3A_92 = vector.load %arg1[%get3A_90, %get3A_91] : memref<32x65536xf32, #tpu.memory_space<vmem>>, vector<32x2048xf32>
    %slice3A_93 = vector.extract_strided_slice %get3A_92 {offsets = [0, 0], sizes = [32, 512], strides = [1, 1]} : vector<32x2048xf32> to vector<32x512xf32>
    %slice3A_94 = vector.extract_strided_slice %get3A_92 {offsets = [0, 512], sizes = [32, 512], strides = [1, 1]} : vector<32x2048xf32> to vector<32x512xf32>
    %slice3A_95 = vector.extract_strided_slice %get3A_92 {offsets = [0, 1024], sizes = [32, 512], strides = [1, 1]} : vector<32x2048xf32> to vector<32x512xf32>
    %slice3A_96 = vector.extract_strided_slice %get3A_92 {offsets = [0, 1536], sizes = [32, 512], strides = [1, 1]} : vector<32x2048xf32> to vector<32x512xf32>
    %concatenate3A_97 = tpu.concatenate %slice3A_93, %slice3A_94, %slice3A_95, %slice3A_96 in 0 : vector<32x512xf32>, vector<32x512xf32>, vector<32x512xf32>, vector<32x512xf32> -> vector<128x512xf32>
    %transpose3A_98 = tpu.transpose %concatenate3A_97, [1, 0] : vector<128x512xf32> -> vector<512x128xf32>
    %reshape3A_99 = vector.shape_cast %transpose3A_98 : vector<512x128xf32> to vector<65536xf32>
    %swap3A_100 = arith.constant 524288 : index
    %swap3A_101 = vector.load %arg2[%swap3A_100] : memref<2097152xf32, #tpu.memory_space<vmem>>, vector<65536xf32>
    tpu.vector_store %arg2[%swap3A_100], %reshape3A_99 {strides = array<i32>} : memref<2097152xf32, #tpu.memory_space<vmem>>, vector<65536xf32>,
    %get3A_102 = arith.constant 0 : index
    %get3A_103 = arith.constant 18432 : index
    %get3A_104 = vector.load %arg1[%get3A_102, %get3A_103] : memref<32x65536xf32, #tpu.memory_space<vmem>>, vector<32x2048xf32>
    %slice3A_105 = vector.extract_strided_slice %get3A_104 {offsets = [0, 0], sizes = [32, 512], strides = [1, 1]} : vector<32x2048xf32> to vector<32x512xf32>
    %slice3A_106 = vector.extract_strided_slice %get3A_104 {offsets = [0, 512], sizes = [32, 512], strides = [1, 1]} : vector<32x2048xf32> to vector<32x512xf32>
    %slice3A_107 = vector.extract_strided_slice %get3A_104 {offsets = [0, 1024], sizes = [32, 512], strides = [1, 1]} : vector<32x2048xf32> to vector<32x512xf32>
    %slice3A_108 = vector.extract_strided_slice %get3A_104 {offsets = [0, 1536], sizes = [32, 512], strides = [1, 1]} : vector<32x2048xf32> to vector<32x512xf32>
    %concatenate3A_109 = tpu.concatenate %slice3A_105, %slice3A_106, %slice3A_107, %slice3A_108 in 0 : vector<32x512xf32>, vector<32x512xf32>, vector<32x512xf32>, vector<32x512xf32> -> vector<128x512xf32>
    %transpose3A_110 = tpu.transpose %concatenate3A_109, [1, 0] : vector<128x512xf32> -> vector<512x128xf32>
    %reshape3A_111 = vector.shape_cast %transpose3A_110 : vector<512x128xf32> to vector<65536xf32>
    %swap3A_112 = arith.constant 589824 : index
    %swap3A_113 = vector.load %arg2[%swap3A_112] : memref<2097152xf32, #tpu.memory_space<vmem>>, vector<65536xf32>
    tpu.vector_store %arg2[%swap3A_112], %reshape3A_111 {strides = array<i32>} : memref<2097152xf32, #tpu.memory_space<vmem>>, vector<65536xf32>,
    %get3A_114 = arith.constant 0 : index
    %get3A_115 = arith.constant 20480 : index
    %get3A_116 = vector.load %arg1[%get3A_114, %get3A_115] : memref<32x65536xf32, #tpu.memory_space<vmem>>, vector<32x2048xf32>
    %slice3A_117 = vector.extract_strided_slice %get3A_116 {offsets = [0, 0], sizes = [32, 512], strides = [1, 1]} : vector<32x2048xf32> to vector<32x512xf32>
    %slice3A_118 = vector.extract_strided_slice %get3A_116 {offsets = [0, 512], sizes = [32, 512], strides = [1, 1]} : vector<32x2048xf32> to vector<32x512xf32>
    %slice3A_119 = vector.extract_strided_slice %get3A_116 {offsets = [0, 1024], sizes = [32, 512], strides = [1, 1]} : vector<32x2048xf32> to vector<32x512xf32>
    %slice3A_120 = vector.extract_strided_slice %get3A_116 {offsets = [0, 1536], sizes = [32, 512], strides = [1, 1]} : vector<32x2048xf32> to vector<32x512xf32>
    %concatenate3A_121 = tpu.concatenate %slice3A_117, %slice3A_118, %slice3A_119, %slice3A_120 in 0 : vector<32x512xf32>, vector<32x512xf32>, vector<32x512xf32>, vector<32x512xf32> -> vector<128x512xf32>
    %transpose3A_122 = tpu.transpose %concatenate3A_121, [1, 0] : vector<128x512xf32> -> vector<512x128xf32>
    %reshape3A_123 = vector.shape_cast %transpose3A_122 : vector<512x128xf32> to vector<65536xf32>
    %swap3A_124 = arith.constant 655360 : index
    %swap3A_125 = vector.load %arg2[%swap3A_124] : memref<2097152xf32, #tpu.memory_space<vmem>>, vector<65536xf32>
    tpu.vector_store %arg2[%swap3A_124], %reshape3A_123 {strides = array<i32>} : memref<2097152xf32, #tpu.memory_space<vmem>>, vector<65536xf32>,
    %get3A_126 = arith.constant 0 : index
    %get3A_127 = arith.constant 22528 : index
    %get3A_128 = vector.load %arg1[%get3A_126, %get3A_127] : memref<32x65536xf32, #tpu.memory_space<vmem>>, vector<32x2048xf32>
    %slice3A_129 = vector.extract_strided_slice %get3A_128 {offsets = [0, 0], sizes = [32, 512], strides = [1, 1]} : vector<32x2048xf32> to vector<32x512xf32>
    %slice3A_130 = vector.extract_strided_slice %get3A_128 {offsets = [0, 512], sizes = [32, 512], strides = [1, 1]} : vector<32x2048xf32> to vector<32x512xf32>
    %slice3A_131 = vector.extract_strided_slice %get3A_128 {offsets = [0, 1024], sizes = [32, 512], strides = [1, 1]} : vector<32x2048xf32> to vector<32x512xf32>
    %slice3A_132 = vector.extract_strided_slice %get3A_128 {offsets = [0, 1536], sizes = [32, 512], strides = [1, 1]} : vector<32x2048xf32> to vector<32x512xf32>
    %concatenate3A_133 = tpu.concatenate %slice3A_129, %slice3A_130, %slice3A_131, %slice3A_132 in 0 : vector<32x512xf32>, vector<32x512xf32>, vector<32x512xf32>, vector<32x512xf32> -> vector<128x512xf32>
    %transpose3A_134 = tpu.transpose %concatenate3A_133, [1, 0] : vector<128x512xf32> -> vector<512x128xf32>
    %reshape3A_135 = vector.shape_cast %transpose3A_134 : vector<512x128xf32> to vector<65536xf32>
    %swap3A_136 = arith.constant 720896 : index
    %swap3A_137 = vector.load %arg2[%swap3A_136] : memref<2097152xf32, #tpu.memory_space<vmem>>, vector<65536xf32>
    tpu.vector_store %arg2[%swap3A_136], %reshape3A_135 {strides = array<i32>} : memref<2097152xf32, #tpu.memory_space<vmem>>, vector<65536xf32>,
    %get3A_138 = arith.constant 0 : index
    %get3A_139 = arith.constant 24576 : index
    %get3A_140 = vector.load %arg1[%get3A_138, %get3A_139] : memref<32x65536xf32, #tpu.memory_space<vmem>>, vector<32x2048xf32>
    %slice3A_141 = vector.extract_strided_slice %get3A_140 {offsets = [0, 0], sizes = [32, 512], strides = [1, 1]} : vector<32x2048xf32> to vector<32x512xf32>
    %slice3A_142 = vector.extract_strided_slice %get3A_140 {offsets = [0, 512], sizes = [32, 512], strides = [1, 1]} : vector<32x2048xf32> to vector<32x512xf32>
    %slice3A_143 = vector.extract_strided_slice %get3A_140 {offsets = [0, 1024], sizes = [32, 512], strides = [1, 1]} : vector<32x2048xf32> to vector<32x512xf32>
    %slice3A_144 = vector.extract_strided_slice %get3A_140 {offsets = [0, 1536], sizes = [32, 512], strides = [1, 1]} : vector<32x2048xf32> to vector<32x512xf32>
    %concatenate3A_145 = tpu.concatenate %slice3A_141, %slice3A_142, %slice3A_143, %slice3A_144 in 0 : vector<32x512xf32>, vector<32x512xf32>, vector<32x512xf32>, vector<32x512xf32> -> vector<128x512xf32>
    %transpose3A_146 = tpu.transpose %concatenate3A_145, [1, 0] : vector<128x512xf32> -> vector<512x128xf32>
    %reshape3A_147 = vector.shape_cast %transpose3A_146 : vector<512x128xf32> to vector<65536xf32>
    %swap3A_148 = arith.constant 786432 : index
    %swap3A_149 = vector.load %arg2[%swap3A_148] : memref<2097152xf32, #tpu.memory_space<vmem>>, vector<65536xf32>
    tpu.vector_store %arg2[%swap3A_148], %reshape3A_147 {strides = array<i32>} : memref<2097152xf32, #tpu.memory_space<vmem>>, vector<65536xf32>,
    %get3A_150 = arith.constant 0 : index
    %get3A_151 = arith.constant 26624 : index
    %get3A_152 = vector.load %arg1[%get3A_150, %get3A_151] : memref<32x65536xf32, #tpu.memory_space<vmem>>, vector<32x2048xf32>
    %slice3A_153 = vector.extract_strided_slice %get3A_152 {offsets = [0, 0], sizes = [32, 512], strides = [1, 1]} : vector<32x2048xf32> to vector<32x512xf32>
    %slice3A_154 = vector.extract_strided_slice %get3A_152 {offsets = [0, 512], sizes = [32, 512], strides = [1, 1]} : vector<32x2048xf32> to vector<32x512xf32>
    %slice3A_155 = vector.extract_strided_slice %get3A_152 {offsets = [0, 1024], sizes = [32, 512], strides = [1, 1]} : vector<32x2048xf32> to vector<32x512xf32>
    %slice3A_156 = vector.extract_strided_slice %get3A_152 {offsets = [0, 1536], sizes = [32, 512], strides = [1, 1]} : vector<32x2048xf32> to vector<32x512xf32>
    %concatenate3A_157 = tpu.concatenate %slice3A_153, %slice3A_154, %slice3A_155, %slice3A_156 in 0 : vector<32x512xf32>, vector<32x512xf32>, vector<32x512xf32>, vector<32x512xf32> -> vector<128x512xf32>
    %transpose3A_158 = tpu.transpose %concatenate3A_157, [1, 0] : vector<128x512xf32> -> vector<512x128xf32>
    %reshape3A_159 = vector.shape_cast %transpose3A_158 : vector<512x128xf32> to vector<65536xf32>
    %swap3A_160 = arith.constant 851968 : index
    %swap3A_161 = vector.load %arg2[%swap3A_160] : memref<2097152xf32, #tpu.memory_space<vmem>>, vector<65536xf32>
    tpu.vector_store %arg2[%swap3A_160], %reshape3A_159 {strides = array<i32>} : memref<2097152xf32, #tpu.memory_space<vmem>>, vector<65536xf32>,
    %get3A_162 = arith.constant 0 : index
    %get3A_163 = arith.constant 28672 : index
    %get3A_164 = vector.load %arg1[%get3A_162, %get3A_163] : memref<32x65536xf32, #tpu.memory_space<vmem>>, vector<32x2048xf32>
    %slice3A_165 = vector.extract_strided_slice %get3A_164 {offsets = [0, 0], sizes = [32, 512], strides = [1, 1]} : vector<32x2048xf32> to vector<32x512xf32>
    %slice3A_166 = vector.extract_strided_slice %get3A_164 {offsets = [0, 512], sizes = [32, 512], strides = [1, 1]} : vector<32x2048xf32> to vector<32x512xf32>
    %slice3A_167 = vector.extract_strided_slice %get3A_164 {offsets = [0, 1024], sizes = [32, 512], strides = [1, 1]} : vector<32x2048xf32> to vector<32x512xf32>
    %slice3A_168 = vector.extract_strided_slice %get3A_164 {offsets = [0, 1536], sizes = [32, 512], strides = [1, 1]} : vector<32x2048xf32> to vector<32x512xf32>
    %concatenate3A_169 = tpu.concatenate %slice3A_165, %slice3A_166, %slice3A_167, %slice3A_168 in 0 : vector<32x512xf32>, vector<32x512xf32>, vector<32x512xf32>, vector<32x512xf32> -> vector<128x512xf32>
    %transpose3A_170 = tpu.transpose %concatenate3A_169, [1, 0] : vector<128x512xf32> -> vector<512x128xf32>
    %reshape3A_171 = vector.shape_cast %transpose3A_170 : vector<512x128xf32> to vector<65536xf32>
    %swap3A_172 = arith.constant 917504 : index
    %swap3A_173 = vector.load %arg2[%swap3A_172] : memref<2097152xf32, #tpu.memory_space<vmem>>, vector<65536xf32>
    tpu.vector_store %arg2[%swap3A_172], %reshape3A_171 {strides = array<i32>} : memref<2097152xf32, #tpu.memory_space<vmem>>, vector<65536xf32>,
    %get3A_174 = arith.constant 0 : index
    %get3A_175 = arith.constant 30720 : index
    %get3A_176 = vector.load %arg1[%get3A_174, %get3A_175] : memref<32x65536xf32, #tpu.memory_space<vmem>>, vector<32x2048xf32>
    %slice3A_177 = vector.extract_strided_slice %get3A_176 {offsets = [0, 0], sizes = [32, 512], strides = [1, 1]} : vector<32x2048xf32> to vector<32x512xf32>
    %slice3A_178 = vector.extract_strided_slice %get3A_176 {offsets = [0, 512], sizes = [32, 512], strides = [1, 1]} : vector<32x2048xf32> to vector<32x512xf32>
    %slice3A_179 = vector.extract_strided_slice %get3A_176 {offsets = [0, 1024], sizes = [32, 512], strides = [1, 1]} : vector<32x2048xf32> to vector<32x512xf32>
    %slice3A_180 = vector.extract_strided_slice %get3A_176 {offsets = [0, 1536], sizes = [32, 512], strides = [1, 1]} : vector<32x2048xf32> to vector<32x512xf32>
    %concatenate3A_181 = tpu.concatenate %slice3A_177, %slice3A_178, %slice3A_179, %slice3A_180 in 0 : vector<32x512xf32>, vector<32x512xf32>, vector<32x512xf32>, vector<32x512xf32> -> vector<128x512xf32>
    %transpose3A_182 = tpu.transpose %concatenate3A_181, [1, 0] : vector<128x512xf32> -> vector<512x128xf32>
    %reshape3A_183 = vector.shape_cast %transpose3A_182 : vector<512x128xf32> to vector<65536xf32>
    %swap3A_184 = arith.constant 983040 : index
    %swap3A_185 = vector.load %arg2[%swap3A_184] : memref<2097152xf32, #tpu.memory_space<vmem>>, vector<65536xf32>
    tpu.vector_store %arg2[%swap3A_184], %reshape3A_183 {strides = array<i32>} : memref<2097152xf32, #tpu.memory_space<vmem>>, vector<65536xf32>,
    %get3A_186 = arith.constant 0 : index
    %get3A_187 = arith.constant 32768 : index
    %get3A_188 = vector.load %arg1[%get3A_186, %get3A_187] : memref<32x65536xf32, #tpu.memory_space<vmem>>, vector<32x2048xf32>
    %slice3A_189 = vector.extract_strided_slice %get3A_188 {offsets = [0, 0], sizes = [32, 512], strides = [1, 1]} : vector<32x2048xf32> to vector<32x512xf32>
    %slice3A_190 = vector.extract_strided_slice %get3A_188 {offsets = [0, 512], sizes = [32, 512], strides = [1, 1]} : vector<32x2048xf32> to vector<32x512xf32>
    %slice3A_191 = vector.extract_strided_slice %get3A_188 {offsets = [0, 1024], sizes = [32, 512], strides = [1, 1]} : vector<32x2048xf32> to vector<32x512xf32>
    %slice3A_192 = vector.extract_strided_slice %get3A_188 {offsets = [0, 1536], sizes = [32, 512], strides = [1, 1]} : vector<32x2048xf32> to vector<32x512xf32>
    %concatenate3A_193 = tpu.concatenate %slice3A_189, %slice3A_190, %slice3A_191, %slice3A_192 in 0 : vector<32x512xf32>, vector<32x512xf32>, vector<32x512xf32>, vector<32x512xf32> -> vector<128x512xf32>
    %transpose3A_194 = tpu.transpose %concatenate3A_193, [1, 0] : vector<128x512xf32> -> vector<512x128xf32>
    %reshape3A_195 = vector.shape_cast %transpose3A_194 : vector<512x128xf32> to vector<65536xf32>
    %swap3A_196 = arith.constant 1048576 : index
    %swap3A_197 = vector.load %arg2[%swap3A_196] : memref<2097152xf32, #tpu.memory_space<vmem>>, vector<65536xf32>
    tpu.vector_store %arg2[%swap3A_196], %reshape3A_195 {strides = array<i32>} : memref<2097152xf32, #tpu.memory_space<vmem>>, vector<65536xf32>,
    %get3A_198 = arith.constant 0 : index
    %get3A_199 = arith.constant 34816 : index
    %get3A_200 = vector.load %arg1[%get3A_198, %get3A_199] : memref<32x65536xf32, #tpu.memory_space<vmem>>, vector<32x2048xf32>
    %slice3A_201 = vector.extract_strided_slice %get3A_200 {offsets = [0, 0], sizes = [32, 512], strides = [1, 1]} : vector<32x2048xf32> to vector<32x512xf32>
    %slice3A_202 = vector.extract_strided_slice %get3A_200 {offsets = [0, 512], sizes = [32, 512], strides = [1, 1]} : vector<32x2048xf32> to vector<32x512xf32>
    %slice3A_203 = vector.extract_strided_slice %get3A_200 {offsets = [0, 1024], sizes = [32, 512], strides = [1, 1]} : vector<32x2048xf32> to vector<32x512xf32>
    %slice3A_204 = vector.extract_strided_slice %get3A_200 {offsets = [0, 1536], sizes = [32, 512], strides = [1, 1]} : vector<32x2048xf32> to vector<32x512xf32>
    %concatenate3A_205 = tpu.concatenate %slice3A_201, %slice3A_202, %slice3A_203, %slice3A_204 in 0 : vector<32x512xf32>, vector<32x512xf32>, vector<32x512xf32>, vector<32x512xf32> -> vector<128x512xf32>
    %transpose3A_206 = tpu.transpose %concatenate3A_205, [1, 0] : vector<128x512xf32> -> vector<512x128xf32>
    %reshape3A_207 = vector.shape_cast %transpose3A_206 : vector<512x128xf32> to vector<65536xf32>
    %swap3A_208 = arith.constant 1114112 : index
    %swap3A_209 = vector.load %arg2[%swap3A_208] : memref<2097152xf32, #tpu.memory_space<vmem>>, vector<65536xf32>
    tpu.vector_store %arg2[%swap3A_208], %reshape3A_207 {strides = array<i32>} : memref<2097152xf32, #tpu.memory_space<vmem>>, vector<65536xf32>,
    %get3A_210 = arith.constant 0 : index
    %get3A_211 = arith.constant 36864 : index
    %get3A_212 = vector.load %arg1[%get3A_210, %get3A_211] : memref<32x65536xf32, #tpu.memory_space<vmem>>, vector<32x2048xf32>
    %slice3A_213 = vector.extract_strided_slice %get3A_212 {offsets = [0, 0], sizes = [32, 512], strides = [1, 1]} : vector<32x2048xf32> to vector<32x512xf32>
    %slice3A_214 = vector.extract_strided_slice %get3A_212 {offsets = [0, 512], sizes = [32, 512], strides = [1, 1]} : vector<32x2048xf32> to vector<32x512xf32>
    %slice3A_215 = vector.extract_strided_slice %get3A_212 {offsets = [0, 1024], sizes = [32, 512], strides = [1, 1]} : vector<32x2048xf32> to vector<32x512xf32>
    %slice3A_216 = vector.extract_strided_slice %get3A_212 {offsets = [0, 1536], sizes = [32, 512], strides = [1, 1]} : vector<32x2048xf32> to vector<32x512xf32>
    %concatenate3A_217 = tpu.concatenate %slice3A_213, %slice3A_214, %slice3A_215, %slice3A_216 in 0 : vector<32x512xf32>, vector<32x512xf32>, vector<32x512xf32>, vector<32x512xf32> -> vector<128x512xf32>
    %transpose3A_218 = tpu.transpose %concatenate3A_217, [1, 0] : vector<128x512xf32> -> vector<512x128xf32>
    %reshape3A_219 = vector.shape_cast %transpose3A_218 : vector<512x128xf32> to vector<65536xf32>
    %swap3A_220 = arith.constant 1179648 : index
    %swap3A_221 = vector.load %arg2[%swap3A_220] : memref<2097152xf32, #tpu.memory_space<vmem>>, vector<65536xf32>
    tpu.vector_store %arg2[%swap3A_220], %reshape3A_219 {strides = array<i32>} : memref<2097152xf32, #tpu.memory_space<vmem>>, vector<65536xf32>,
    %get3A_222 = arith.constant 0 : index
    %get3A_223 = arith.constant 38912 : index
    %get3A_224 = vector.load %arg1[%get3A_222, %get3A_223] : memref<32x65536xf32, #tpu.memory_space<vmem>>, vector<32x2048xf32>
    %slice3A_225 = vector.extract_strided_slice %get3A_224 {offsets = [0, 0], sizes = [32, 512], strides = [1, 1]} : vector<32x2048xf32> to vector<32x512xf32>
    %slice3A_226 = vector.extract_strided_slice %get3A_224 {offsets = [0, 512], sizes = [32, 512], strides = [1, 1]} : vector<32x2048xf32> to vector<32x512xf32>
    %slice3A_227 = vector.extract_strided_slice %get3A_224 {offsets = [0, 1024], sizes = [32, 512], strides = [1, 1]} : vector<32x2048xf32> to vector<32x512xf32>
    %slice3A_228 = vector.extract_strided_slice %get3A_224 {offsets = [0, 1536], sizes = [32, 512], strides = [1, 1]} : vector<32x2048xf32> to vector<32x512xf32>
    %concatenate3A_229 = tpu.concatenate %slice3A_225, %slice3A_226, %slice3A_227, %slice3A_228 in 0 : vector<32x512xf32>, vector<32x512xf32>, vector<32x512xf32>, vector<32x512xf32> -> vector<128x512xf32>
    %transpose3A_230 = tpu.transpose %concatenate3A_229, [1, 0] : vector<128x512xf32> -> vector<512x128xf32>
    %reshape3A_231 = vector.shape_cast %transpose3A_230 : vector<512x128xf32> to vector<65536xf32>
    %swap3A_232 = arith.constant 1245184 : index
    %swap3A_233 = vector.load %arg2[%swap3A_232] : memref<2097152xf32, #tpu.memory_space<vmem>>, vector<65536xf32>
    tpu.vector_store %arg2[%swap3A_232], %reshape3A_231 {strides = array<i32>} : memref<2097152xf32, #tpu.memory_space<vmem>>, vector<65536xf32>,
    %get3A_234 = arith.constant 0 : index
    %get3A_235 = arith.constant 40960 : index
    %get3A_236 = vector.load %arg1[%get3A_234, %get3A_235] : memref<32x65536xf32, #tpu.memory_space<vmem>>, vector<32x2048xf32>
    %slice3A_237 = vector.extract_strided_slice %get3A_236 {offsets = [0, 0], sizes = [32, 512], strides = [1, 1]} : vector<32x2048xf32> to vector<32x512xf32>
    %slice3A_238 = vector.extract_strided_slice %get3A_236 {offsets = [0, 512], sizes = [32, 512], strides = [1, 1]} : vector<32x2048xf32> to vector<32x512xf32>
    %slice3A_239 = vector.extract_strided_slice %get3A_236 {offsets = [0, 1024], sizes = [32, 512], strides = [1, 1]} : vector<32x2048xf32> to vector<32x512xf32>
    %slice3A_240 = vector.extract_strided_slice %get3A_236 {offsets = [0, 1536], sizes = [32, 512], strides = [1, 1]} : vector<32x2048xf32> to vector<32x512xf32>
    %concatenate3A_241 = tpu.concatenate %slice3A_237, %slice3A_238, %slice3A_239, %slice3A_240 in 0 : vector<32x512xf32>, vector<32x512xf32>, vector<32x512xf32>, vector<32x512xf32> -> vector<128x512xf32>
    %transpose3A_242 = tpu.transpose %concatenate3A_241, [1, 0] : vector<128x512xf32> -> vector<512x128xf32>
    %reshape3A_243 = vector.shape_cast %transpose3A_242 : vector<512x128xf32> to vector<65536xf32>
    %swap3A_244 = arith.constant 1310720 : index
    %swap3A_245 = vector.load %arg2[%swap3A_244] : memref<2097152xf32, #tpu.memory_space<vmem>>, vector<65536xf32>
    tpu.vector_store %arg2[%swap3A_244], %reshape3A_243 {strides = array<i32>} : memref<2097152xf32, #tpu.memory_space<vmem>>, vector<65536xf32>,
    %get3A_246 = arith.constant 0 : index
    %get3A_247 = arith.constant 43008 : index
    %get3A_248 = vector.load %arg1[%get3A_246, %get3A_247] : memref<32x65536xf32, #tpu.memory_space<vmem>>, vector<32x2048xf32>
    %slice3A_249 = vector.extract_strided_slice %get3A_248 {offsets = [0, 0], sizes = [32, 512], strides = [1, 1]} : vector<32x2048xf32> to vector<32x512xf32>
    %slice3A_250 = vector.extract_strided_slice %get3A_248 {offsets = [0, 512], sizes = [32, 512], strides = [1, 1]} : vector<32x2048xf32> to vector<32x512xf32>
    %slice3A_251 = vector.extract_strided_slice %get3A_248 {offsets = [0, 1024], sizes = [32, 512], strides = [1, 1]} : vector<32x2048xf32> to vector<32x512xf32>
    %slice3A_252 = vector.extract_strided_slice %get3A_248 {offsets = [0, 1536], sizes = [32, 512], strides = [1, 1]} : vector<32x2048xf32> to vector<32x512xf32>
    %concatenate3A_253 = tpu.concatenate %slice3A_249, %slice3A_250, %slice3A_251, %slice3A_252 in 0 : vector<32x512xf32>, vector<32x512xf32>, vector<32x512xf32>, vector<32x512xf32> -> vector<128x512xf32>
    %transpose3A_254 = tpu.transpose %concatenate3A_253, [1, 0] : vector<128x512xf32> -> vector<512x128xf32>
    %reshape3A_255 = vector.shape_cast %transpose3A_254 : vector<512x128xf32> to vector<65536xf32>
    %swap3A_256 = arith.constant 1376256 : index
    %swap3A_257 = vector.load %arg2[%swap3A_256] : memref<2097152xf32, #tpu.memory_space<vmem>>, vector<65536xf32>
    tpu.vector_store %arg2[%swap3A_256], %reshape3A_255 {strides = array<i32>} : memref<2097152xf32, #tpu.memory_space<vmem>>, vector<65536xf32>,
    %get3A_258 = arith.constant 0 : index
    %get3A_259 = arith.constant 45056 : index
    %get3A_260 = vector.load %arg1[%get3A_258, %get3A_259] : memref<32x65536xf32, #tpu.memory_space<vmem>>, vector<32x2048xf32>
    %slice3A_261 = vector.extract_strided_slice %get3A_260 {offsets = [0, 0], sizes = [32, 512], strides = [1, 1]} : vector<32x2048xf32> to vector<32x512xf32>
    %slice3A_262 = vector.extract_strided_slice %get3A_260 {offsets = [0, 512], sizes = [32, 512], strides = [1, 1]} : vector<32x2048xf32> to vector<32x512xf32>
    %slice3A_263 = vector.extract_strided_slice %get3A_260 {offsets = [0, 1024], sizes = [32, 512], strides = [1, 1]} : vector<32x2048xf32> to vector<32x512xf32>
    %slice3A_264 = vector.extract_strided_slice %get3A_260 {offsets = [0, 1536], sizes = [32, 512], strides = [1, 1]} : vector<32x2048xf32> to vector<32x512xf32>
    %concatenate3A_265 = tpu.concatenate %slice3A_261, %slice3A_262, %slice3A_263, %slice3A_264 in 0 : vector<32x512xf32>, vector<32x512xf32>, vector<32x512xf32>, vector<32x512xf32> -> vector<128x512xf32>
    %transpose3A_266 = tpu.transpose %concatenate3A_265, [1, 0] : vector<128x512xf32> -> vector<512x128xf32>
    %reshape3A_267 = vector.shape_cast %transpose3A_266 : vector<512x128xf32> to vector<65536xf32>
    %swap3A_268 = arith.constant 1441792 : index
    %swap3A_269 = vector.load %arg2[%swap3A_268] : memref<2097152xf32, #tpu.memory_space<vmem>>, vector<65536xf32>
    tpu.vector_store %arg2[%swap3A_268], %reshape3A_267 {strides = array<i32>} : memref<2097152xf32, #tpu.memory_space<vmem>>, vector<65536xf32>,
    %get3A_270 = arith.constant 0 : index
    %get3A_271 = arith.constant 47104 : index
    %get3A_272 = vector.load %arg1[%get3A_270, %get3A_271] : memref<32x65536xf32, #tpu.memory_space<vmem>>, vector<32x2048xf32>
    %slice3A_273 = vector.extract_strided_slice %get3A_272 {offsets = [0, 0], sizes = [32, 512], strides = [1, 1]} : vector<32x2048xf32> to vector<32x512xf32>
    %slice3A_274 = vector.extract_strided_slice %get3A_272 {offsets = [0, 512], sizes = [32, 512], strides = [1, 1]} : vector<32x2048xf32> to vector<32x512xf32>
    %slice3A_275 = vector.extract_strided_slice %get3A_272 {offsets = [0, 1024], sizes = [32, 512], strides = [1, 1]} : vector<32x2048xf32> to vector<32x512xf32>
    %slice3A_276 = vector.extract_strided_slice %get3A_272 {offsets = [0, 1536], sizes = [32, 512], strides = [1, 1]} : vector<32x2048xf32> to vector<32x512xf32>
    %concatenate3A_277 = tpu.concatenate %slice3A_273, %slice3A_274, %slice3A_275, %slice3A_276 in 0 : vector<32x512xf32>, vector<32x512xf32>, vector<32x512xf32>, vector<32x512xf32> -> vector<128x512xf32>
    %transpose3A_278 = tpu.transpose %concatenate3A_277, [1, 0] : vector<128x512xf32> -> vector<512x128xf32>
    %reshape3A_279 = vector.shape_cast %transpose3A_278 : vector<512x128xf32> to vector<65536xf32>
    %swap3A_280 = arith.constant 1507328 : index
    %swap3A_281 = vector.load %arg2[%swap3A_280] : memref<2097152xf32, #tpu.memory_space<vmem>>, vector<65536xf32>
    tpu.vector_store %arg2[%swap3A_280], %reshape3A_279 {strides = array<i32>} : memref<2097152xf32, #tpu.memory_space<vmem>>, vector<65536xf32>,
    %get3A_282 = arith.constant 0 : index
    %get3A_283 = arith.constant 49152 : index
    %get3A_284 = vector.load %arg1[%get3A_282, %get3A_283] : memref<32x65536xf32, #tpu.memory_space<vmem>>, vector<32x2048xf32>
    %slice3A_285 = vector.extract_strided_slice %get3A_284 {offsets = [0, 0], sizes = [32, 512], strides = [1, 1]} : vector<32x2048xf32> to vector<32x512xf32>
    %slice3A_286 = vector.extract_strided_slice %get3A_284 {offsets = [0, 512], sizes = [32, 512], strides = [1, 1]} : vector<32x2048xf32> to vector<32x512xf32>
    %slice3A_287 = vector.extract_strided_slice %get3A_284 {offsets = [0, 1024], sizes = [32, 512], strides = [1, 1]} : vector<32x2048xf32> to vector<32x512xf32>
    %slice3A_288 = vector.extract_strided_slice %get3A_284 {offsets = [0, 1536], sizes = [32, 512], strides = [1, 1]} : vector<32x2048xf32> to vector<32x512xf32>
    %concatenate3A_289 = tpu.concatenate %slice3A_285, %slice3A_286, %slice3A_287, %slice3A_288 in 0 : vector<32x512xf32>, vector<32x512xf32>, vector<32x512xf32>, vector<32x512xf32> -> vector<128x512xf32>
    %transpose3A_290 = tpu.transpose %concatenate3A_289, [1, 0] : vector<128x512xf32> -> vector<512x128xf32>
    %reshape3A_291 = vector.shape_cast %transpose3A_290 : vector<512x128xf32> to vector<65536xf32>
    %swap3A_292 = arith.constant 1572864 : index
    %swap3A_293 = vector.load %arg2[%swap3A_292] : memref<2097152xf32, #tpu.memory_space<vmem>>, vector<65536xf32>
    tpu.vector_store %arg2[%swap3A_292], %reshape3A_291 {strides = array<i32>} : memref<2097152xf32, #tpu.memory_space<vmem>>, vector<65536xf32>,
    %get3A_294 = arith.constant 0 : index
    %get3A_295 = arith.constant 51200 : index
    %get3A_296 = vector.load %arg1[%get3A_294, %get3A_295] : memref<32x65536xf32, #tpu.memory_space<vmem>>, vector<32x2048xf32>
    %slice3A_297 = vector.extract_strided_slice %get3A_296 {offsets = [0, 0], sizes = [32, 512], strides = [1, 1]} : vector<32x2048xf32> to vector<32x512xf32>
    %slice3A_298 = vector.extract_strided_slice %get3A_296 {offsets = [0, 512], sizes = [32, 512], strides = [1, 1]} : vector<32x2048xf32> to vector<32x512xf32>
    %slice3A_299 = vector.extract_strided_slice %get3A_296 {offsets = [0, 1024], sizes = [32, 512], strides = [1, 1]} : vector<32x2048xf32> to vector<32x512xf32>
    %slice3A_300 = vector.extract_strided_slice %get3A_296 {offsets = [0, 1536], sizes = [32, 512], strides = [1, 1]} : vector<32x2048xf32> to vector<32x512xf32>
    %concatenate3A_301 = tpu.concatenate %slice3A_297, %slice3A_298, %slice3A_299, %slice3A_300 in 0 : vector<32x512xf32>, vector<32x512xf32>, vector<32x512xf32>, vector<32x512xf32> -> vector<128x512xf32>
    %transpose3A_302 = tpu.transpose %concatenate3A_301, [1, 0] : vector<128x512xf32> -> vector<512x128xf32>
    %reshape3A_303 = vector.shape_cast %transpose3A_302 : vector<512x128xf32> to vector<65536xf32>
    %swap3A_304 = arith.constant 1638400 : index
    %swap3A_305 = vector.load %arg2[%swap3A_304] : memref<2097152xf32, #tpu.memory_space<vmem>>, vector<65536xf32>
    tpu.vector_store %arg2[%swap3A_304], %reshape3A_303 {strides = array<i32>} : memref<2097152xf32, #tpu.memory_space<vmem>>, vector<65536xf32>,
    %get3A_306 = arith.constant 0 : index
    %get3A_307 = arith.constant 53248 : index
    %get3A_308 = vector.load %arg1[%get3A_306, %get3A_307] : memref<32x65536xf32, #tpu.memory_space<vmem>>, vector<32x2048xf32>
    %slice3A_309 = vector.extract_strided_slice %get3A_308 {offsets = [0, 0], sizes = [32, 512], strides = [1, 1]} : vector<32x2048xf32> to vector<32x512xf32>
    %slice3A_310 = vector.extract_strided_slice %get3A_308 {offsets = [0, 512], sizes = [32, 512], strides = [1, 1]} : vector<32x2048xf32> to vector<32x512xf32>
    %slice3A_311 = vector.extract_strided_slice %get3A_308 {offsets = [0, 1024], sizes = [32, 512], strides = [1, 1]} : vector<32x2048xf32> to vector<32x512xf32>
    %slice3A_312 = vector.extract_strided_slice %get3A_308 {offsets = [0, 1536], sizes = [32, 512], strides = [1, 1]} : vector<32x2048xf32> to vector<32x512xf32>
    %concatenate3A_313 = tpu.concatenate %slice3A_309, %slice3A_310, %slice3A_311, %slice3A_312 in 0 : vector<32x512xf32>, vector<32x512xf32>, vector<32x512xf32>, vector<32x512xf32> -> vector<128x512xf32>
    %transpose3A_314 = tpu.transpose %concatenate3A_313, [1, 0] : vector<128x512xf32> -> vector<512x128xf32>
    %reshape3A_315 = vector.shape_cast %transpose3A_314 : vector<512x128xf32> to vector<65536xf32>
    %swap3A_316 = arith.constant 1703936 : index
    %swap3A_317 = vector.load %arg2[%swap3A_316] : memref<2097152xf32, #tpu.memory_space<vmem>>, vector<65536xf32>
    tpu.vector_store %arg2[%swap3A_316], %reshape3A_315 {strides = array<i32>} : memref<2097152xf32, #tpu.memory_space<vmem>>, vector<65536xf32>,
    %get3A_318 = arith.constant 0 : index
    %get3A_319 = arith.constant 55296 : index
    %get3A_320 = vector.load %arg1[%get3A_318, %get3A_319] : memref<32x65536xf32, #tpu.memory_space<vmem>>, vector<32x2048xf32>
    %slice3A_321 = vector.extract_strided_slice %get3A_320 {offsets = [0, 0], sizes = [32, 512], strides = [1, 1]} : vector<32x2048xf32> to vector<32x512xf32>
    %slice3A_322 = vector.extract_strided_slice %get3A_320 {offsets = [0, 512], sizes = [32, 512], strides = [1, 1]} : vector<32x2048xf32> to vector<32x512xf32>
    %slice3A_323 = vector.extract_strided_slice %get3A_320 {offsets = [0, 1024], sizes = [32, 512], strides = [1, 1]} : vector<32x2048xf32> to vector<32x512xf32>
    %slice3A_324 = vector.extract_strided_slice %get3A_320 {offsets = [0, 1536], sizes = [32, 512], strides = [1, 1]} : vector<32x2048xf32> to vector<32x512xf32>
    %concatenate3A_325 = tpu.concatenate %slice3A_321, %slice3A_322, %slice3A_323, %slice3A_324 in 0 : vector<32x512xf32>, vector<32x512xf32>, vector<32x512xf32>, vector<32x512xf32> -> vector<128x512xf32>
    %transpose3A_326 = tpu.transpose %concatenate3A_325, [1, 0] : vector<128x512xf32> -> vector<512x128xf32>
    %reshape3A_327 = vector.shape_cast %transpose3A_326 : vector<512x128xf32> to vector<65536xf32>
    %swap3A_328 = arith.constant 1769472 : index
    %swap3A_329 = vector.load %arg2[%swap3A_328] : memref<2097152xf32, #tpu.memory_space<vmem>>, vector<65536xf32>
    tpu.vector_store %arg2[%swap3A_328], %reshape3A_327 {strides = array<i32>} : memref<2097152xf32, #tpu.memory_space<vmem>>, vector<65536xf32>,
    %get3A_330 = arith.constant 0 : index
    %get3A_331 = arith.constant 57344 : index
    %get3A_332 = vector.load %arg1[%get3A_330, %get3A_331] : memref<32x65536xf32, #tpu.memory_space<vmem>>, vector<32x2048xf32>
    %slice3A_333 = vector.extract_strided_slice %get3A_332 {offsets = [0, 0], sizes = [32, 512], strides = [1, 1]} : vector<32x2048xf32> to vector<32x512xf32>
    %slice3A_334 = vector.extract_strided_slice %get3A_332 {offsets = [0, 512], sizes = [32, 512], strides = [1, 1]} : vector<32x2048xf32> to vector<32x512xf32>
    %slice3A_335 = vector.extract_strided_slice %get3A_332 {offsets = [0, 1024], sizes = [32, 512], strides = [1, 1]} : vector<32x2048xf32> to vector<32x512xf32>
    %slice3A_336 = vector.extract_strided_slice %get3A_332 {offsets = [0, 1536], sizes = [32, 512], strides = [1, 1]} : vector<32x2048xf32> to vector<32x512xf32>
    %concatenate3A_337 = tpu.concatenate %slice3A_333, %slice3A_334, %slice3A_335, %slice3A_336 in 0 : vector<32x512xf32>, vector<32x512xf32>, vector<32x512xf32>, vector<32x512xf32> -> vector<128x512xf32>
    %transpose3A_338 = tpu.transpose %concatenate3A_337, [1, 0] : vector<128x512xf32> -> vector<512x128xf32>
    %reshape3A_339 = vector.shape_cast %transpose3A_338 : vector<512x128xf32> to vector<65536xf32>
    %swap3A_340 = arith.constant 1835008 : index
    %swap3A_341 = vector.load %arg2[%swap3A_340] : memref<2097152xf32, #tpu.memory_space<vmem>>, vector<65536xf32>
    tpu.vector_store %arg2[%swap3A_340], %reshape3A_339 {strides = array<i32>} : memref<2097152xf32, #tpu.memory_space<vmem>>, vector<65536xf32>,
    %get3A_342 = arith.constant 0 : index
    %get3A_343 = arith.constant 59392 : index
    %get3A_344 = vector.load %arg1[%get3A_342, %get3A_343] : memref<32x65536xf32, #tpu.memory_space<vmem>>, vector<32x2048xf32>
    %slice3A_345 = vector.extract_strided_slice %get3A_344 {offsets = [0, 0], sizes = [32, 512], strides = [1, 1]} : vector<32x2048xf32> to vector<32x512xf32>
    %slice3A_346 = vector.extract_strided_slice %get3A_344 {offsets = [0, 512], sizes = [32, 512], strides = [1, 1]} : vector<32x2048xf32> to vector<32x512xf32>
    %slice3A_347 = vector.extract_strided_slice %get3A_344 {offsets = [0, 1024], sizes = [32, 512], strides = [1, 1]} : vector<32x2048xf32> to vector<32x512xf32>
    %slice3A_348 = vector.extract_strided_slice %get3A_344 {offsets = [0, 1536], sizes = [32, 512], strides = [1, 1]} : vector<32x2048xf32> to vector<32x512xf32>
    %concatenate3A_349 = tpu.concatenate %slice3A_345, %slice3A_346, %slice3A_347, %slice3A_348 in 0 : vector<32x512xf32>, vector<32x512xf32>, vector<32x512xf32>, vector<32x512xf32> -> vector<128x512xf32>
    %transpose3A_350 = tpu.transpose %concatenate3A_349, [1, 0] : vector<128x512xf32> -> vector<512x128xf32>
    %reshape3A_351 = vector.shape_cast %transpose3A_350 : vector<512x128xf32> to vector<65536xf32>
    %swap3A_352 = arith.constant 1900544 : index
    %swap3A_353 = vector.load %arg2[%swap3A_352] : memref<2097152xf32, #tpu.memory_space<vmem>>, vector<65536xf32>
    tpu.vector_store %arg2[%swap3A_352], %reshape3A_351 {strides = array<i32>} : memref<2097152xf32, #tpu.memory_space<vmem>>, vector<65536xf32>,
    %get3A_354 = arith.constant 0 : index
    %get3A_355 = arith.constant 61440 : index
    %get3A_356 = vector.load %arg1[%get3A_354, %get3A_355] : memref<32x65536xf32, #tpu.memory_space<vmem>>, vector<32x2048xf32>
    %slice3A_357 = vector.extract_strided_slice %get3A_356 {offsets = [0, 0], sizes = [32, 512], strides = [1, 1]} : vector<32x2048xf32> to vector<32x512xf32>
    %slice3A_358 = vector.extract_strided_slice %get3A_356 {offsets = [0, 512], sizes = [32, 512], strides = [1, 1]} : vector<32x2048xf32> to vector<32x512xf32>
    %slice3A_359 = vector.extract_strided_slice %get3A_356 {offsets = [0, 1024], sizes = [32, 512], strides = [1, 1]} : vector<32x2048xf32> to vector<32x512xf32>
    %slice3A_360 = vector.extract_strided_slice %get3A_356 {offsets = [0, 1536], sizes = [32, 512], strides = [1, 1]} : vector<32x2048xf32> to vector<32x512xf32>
    %concatenate3A_361 = tpu.concatenate %slice3A_357, %slice3A_358, %slice3A_359, %slice3A_360 in 0 : vector<32x512xf32>, vector<32x512xf32>, vector<32x512xf32>, vector<32x512xf32> -> vector<128x512xf32>
    %transpose3A_362 = tpu.transpose %concatenate3A_361, [1, 0] : vector<128x512xf32> -> vector<512x128xf32>
    %reshape3A_363 = vector.shape_cast %transpose3A_362 : vector<512x128xf32> to vector<65536xf32>
    %swap3A_364 = arith.constant 1966080 : index
    %swap3A_365 = vector.load %arg2[%swap3A_364] : memref<2097152xf32, #tpu.memory_space<vmem>>, vector<65536xf32>
    tpu.vector_store %arg2[%swap3A_364], %reshape3A_363 {strides = array<i32>} : memref<2097152xf32, #tpu.memory_space<vmem>>, vector<65536xf32>,
    %get3A_366 = arith.constant 0 : index
    %get3A_367 = arith.constant 63488 : index
    %get3A_368 = vector.load %arg1[%get3A_366, %get3A_367] : memref<32x65536xf32, #tpu.memory_space<vmem>>, vector<32x2048xf32>
    %slice3A_369 = vector.extract_strided_slice %get3A_368 {offsets = [0, 0], sizes = [32, 512], strides = [1, 1]} : vector<32x2048xf32> to vector<32x512xf32>
    %slice3A_370 = vector.extract_strided_slice %get3A_368 {offsets = [0, 512], sizes = [32, 512], strides = [1, 1]} : vector<32x2048xf32> to vector<32x512xf32>
    %slice3A_371 = vector.extract_strided_slice %get3A_368 {offsets = [0, 1024], sizes = [32, 512], strides = [1, 1]} : vector<32x2048xf32> to vector<32x512xf32>
    %slice3A_372 = vector.extract_strided_slice %get3A_368 {offsets = [0, 1536], sizes = [32, 512], strides = [1, 1]} : vector<32x2048xf32> to vector<32x512xf32>
    %concatenate3A_373 = tpu.concatenate %slice3A_369, %slice3A_370, %slice3A_371, %slice3A_372 in 0 : vector<32x512xf32>, vector<32x512xf32>, vector<32x512xf32>, vector<32x512xf32> -> vector<128x512xf32>
    %transpose3A_374 = tpu.transpose %concatenate3A_373, [1, 0] : vector<128x512xf32> -> vector<512x128xf32>
    %reshape3A_375 = vector.shape_cast %transpose3A_374 : vector<512x128xf32> to vector<65536xf32>
    %swap3A_376 = arith.constant 2031616 : index
    %swap3A_377 = vector.load %arg2[%swap3A_376] : memref<2097152xf32, #tpu.memory_space<vmem>>, vector<65536xf32>
    tpu.vector_store %arg2[%swap3A_376], %reshape3A_375 {strides = array<i32>} : memref<2097152xf32, #tpu.memory_space<vmem>>, vector<65536xf32>,
    return
  }
  func.func @transform_0(%arg0: i32) -> (i32, i32) {
    %c0_i32 = arith.constant 0 : i32
    %c0_i32_0 = arith.constant 0 : i32
    return %c0_i32, %arg0 : i32, i32
  }
  func.func @transform_1(%arg0: i32) -> i32 {
    %c0_i32 = arith.constant 0 : i32
    return %arg0 : i32
  }
}

</mosaic_0001>

<sc_bundles>
// kernel: kernel.5.cloned.1.call-start
scs
__scs_entry_jumppad:
0x0: {  	(pc) =	sbr.rel $0x88, $3  }
0x1: {  	(tag) =	ssettag $0x0;
	lr =	simm.s32 $0x1  }
0x2: {  	[smem:$0x3F9F] =	sst lr;
	_ =	strace $0xD0000000  }
0x3: {  	_ = 	snop  }
0x4: {  	_ = 	snop  }
0x5: {  	_ = 	snop  }
0x6: {  	_ = 	snop  }
0x7: {  	_ = 	snop  }
__scs_overlays_trampoline_lowered:
0x8: {  	[smem:$0x3FAE] =	sst s0  }
0x9: {  	[smem:$0x3FAF] =	sst s1  }
0xa: {  	[smem:$0x3FB0] =	sst s2  }
0xb: {  	[smem:$0x3FB1] =	sst s3  }
0xc: {  	[smem:$0x3FB2] =	sst s4  }
0xd: {  	[smem:$0x3FB3] =	sst s5  }
0xe: {  	[smem:$0x3FB4] =	sst s6  }
0xf: {  	[smem:$0x3FB5] =	sst s7  }
0x10: {  	[smem:$0x3FB6] =	sst s8  }
0x11: {  	[smem:$0x3FB7] =	sst s9;
	s0 =	simm.s32 @!p0 $0x0  }
0x12: {  	s1 =	sld [smem:$0x3F9D];
	s0 =	simm.s32 @p0 $0x1  }
0x13: {  	[smem:$0x3FB8] =	sst s0;
	s0 =	simm.s32 @!p1 $0x0  }
0x14: {  	s2 =	sld [smem:$0x3F9C];
	s0 =	simm.s32 @p1 $0x1  }
0x15: {  	[smem:$0x3FB9] =	sst s0;
	s0 =	simm.s32 @!p2 $0x0  }
0x16: {  	s3 =	sld [smem:$0x3FDB];
	s0 =	simm.s32 @p2 $0x1  }
0x17: {  	s4 =	simm.s32 $0x1BF5;
	[smem:$0x3FBB] =	sst s0  }
0x18: {  	s0 =	sld [smem:$0x3F9E];
	_ =	swait.ge [sflag:s4], $0x0  }
0x19: {  	s7 =	sld [smem:$0x3F9F]  }
0x1a: {  	s8 =	sadd.s32 $0xFFFFE003, lr  }
0x1b: {  	s9 =	sadd.s32 $0xFFFFFEF7, lr;
	s5 =	simm.s32 $0xFFFFFFFF;
	p2 =	slt.u32 s8, $0xFFFFF086  }
0x1c: {  	p1 =	slt.u32 s9, $0xF7A;
	s5 =	simm.s32 @!p2 $0x0  }
0x1d: {  	s5 =	simm.s32 @p1 $0x1;
	p0 =	seq.s32 s7, s2  }
0x1e: {  	s7 =	smul.u32 @!p0 $0xF7A, s2;
	p2 =	seq.s32 @!p0 s5, $0x0  }
0x1f: {  	s9 =	smul.u32 $0xF7A, s1;
	s8 =	simm.s32 @!p0 $0x1BF5;
	p2 =	por !p2, p0  }
0x20: {  	[sflag:s8] =	ssyncset.s32 @!p0 $0xFFFFF086;
	s6 =	sadd.s32 @!p0 s3, s7;
	s7 =	simm.s32 @!p0 $0x108  }
0x21: {  	s3 =	sadd.s32 s3, s9;
	s6 =	sadd.s32 @!p0 $0x88, s6;
	s7 =	simm.s32 @p2 $0x1082  }
0x22: {  	[simem:s7], [sflag:s8] =	dma.local @!p0 [hbm:s6], $0xF7A  }
0x23: {  	s9 =	sor.u32 $0xD0000000, s2;
	s6 =	simm.s32 $0x108;
	_ =	swait.ge @!p0 [sflag:s8], $0x0  }
0x24: {  	s3 =	sadd.s32 $0x88, s3;
	s6 =	simm.s32 @!p1 $0x1082;
	[sflag:s4] =	ssyncset.s32 $0xFFFFF086  }
0x25: {  	[simem:s6], [sflag:s4] =	dma.local [hbm:s3], $0xF7A  }
0x26: {  	[smem:$0x3F9F] =	sst s1;
	(tag) =	ssettag s2;
	_ =	strace s9  }
0x27: {  	s1 =	sld [smem:$0x3FAF]  }
0x28: {  	s2 =	sld [smem:$0x3FB0]  }
0x29: {  	s4 =	sld [smem:$0x3FB2]  }
0x2a: {  	p0 =	seq.s32 s5, $0x0;
	s5 =	sld [smem:$0x3FB3]  }
0x2b: {  	s6 =	sld [smem:$0x3FB4]  }
0x2c: {  	s7 =	sld [smem:$0x3FB5]  }
0x2d: {  	s3 =	simm.s32 $0x108;
	s8 =	sld [smem:$0x3FB6]  }
0x2e: {  	s3 =	simm.s32 @!p0 $0x1082;
	s9 =	sld [smem:$0x3FB7]  }
0x2f: {  	lr =	sadd.s32 s0, s3;
	s0 =	sld [smem:$0x3FAE]  }
0x30: {  	s3 =	sld [smem:$0x3FB1]  }
0x31: {  	[smem:$0x3FBA] =	sst s10  }
0x32: {  	s10 =	sld [smem:$0x3FB8];
	_ =	sdelay $0x3  }
0x33: {  	p0 =	seq.s32 s10, $0x1;
	s10 =	sld [smem:$0x3FBA];
	_ =	sdelay $0x3  }
0x34: {  	[smem:$0x3FBA] =	sst s10  }
0x35: {  	s10 =	sld [smem:$0x3FB9];
	_ =	sdelay $0x3  }
0x36: {  	p1 =	seq.s32 s10, $0x1;
	s10 =	sld [smem:$0x3FBA];
	_ =	sdelay $0x3  }
0x37: {  	[smem:$0x3FBA] =	sst s10  }
0x38: {  	s10 =	sld [smem:$0x3FBB]  }
0x39: {  	_ = 	snop;
	(pc) =	sbr.ind lr, $3  }
0x3a: {  	_ = 	snop  }
0x3b: {  	_ = 	snop  }
0x3c: {  	p2 =	seq.s32 s10, $0x1;
	s10 =	sld [smem:$0x3FBA]  }
0x3d: {  	_ =	shalt  }
0x3e: {  	_ =	shalt  }
0x3f: {  	_ =	shalt  }
0x40: {  	_ =	shalt  }
0x41: {  	_ =	shalt  }
0x42: {  	_ =	shalt  }
0x43: {  	_ =	shalt  }
0x44: {  	_ =	shalt  }
0x45: {  	_ =	shalt  }
0x46: {  	_ =	shalt  }
0x47: {  	_ =	shalt  }
0x48: {  	_ =	shalt  }
0x49: {  	_ =	shalt  }
0x4a: {  	_ =	shalt  }
0x4b: {  	_ =	shalt  }
0x4c: {  	_ =	shalt  }
0x4d: {  	_ =	shalt  }
0x4e: {  	_ =	shalt  }
0x4f: {  	_ =	shalt  }
0x50: {  	_ =	shalt  }
0x51: {  	_ =	shalt  }
0x52: {  	_ =	shalt  }
0x53: {  	_ =	shalt  }
0x54: {  	_ =	shalt  }
0x55: {  	_ =	shalt  }
0x56: {  	_ =	shalt  }
0x57: {  	_ =	shalt  }
0x58: {  	_ =	shalt  }
0x59: {  	_ =	shalt  }
0x5a: {  	_ =	shalt  }
0x5b: {  	_ =	shalt  }
0x5c: {  	_ =	shalt  }
0x5d: {  	_ =	shalt  }
0x5e: {  	_ =	shalt  }
0x5f: {  	_ =	shalt  }
0x60: {  	_ =	shalt  }
0x61: {  	_ =	shalt  }
0x62: {  	_ =	shalt  }
0x63: {  	_ =	shalt  }
0x64: {  	_ =	shalt  }
0x65: {  	_ =	shalt  }
0x66: {  	_ =	shalt  }
0x67: {  	_ =	shalt  }
0x68: {  	_ =	shalt  }
0x69: {  	_ =	shalt  }
0x6a: {  	_ =	shalt  }
0x6b: {  	_ =	shalt  }
0x6c: {  	_ =	shalt  }
0x6d: {  	_ =	shalt  }
0x6e: {  	_ =	shalt  }
0x6f: {  	_ =	shalt  }
0x70: {  	_ =	shalt  }
0x71: {  	_ =	shalt  }
0x72: {  	_ =	shalt  }
0x73: {  	_ =	shalt  }
0x74: {  	_ =	shalt  }
0x75: {  	_ =	shalt  }
0x76: {  	_ =	shalt  }
0x77: {  	_ =	shalt  }
0x78: {  	_ =	shalt  }
0x79: {  	_ =	shalt  }
0x7a: {  	_ =	shalt  }
0x7b: {  	_ =	shalt  }
0x7c: {  	_ =	shalt  }
0x7d: {  	_ =	shalt  }
0x7e: {  	_ =	shalt  }
0x7f: {  	_ =	shalt  }
0x80: {  	_ =	shalt  }
0x81: {  	_ =	shalt  }
0x82: {  	_ =	shalt  }
0x83: {  	_ =	shalt  }
0x84: {  	_ =	shalt  }
0x85: {  	_ =	shalt  }
0x86: {  	_ =	shalt  }
0x87: {  	_ =	shalt  }
.Lfunc_end0:
.L_simem_size_0:
called_computation_lowered:
.L_overlay_start_0:
0x88: {  	s2 =	sld [smem:$0x3FD9]  }
0x89: {  	s3 =	sld [smem:$0x3FFE];
	_ =	sdelay $0x1  }
0x8a: {  	s1 =	srdreg.scid  }
0x8b: {  	s0 =	sand.u32 $0x1, s1  }
0x8c: {  	s17 =	sshll.u32 s0, $0xA;
	s2 =	sadd.s32 s3, s2  }
0x8d: {  	s2 =	sadd.s32 s2, s17  }
0x8e: {  	[smem:$0x3FC6] =	sst s2  }
0x8f: {  	_ = 	snop  }
0x90: {  	s2 =	sld [smem:$0x3FD0];
	(tm) =	ssettm $0x1  }
0x91: {  	s18 =	sld [smem:$0x3FFB];
	_ =	sdelay $0x3  }
0x92: {  	_ =	strace s18  }
0x93: {  	s3 =	sld [smem:$0x3FFC];
	_ =	sdelay $0x3  }
0x94: {  	_ =	strace s3  }
0x95: {  	s3 =	sld [smem:$0x3FFD];
	_ =	sdelay $0x3  }
0x96: {  	_ =	strace s3  }
0x97: {  	_ =	strace $0x8FFFFFFF  }
0x98: {  	s19 =	sld [smem:$0x3FDB];
	_ =	sdelay $0x1  }
0x99: {  	s4 =	simm.s32 $_scs_section_size  }
0x9a: {  	s5 =	simm.s32 $_size__tile_overlayer_lowered;
	s6 =	simm.s32 $_tile_overlayer_lowered  }
0x9b: {  	s22 =	simm.s32 $0x1BFF;
	s21 =	sshll.u32 s6, $0x1;
	s3 =	sadd.s32 s4, s19  }
0x9c: {  	s7 =	simm.s32 $0x0;
	s20 =	sshll.u32 s5, $0x1;
	s5 =	sadd.s32 s21, s3  }
0x9d: {  	[timem:s7], [sflag:s22] =	dma.local [hbm:s5], s20  }
0x9e: {  	_ =	swait.ge [sflag:s22], s20  }
0x9f: {  	s4 =	ssub.s32 $0x0, s20;
	[sflag:s22] =	ssyncset.done $0x0  }
0xa0: {  	[sflag:s22] =	ssyncadd.s32 s4;
	_ =	sdelay $0x1  }
0xa1: {  	s23 =	simm.s32 $0x1B8B  }
0xa2: {  	_ =	swait.ge [sflag:s23], $0x1  }
0xa3: {  	[sflag:s23] =	ssyncset.done $0x0  }
0xa4: {  	s25 =	simm.s32 $0x1B8E;
	s24 =	sld [smem:$0x3FFE];
	[sflag:s23] =	ssyncadd.s32 $0xFFFFFFFF  }
0xa5: {  	s26 =	simm.s32 $execute0_lowered;
	[smem:$0x3FD2] =	sst s25  }
0xa6: {  	s5 =	sshll.u32 s26, $0x1;
	_ =	strace $0x80000046;
	[dreg:$0x1] =	wrdreg $0xFFFFFFFF  }
0xa7: {  	s28 =	simm.s32 $_size_execute0_lowered;
	s3 =	sadd.s32 s3, s5;
	[dreg:$0x0] =	wrdreg $0x0  }
0xa8: {  	s5 =	sshll.u32 s28, $0x1;
	[dreg:$0x2] =	wrdreg s3  }
0xa9: {  	[dreg:$0x3] =	wrdreg s5  }
0xaa: {  	[dreg:$0x4] =	wrdreg $0xC0  }
0xab: {  	_ =	task [dreg:s7], $0x5FFFF  }
0xac: {  	[dreg:$0x1] =	wrdreg $0xFFFFFFFF  }
0xad: {  	[dreg:$0x0] =	wrdreg $0x60  }
0xae: {  	[dreg:$0x2] =	wrdreg s24  }
0xaf: {  	[dreg:$0x3] =	wrdreg s2  }
0xb0: {  	[dreg:$0x4] =	wrdreg $0x9  }
0xb1: {  	_ =	task.clear_ibuf [dreg:s7], $0x5FFFF;
	_ =	strace $0x90000046  }
0xb2: {  	s29 =	simm.s32 $0x9;
	_ =	strace $0x80000048  }
0xb3: {  	_ =	swait.ge [sflag:s29], $0x1  }
0xb4: {  	[sflag:s29] =	ssyncadd.s32 $0xFFFFFFFF  }
0xb5: {  	_ =	strace $0x90000048  }
0xb6: {  	_ =	sfence  }
0xb7: {  	s30 =	sld [smem:$0x0];
	_ =	sdelay $0x2  }
0xb8: {  	s31 =	sshll.u32 s1, $0xD;
	s1 =	sshrl.u32 s1, $0x2  }
0xb9: {  	s3 =	sand.u32 $0x4000, s31;
	s1 =	sadd.s32 s1, s30  }
0xba: {  	s0 =	sor.u32 s3, s0;
	s1 =	sshll.u32 s1, $0x11  }
0xbb: {  	s0 =	sor.u32 s1, s0  }
0xbc: {  	s0 =	sadd.s32 $0x8F2B, s0  }
0xbd: {  	[sflag:s0] =	ssyncadd.remote.s32 $0x1  }
0xbe: {  	_ =	sfence.sel $0xFFFF  }
0xbf: {  	[dreg:$0x0] =	wrdreg $0xFFFFFFFF;
	(pc) =	sbr.abs _section_cstart, $3  }
0xc0: {  	[dreg:$0x1] =	wrdreg $0xFFFFFFFF  }
0xc1: {  	_ =	task.clear_ibuf [dreg:s7], $0x2FFFF;
	_ =	strace $0x9FFFFFFF  }
0xc2: {  	(tm) =	ssettm $0x7FFFFFFF  }
0xc3: {  	_ =	shalt  }
tec
execute0_lowered:
.L_overlay_start_1:
0x0: {  	(tag) =	ssettag $0x1  }
0x1: {  	s0 =	rddreg [dreg:$0x0]  }
0x2: {  	s1 =	rddreg [dreg:$0x1];
	s2 =	simm.s32 $0x0;
	s3 =	srdreg.scid  }
0x3: {  	s4 =	stileid.u32;
	s9 =	simm.s32 $0x15800;
	s10 =	simm.s32 $0x80  }
0x4: {  	s12 =	simm.s32 $0x48;
	s16 =	simm.s32 $0x12600;
	s17 =	simm.s32 $0x700  }
0x5: {  	s18 =	simm.s32 $0x12F00;
	s19 =	simm.s32 $0x780;
	s20 =	simm.s32 $0x13F00  }
0x6: {  	s21 =	simm.s32 $0x1;
	s22 =	simm.s32 $0x2;
	s23 =	simm.s32 $0x3  }
0x7: {  	s24 =	simm.s32 $0x4;
	s28 =	simm.s32 $0x7;
	s29 =	simm.s32 $0x8  }
0x8: {  	s30 =	simm.s32 $0x14800;
	s31 =	simm.s32 $0x0;
	[smem:$0x7FF] =	sst s2  }
0x9: {  	s3 =	sand.u32 $0x1, s3;
	s4 =	sshll.u32 s4, $0x1;
	_ =	strace $0x80000047  }
0xa: {  	s4 =	sor.u32 s3, s4;
	s7 =	ssub.s32 $0x2, s3;
	s3 =	sadd.s32 $0x20E00, s0  }
.Ltmp0:
0xb: {  	s5 =	sshll.u32 s4, $0xC;
	s6 =	sshll.u32 s4, $0x4;
	(pc) =	sbr.rel .LBB2_1-.Ltmp0, $4  }
0xc: {  	s8 =	sshrl.u32 s7, $0x1;
	s26 =	sshll.u32 s4, $0x9;
	s5 =	sadd.s32 s5, s0  }
0xd: {  	s6 =	sadd.s32 s6, s0;
	s25 =	ssub.s32 s7, s8;
	s8 =	simm.s32 $0x9  }
0xe: {  	s4 =	sadd.s32 $0xC00, s5;
	s5 =	sadd.s32 $0x20C00, s6;
	s6 =	sadd.s32 s1, s26  }
0xf: {  	s7 =	smax.u32 s25, $0x1;
	s25 =	simm.s32 $0x5;
	s26 =	simm.s32 $0x6  }
.LBB2_20:
0x10: {  	s31 =	sadd.s32 $0x1, s31  }
0x11: {  	p0 =	sne.s32 s31, s7  }
.Ltmp1:
0x12: {  	_ = 	snop;
	(pc) =	sbr.rel @!p0 .LBB2_21-.Ltmp1, $4  }
0x13: {  	[hbm4b:s6+s2] =	stream.linear.scatter [tilespmem:s30], [sflag:$0x9], $0x1000, $0x38;
	[tilespmem:$0x15880] =	vst v63  }
0x14: {  	_ =	swait.ge [sflag:s8], $0x1000  }
0x15: {  	[sflag:s8] =	ssyncset.done $0x0  }
0x16: {  	[sflag:s8] =	ssyncadd.s32 $0xFFFFF000  }
.LBB2_1:
0x17: {  	[tilespmem:s2], [sflag:$0x9] =	stream.linear.gather [hbm4b:s4+s2], $0x8000, $0x38;
	[tilespmem:$0x15880] =	vst v63  }
0x18: {  	_ =	swait.ge [sflag:s8], $0x8000  }
0x19: {  	[sflag:s8] =	ssyncset.done $0x0  }
0x1a: {  	[sflag:s8] =	ssyncadd.s32 $0xFFFF8000  }
0x1b: {  	[tilespmem:s9], [sflag:$0x9] =	stream.linear.gather [hbm4b:s5+s2], $0x80, $0x38;
	[tilespmem:$0x15880] =	vst v63  }
0x1c: {  	_ =	swait.ge [sflag:s8], $0x80  }
0x1d: {  	[sflag:s8] =	ssyncset.done $0x0  }
0x1e: {  	s0 =	simm.s32 $0x8000;
	[sflag:s8] =	ssyncadd.s32 $0xFFFFFF80  }
0x1f: {  	[tilespmem:s0], [sflag:$0x1] =	stream.indirect.gather [hbm4b:s3+s10], $0x20, s2, s10, $0xb8;
	[tilespmem:$0x15880] =	vst v63  }
0x20: {  	s14 =	simm.s32 $0x9000  }
0x21: {  	[tilespmem:s14], [sflag:$0x1] =	stream.indirect.gather [hbm4b:s3+s12], $0x20, s10, s12, $0xb8;
	[tilespmem:$0x15880] =	vst v63  }
0x22: {  	s15 =	simm.s32 $0x100;
	s1 =	simm.s32 $0x9900  }
0x23: {  	[tilespmem:s1], [sflag:$0x2] =	stream.indirect.gather [hbm4b:s3+s10], $0x20, s15, s10, $0xb8;
	[tilespmem:$0x15880] =	vst v63  }
0x24: {  	s11 =	simm.s32 $0x180;
	s13 =	simm.s32 $0xA900  }
0x25: {  	[tilespmem:s13], [sflag:$0x2] =	stream.indirect.gather [hbm4b:s3+s12], $0x20, s11, s12, $0xb8;
	[tilespmem:$0x15880] =	vst v63  }
0x26: {  	s14 =	simm.s32 $0x200;
	s15 =	simm.s32 $0xB200  }
0x27: {  	[tilespmem:s15], [sflag:$0x3] =	stream.indirect.gather [hbm4b:s3+s10], $0x20, s14, s10, $0xb8;
	[tilespmem:$0x15880] =	vst v63  }
0x28: {  	s11 =	simm.s32 $0x280;
	s13 =	simm.s32 $0xC200  }
0x29: {  	[tilespmem:s13], [sflag:$0x3] =	stream.indirect.gather [hbm4b:s3+s12], $0x20, s11, s12, $0xb8;
	[tilespmem:$0x15880] =	vst v63  }
0x2a: {  	s14 =	simm.s32 $0x300;
	s15 =	simm.s32 $0xCB00  }
0x2b: {  	[tilespmem:s15], [sflag:$0x4] =	stream.indirect.gather [hbm4b:s3+s10], $0x20, s14, s10, $0xb8;
	[tilespmem:$0x15880] =	vst v63  }
0x2c: {  	s11 =	simm.s32 $0x380;
	s13 =	simm.s32 $0xDB00  }
0x2d: {  	[tilespmem:s13], [sflag:$0x4] =	stream.indirect.gather [hbm4b:s3+s12], $0x20, s11, s12, $0xb8;
	[tilespmem:$0x15880] =	vst v63  }
0x2e: {  	s14 =	simm.s32 $0x400;
	s15 =	simm.s32 $0xE400  }
0x2f: {  	[tilespmem:s15], [sflag:$0x5] =	stream.indirect.gather [hbm4b:s3+s10], $0x20, s14, s10, $0xb8;
	[tilespmem:$0x15880] =	vst v63  }
0x30: {  	s11 =	simm.s32 $0x480;
	s13 =	simm.s32 $0xF400  }
0x31: {  	[tilespmem:s13], [sflag:$0x5] =	stream.indirect.gather [hbm4b:s3+s12], $0x20, s11, s12, $0xb8;
	[tilespmem:$0x15880] =	vst v63  }
0x32: {  	s14 =	simm.s32 $0x500;
	s15 =	simm.s32 $0xFD00  }
0x33: {  	[tilespmem:s15], [sflag:$0x6] =	stream.indirect.gather [hbm4b:s3+s10], $0x20, s14, s10, $0xb8;
	[tilespmem:$0x15880] =	vst v63  }
0x34: {  	s1 =	simm.s32 $0x580;
	s11 =	simm.s32 $0x10D00  }
0x35: {  	[tilespmem:s11], [sflag:$0x6] =	stream.indirect.gather [hbm4b:s3+s12], $0x20, s1, s12, $0xb8;
	[tilespmem:$0x15880] =	vst v63  }
0x36: {  	s13 =	simm.s32 $0x600;
	s14 =	simm.s32 $0x11600  }
0x37: {  	[tilespmem:s14], [sflag:$0x7] =	stream.indirect.gather [hbm4b:s3+s10], $0x20, s13, s10, $0xb8;
	[tilespmem:$0x15880] =	vst v63  }
0x38: {  	s15 =	simm.s32 $0x680  }
0x39: {  	[tilespmem:s16], [sflag:$0x7] =	stream.indirect.gather [hbm4b:s3+s12], $0x20, s15, s12, $0xb8;
	[tilespmem:$0x15880] =	vst v63  }
0x3a: {  	_ = 	snop  }
0x3b: {  	[tilespmem:s18], [sflag:$0x8] =	stream.indirect.gather [hbm4b:s3+s10], $0x20, s17, s10, $0xb8;
	[tilespmem:$0x15880] =	vst v63  }
0x3c: {  	s0 =	simm.s32 $0x0  }
0x3d: {  	[tilespmem:s20], [sflag:$0x8] =	stream.indirect.gather [hbm4b:s3+s12], $0x20, s19, s12, $0xb8;
	[tilespmem:$0x15880] =	vst v63  }
.LBB2_2:
0x3e: {  	_ =	swait.ge [sflag:s21], $0x1900  }
0x3f: {  	[sflag:s21] =	ssyncset.done $0x0  }
0x40: {  	s11 =	simm.s32 $0x8080;
	[sflag:s21] =	ssyncadd.s32 $0xFFFFE700  }
0x41: {  	v0 =	vld [tilespmem:s11+$0xFFFFFF80]  }
0x42: {  	v1 =	vld [tilespmem:s11+$0xFFFFFF90]  }
0x43: {  	v2 =	vld [tilespmem:s11+$0xFFFFFFA0]  }
0x44: {  	v3 =	vld [tilespmem:s11+$0xFFFFFFB0]  }
0x45: {  	v4 =	vld [tilespmem:s11+$0xFFFFFFC0]  }
0x46: {  	v6 =	vimm.f32 $0.0e+00;
	v5 =	vld [tilespmem:s11+$0xFFFFFFD0]  }
0x47: {  	v7 =	vld [tilespmem:s11+$0xFFFFFFE0];
	v0 =	vadd.f32 v0, v6;
	v1 =	vadd.f32 v1, v6  }
0x48: {  	v6 =	vld [tilespmem:s11+$0xFFFFFFF0]  }
0x49: {  	v8 =	vld [tilespmem:s11+$0x0];
	v0 =	vadd.f32 v2, v0;
	v2 =	vadd.f32 v3, v1  }
0x4a: {  	v9 =	vld [tilespmem:s11+$0x10]  }
0x4b: {  	v1 =	vld [tilespmem:s11+$0x20];
	v3 =	vadd.f32 v4, v0;
	v2 =	vadd.f32 v5, v2  }
0x4c: {  	v4 =	vld [tilespmem:s11+$0x30]  }
0x4d: {  	v0 =	vld [tilespmem:s11+$0x40];
	v5 =	vadd.f32 v7, v3;
	v7 =	vadd.f32 v6, v2  }
0x4e: {  	v3 =	vld [tilespmem:s11+$0x50]  }
0x4f: {  	v2 =	vld [tilespmem:s11+$0x60];
	v6 =	vadd.f32 v8, v5;
	v7 =	vadd.f32 v9, v7  }
0x50: {  	s1 =	simm.s32 $0x0;
	v5 =	vld [tilespmem:s11+$0x70];
	s11 =	simm.s32 $0x8180  }
.LBB2_3:
0x51: {  	v8 =	vld [tilespmem:s11+$0xFFFFFF80];
	v1 =	vadd.f32 v1, v6;
	v4 =	vadd.f32 v4, v7  }
0x52: {  	s1 =	sadd.s32 $0x8, s1;
	v6 =	vld [tilespmem:s11+$0xFFFFFF90]  }
0x53: {  	p0 =	slt.u32 s1, $0xC0;
	v7 =	vld [tilespmem:s11+$0xFFFFFFA0];
	v0 =	vadd.f32 v0, v1;
	v1 =	vadd.f32 v3, v4  }
0x54: {  	v3 =	vld [tilespmem:s11+$0xFFFFFFB0]  }
0x55: {  	v4 =	vld [tilespmem:s11+$0xFFFFFFC0];
	v0 =	vadd.f32 v2, v0;
	v1 =	vadd.f32 v5, v1  }
0x56: {  	v2 =	vld [tilespmem:s11+$0xFFFFFFD0]  }
0x57: {  	v0 =	vadd.f32 v8, v0;
	v1 =	vadd.f32 v6, v1;
	v5 =	vld [tilespmem:s11+$0xFFFFFFE0]  }
0x58: {  	v6 =	vld [tilespmem:s11+$0xFFFFFFF0]  }
0x59: {  	v0 =	vadd.f32 v7, v0;
	v1 =	vadd.f32 v3, v1;
	v7 =	vld [tilespmem:s11+$0x0]  }
0x5a: {  	v8 =	vld [tilespmem:s11+$0x10]  }
0x5b: {  	v0 =	vadd.f32 v4, v0;
	v2 =	vadd.f32 v2, v1;
	v1 =	vld [tilespmem:s11+$0x20]  }
.Ltmp2:
0x5c: {  	v4 =	vld [tilespmem:s11+$0x30];
	(pc) =	sbr.rel @p0 .LBB2_3-.Ltmp2, $4  }
0x5d: {  	v5 =	vadd.f32 v5, v0;
	v2 =	vadd.f32 v6, v2;
	v0 =	vld [tilespmem:s11+$0x40]  }
0x5e: {  	v3 =	vld [tilespmem:s11+$0x50]  }
0x5f: {  	v6 =	vadd.f32 v7, v5;
	v7 =	vadd.f32 v8, v2;
	v2 =	vld [tilespmem:s11+$0x60]  }
0x60: {  	v5 =	vld [tilespmem:s11+$0x70];
	s11 =	sadd.s32 $0x100, s11  }
0x61: {  	s1 =	sshll.u32 s0, $0x3  }
0x62: {  	v8 =	vmov s1  }
0x63: {  	v8 =	vshrl.u32 v8, $0x3  }
0x64: {  	v8 =	vshll.u32 v8, $0x3  }
0x65: {  	v8 =	vbroadcast v8, $0x0;
	_ =	sdelay $0x4  }
0x66: {  	v1 =	vadd.f32 v1, v6  }
0x67: {  	v4 =	vadd.f32 v4, v7;
	v6 =	vld.idx.msk [tilespmem:v8+s9+$0x0], $0xffff  }
0x68: {  	v0 =	vadd.f32 v0, v1  }
0x69: {  	v1 =	vadd.f32 v3, v4  }
0x6a: {  	v0 =	vadd.f32 v2, v0  }
0x6b: {  	v1 =	vadd.f32 v5, v1  }
0x6c: {  	s11 =	sshll.u32 s0, $0x8;
	p0 =	seq.s32 s0, $0xF;
	v0 =	vmul.f32 v6, v0  }
0x6d: {  	s13 =	sand.u32 $0x3FFFFF00, s11;
	s11 =	sshll.u32 @!p0 s0, $0xB;
	v1 =	vmul.f32 v6, v1  }
0x6e: {  	s11 =	sand.u32 @!p0 $0x3FFFF800, s11;
	[tilespmem:s13+$0x14800] =	vst v0  }
0x6f: {  	s14 =	simm.s32 @!p0 $0x80;
	s15 =	simm.s32 @!p0 $0x8000;
	[tilespmem:s13+$0x14810] =	vst v1;
	s13 =	sadd.s32 @!p0 $0x800, s11  }
0x70: {  	[tilespmem:s15], [sflag:$0x1] =	stream.indirect.gather @!p0 [hbm4b:s3+s14], $0x20, s13, s14, $0xb8;
	[tilespmem:$0x15880] =	vst v63  }
0x71: {  	s13 =	sadd.s32 @!p0 $0x880, s11;
	s14 =	simm.s32 @!p0 $0x48;
	s15 =	simm.s32 @!p0 $0x9000  }
0x72: {  	[tilespmem:s15], [sflag:$0x1] =	stream.indirect.gather @!p0 [hbm4b:s3+s14], $0x20, s13, s14, $0xb8;
	[tilespmem:$0x15880] =	vst v63  }
0x73: {  	_ =	swait.ge [sflag:s22], $0x1900  }
0x74: {  	[sflag:s22] =	ssyncset.done $0x0  }
0x75: {  	s15 =	simm.s32 $0x9980;
	[sflag:s22] =	ssyncadd.s32 $0xFFFFE700  }
0x76: {  	v0 =	vld [tilespmem:s15+$0xFFFFFF80]  }
0x77: {  	v1 =	vld [tilespmem:s15+$0xFFFFFF90]  }
0x78: {  	v2 =	vld [tilespmem:s15+$0xFFFFFFA0]  }
0x79: {  	v3 =	vld [tilespmem:s15+$0xFFFFFFB0]  }
0x7a: {  	v4 =	vld [tilespmem:s15+$0xFFFFFFC0]  }
0x7b: {  	v6 =	vimm.f32 $0.0e+00;
	v5 =	vld [tilespmem:s15+$0xFFFFFFD0]  }
0x7c: {  	v7 =	vld [tilespmem:s15+$0xFFFFFFE0];
	v0 =	vadd.f32 v0, v6;
	v1 =	vadd.f32 v1, v6  }
0x7d: {  	v6 =	vld [tilespmem:s15+$0xFFFFFFF0]  }
0x7e: {  	v8 =	vld [tilespmem:s15+$0x0];
	v0 =	vadd.f32 v2, v0;
	v2 =	vadd.f32 v3, v1  }
0x7f: {  	v9 =	vld [tilespmem:s15+$0x10]  }
0x80: {  	v1 =	vld [tilespmem:s15+$0x20];
	v3 =	vadd.f32 v4, v0;
	v2 =	vadd.f32 v5, v2  }
0x81: {  	v4 =	vld [tilespmem:s15+$0x30]  }
0x82: {  	v0 =	vld [tilespmem:s15+$0x40];
	v5 =	vadd.f32 v7, v3;
	v7 =	vadd.f32 v6, v2  }
0x83: {  	v3 =	vld [tilespmem:s15+$0x50]  }
0x84: {  	v2 =	vld [tilespmem:s15+$0x60];
	v6 =	vadd.f32 v8, v5;
	v7 =	vadd.f32 v9, v7  }
0x85: {  	s13 =	simm.s32 $0x0;
	s14 =	simm.s32 $0x9A80;
	v5 =	vld [tilespmem:s15+$0x70]  }
.LBB2_5:
0x86: {  	v8 =	vld [tilespmem:s14+$0xFFFFFF80];
	v1 =	vadd.f32 v1, v6;
	v4 =	vadd.f32 v4, v7  }
0x87: {  	s13 =	sadd.s32 $0x8, s13;
	v6 =	vld [tilespmem:s14+$0xFFFFFF90]  }
0x88: {  	p1 =	slt.u32 s13, $0xC0;
	v7 =	vld [tilespmem:s14+$0xFFFFFFA0];
	v0 =	vadd.f32 v0, v1;
	v1 =	vadd.f32 v3, v4  }
0x89: {  	v3 =	vld [tilespmem:s14+$0xFFFFFFB0]  }
0x8a: {  	v4 =	vld [tilespmem:s14+$0xFFFFFFC0];
	v0 =	vadd.f32 v2, v0;
	v1 =	vadd.f32 v5, v1  }
0x8b: {  	v2 =	vld [tilespmem:s14+$0xFFFFFFD0]  }
0x8c: {  	v0 =	vadd.f32 v8, v0;
	v1 =	vadd.f32 v6, v1;
	v5 =	vld [tilespmem:s14+$0xFFFFFFE0]  }
0x8d: {  	v6 =	vld [tilespmem:s14+$0xFFFFFFF0]  }
0x8e: {  	v0 =	vadd.f32 v7, v0;
	v1 =	vadd.f32 v3, v1;
	v7 =	vld [tilespmem:s14+$0x0]  }
0x8f: {  	v8 =	vld [tilespmem:s14+$0x10]  }
0x90: {  	v0 =	vadd.f32 v4, v0;
	v2 =	vadd.f32 v2, v1;
	v1 =	vld [tilespmem:s14+$0x20]  }
.Ltmp3:
0x91: {  	v4 =	vld [tilespmem:s14+$0x30];
	(pc) =	sbr.rel @p1 .LBB2_5-.Ltmp3, $4  }
0x92: {  	v5 =	vadd.f32 v5, v0;
	v2 =	vadd.f32 v6, v2;
	v0 =	vld [tilespmem:s14+$0x40]  }
0x93: {  	v3 =	vld [tilespmem:s14+$0x50]  }
0x94: {  	v6 =	vadd.f32 v7, v5;
	v7 =	vadd.f32 v8, v2;
	v2 =	vld [tilespmem:s14+$0x60]  }
0x95: {  	v5 =	vld [tilespmem:s14+$0x70];
	s14 =	sadd.s32 $0x100, s14  }
0x96: {  	s13 =	sor.u32 $0x1, s1  }
0x97: {  	v8 =	vmov s13  }
0x98: {  	v8 =	vshrl.u32 v8, $0x3  }
0x99: {  	v8 =	vshll.u32 v8, $0x3  }
0x9a: {  	v8 =	vor.u32 $0x1, v8  }
0x9b: {  	v8 =	vbroadcast v8, $0x0;
	_ =	sdelay $0x4  }
0x9c: {  	v1 =	vadd.f32 v1, v6  }
0x9d: {  	v4 =	vadd.f32 v4, v7;
	v6 =	vld.idx.msk [tilespmem:v8+s9+$0x0], $0xffff  }
0x9e: {  	v0 =	vadd.f32 v0, v1  }
0x9f: {  	v1 =	vadd.f32 v3, v4  }
0xa0: {  	v0 =	vadd.f32 v2, v0  }
0xa1: {  	v1 =	vadd.f32 v5, v1  }
0xa2: {  	s13 =	sshll.u32 s13, $0x5;
	v0 =	vmul.f32 v6, v0  }
0xa3: {  	s13 =	sand.u32 $0x3FFFFFE0, s13;
	v1 =	vmul.f32 v6, v1  }
0xa4: {  	[tilespmem:s13+$0x14800] =	vst v0  }
0xa5: {  	s14 =	simm.s32 @!p0 $0x80;
	s15 =	simm.s32 @!p0 $0x9900;
	[tilespmem:s13+$0x14810] =	vst v1;
	s13 =	sadd.s32 @!p0 $0x900, s11  }
0xa6: {  	[tilespmem:s15], [sflag:$0x2] =	stream.indirect.gather @!p0 [hbm4b:s3+s14], $0x20, s13, s14, $0xb8;
	[tilespmem:$0x15880] =	vst v63  }
0xa7: {  	s13 =	sadd.s32 @!p0 $0x980, s11;
	s14 =	simm.s32 @!p0 $0x48;
	s15 =	simm.s32 @!p0 $0xA900  }
0xa8: {  	[tilespmem:s15], [sflag:$0x2] =	stream.indirect.gather @!p0 [hbm4b:s3+s14], $0x20, s13, s14, $0xb8;
	[tilespmem:$0x15880] =	vst v63  }
0xa9: {  	_ =	swait.ge [sflag:s23], $0x1900  }
0xaa: {  	[sflag:s23] =	ssyncset.done $0x0  }
0xab: {  	s15 =	simm.s32 $0xB280;
	[sflag:s23] =	ssyncadd.s32 $0xFFFFE700  }
0xac: {  	v0 =	vld [tilespmem:s15+$0xFFFFFF80]  }
0xad: {  	v1 =	vld [tilespmem:s15+$0xFFFFFF90]  }
0xae: {  	v2 =	vld [tilespmem:s15+$0xFFFFFFA0]  }
0xaf: {  	v3 =	vld [tilespmem:s15+$0xFFFFFFB0]  }
0xb0: {  	v4 =	vld [tilespmem:s15+$0xFFFFFFC0]  }
0xb1: {  	v6 =	vimm.f32 $0.0e+00;
	v5 =	vld [tilespmem:s15+$0xFFFFFFD0]  }
0xb2: {  	v7 =	vld [tilespmem:s15+$0xFFFFFFE0];
	v0 =	vadd.f32 v0, v6;
	v1 =	vadd.f32 v1, v6  }
0xb3: {  	v6 =	vld [tilespmem:s15+$0xFFFFFFF0]  }
0xb4: {  	v8 =	vld [tilespmem:s15+$0x0];
	v0 =	vadd.f32 v2, v0;
	v2 =	vadd.f32 v3, v1  }
0xb5: {  	v9 =	vld [tilespmem:s15+$0x10]  }
0xb6: {  	v1 =	vld [tilespmem:s15+$0x20];
	v3 =	vadd.f32 v4, v0;
	v2 =	vadd.f32 v5, v2  }
0xb7: {  	v4 =	vld [tilespmem:s15+$0x30]  }
0xb8: {  	v0 =	vld [tilespmem:s15+$0x40];
	v5 =	vadd.f32 v7, v3;
	v7 =	vadd.f32 v6, v2  }
0xb9: {  	v3 =	vld [tilespmem:s15+$0x50]  }
0xba: {  	v2 =	vld [tilespmem:s15+$0x60];
	v6 =	vadd.f32 v8, v5;
	v7 =	vadd.f32 v9, v7  }
0xbb: {  	s13 =	simm.s32 $0x0;
	s14 =	simm.s32 $0xB380;
	v5 =	vld [tilespmem:s15+$0x70]  }
.LBB2_7:
0xbc: {  	v8 =	vld [tilespmem:s14+$0xFFFFFF80];
	v1 =	vadd.f32 v1, v6;
	v4 =	vadd.f32 v4, v7  }
0xbd: {  	s13 =	sadd.s32 $0x8, s13;
	v6 =	vld [tilespmem:s14+$0xFFFFFF90]  }
0xbe: {  	p1 =	slt.u32 s13, $0xC0;
	v7 =	vld [tilespmem:s14+$0xFFFFFFA0];
	v0 =	vadd.f32 v0, v1;
	v1 =	vadd.f32 v3, v4  }
0xbf: {  	v3 =	vld [tilespmem:s14+$0xFFFFFFB0]  }
0xc0: {  	v4 =	vld [tilespmem:s14+$0xFFFFFFC0];
	v0 =	vadd.f32 v2, v0;
	v1 =	vadd.f32 v5, v1  }
0xc1: {  	v2 =	vld [tilespmem:s14+$0xFFFFFFD0]  }
0xc2: {  	v0 =	vadd.f32 v8, v0;
	v1 =	vadd.f32 v6, v1;
	v5 =	vld [tilespmem:s14+$0xFFFFFFE0]  }
0xc3: {  	v6 =	vld [tilespmem:s14+$0xFFFFFFF0]  }
0xc4: {  	v0 =	vadd.f32 v7, v0;
	v1 =	vadd.f32 v3, v1;
	v7 =	vld [tilespmem:s14+$0x0]  }
0xc5: {  	v8 =	vld [tilespmem:s14+$0x10]  }
0xc6: {  	v0 =	vadd.f32 v4, v0;
	v2 =	vadd.f32 v2, v1;
	v1 =	vld [tilespmem:s14+$0x20]  }
.Ltmp4:
0xc7: {  	v4 =	vld [tilespmem:s14+$0x30];
	(pc) =	sbr.rel @p1 .LBB2_7-.Ltmp4, $4  }
0xc8: {  	v5 =	vadd.f32 v5, v0;
	v2 =	vadd.f32 v6, v2;
	v0 =	vld [tilespmem:s14+$0x40]  }
0xc9: {  	v3 =	vld [tilespmem:s14+$0x50]  }
0xca: {  	v6 =	vadd.f32 v7, v5;
	v7 =	vadd.f32 v8, v2;
	v2 =	vld [tilespmem:s14+$0x60]  }
0xcb: {  	v5 =	vld [tilespmem:s14+$0x70];
	s14 =	sadd.s32 $0x100, s14  }
0xcc: {  	s13 =	sor.u32 $0x2, s1  }
0xcd: {  	v8 =	vmov s13  }
0xce: {  	v8 =	vshrl.u32 v8, $0x3  }
0xcf: {  	v8 =	vshll.u32 v8, $0x3  }
0xd0: {  	v8 =	vor.u32 $0x2, v8  }
0xd1: {  	v8 =	vbroadcast v8, $0x0;
	_ =	sdelay $0x4  }
0xd2: {  	v1 =	vadd.f32 v1, v6  }
0xd3: {  	v4 =	vadd.f32 v4, v7;
	v6 =	vld.idx.msk [tilespmem:v8+s9+$0x0], $0xffff  }
0xd4: {  	v0 =	vadd.f32 v0, v1  }
0xd5: {  	v1 =	vadd.f32 v3, v4  }
0xd6: {  	v0 =	vadd.f32 v2, v0  }
0xd7: {  	v1 =	vadd.f32 v5, v1  }
0xd8: {  	s13 =	sshll.u32 s13, $0x5;
	v0 =	vmul.f32 v6, v0  }
0xd9: {  	s13 =	sand.u32 $0x3FFFFFE0, s13;
	v1 =	vmul.f32 v6, v1  }
0xda: {  	[tilespmem:s13+$0x14800] =	vst v0  }
0xdb: {  	s14 =	simm.s32 @!p0 $0x80;
	s15 =	simm.s32 @!p0 $0xB200;
	[tilespmem:s13+$0x14810] =	vst v1;
	s13 =	sadd.s32 @!p0 $0xA00, s11  }
0xdc: {  	[tilespmem:s15], [sflag:$0x3] =	stream.indirect.gather @!p0 [hbm4b:s3+s14], $0x20, s13, s14, $0xb8;
	[tilespmem:$0x15880] =	vst v63  }
0xdd: {  	s13 =	sadd.s32 @!p0 $0xA80, s11;
	s14 =	simm.s32 @!p0 $0x48;
	s15 =	simm.s32 @!p0 $0xC200  }
0xde: {  	[tilespmem:s15], [sflag:$0x3] =	stream.indirect.gather @!p0 [hbm4b:s3+s14], $0x20, s13, s14, $0xb8;
	[tilespmem:$0x15880] =	vst v63  }
0xdf: {  	_ =	swait.ge [sflag:s24], $0x1900  }
0xe0: {  	[sflag:s24] =	ssyncset.done $0x0  }
0xe1: {  	s15 =	simm.s32 $0xCB80;
	[sflag:s24] =	ssyncadd.s32 $0xFFFFE700  }
0xe2: {  	v0 =	vld [tilespmem:s15+$0xFFFFFF80]  }
0xe3: {  	v1 =	vld [tilespmem:s15+$0xFFFFFF90]  }
0xe4: {  	v2 =	vld [tilespmem:s15+$0xFFFFFFA0]  }
0xe5: {  	v3 =	vld [tilespmem:s15+$0xFFFFFFB0]  }
0xe6: {  	v4 =	vld [tilespmem:s15+$0xFFFFFFC0]  }
0xe7: {  	v6 =	vimm.f32 $0.0e+00;
	v5 =	vld [tilespmem:s15+$0xFFFFFFD0]  }
0xe8: {  	v7 =	vld [tilespmem:s15+$0xFFFFFFE0];
	v0 =	vadd.f32 v0, v6;
	v1 =	vadd.f32 v1, v6  }
0xe9: {  	v6 =	vld [tilespmem:s15+$0xFFFFFFF0]  }
0xea: {  	v8 =	vld [tilespmem:s15+$0x0];
	v0 =	vadd.f32 v2, v0;
	v2 =	vadd.f32 v3, v1  }
0xeb: {  	v9 =	vld [tilespmem:s15+$0x10]  }
0xec: {  	v1 =	vld [tilespmem:s15+$0x20];
	v3 =	vadd.f32 v4, v0;
	v2 =	vadd.f32 v5, v2  }
0xed: {  	v4 =	vld [tilespmem:s15+$0x30]  }
0xee: {  	v0 =	vld [tilespmem:s15+$0x40];
	v5 =	vadd.f32 v7, v3;
	v7 =	vadd.f32 v6, v2  }
0xef: {  	v3 =	vld [tilespmem:s15+$0x50]  }
0xf0: {  	v2 =	vld [tilespmem:s15+$0x60];
	v6 =	vadd.f32 v8, v5;
	v7 =	vadd.f32 v9, v7  }
0xf1: {  	s13 =	simm.s32 $0x0;
	s14 =	simm.s32 $0xCC80;
	v5 =	vld [tilespmem:s15+$0x70]  }
.LBB2_9:
0xf2: {  	v8 =	vld [tilespmem:s14+$0xFFFFFF80];
	v1 =	vadd.f32 v1, v6;
	v4 =	vadd.f32 v4, v7  }
0xf3: {  	s13 =	sadd.s32 $0x8, s13;
	v6 =	vld [tilespmem:s14+$0xFFFFFF90]  }
0xf4: {  	p1 =	slt.u32 s13, $0xC0;
	v7 =	vld [tilespmem:s14+$0xFFFFFFA0];
	v0 =	vadd.f32 v0, v1;
	v1 =	vadd.f32 v3, v4  }
0xf5: {  	v3 =	vld [tilespmem:s14+$0xFFFFFFB0]  }
0xf6: {  	v4 =	vld [tilespmem:s14+$0xFFFFFFC0];
	v0 =	vadd.f32 v2, v0;
	v1 =	vadd.f32 v5, v1  }
0xf7: {  	v2 =	vld [tilespmem:s14+$0xFFFFFFD0]  }
0xf8: {  	v0 =	vadd.f32 v8, v0;
	v1 =	vadd.f32 v6, v1;
	v5 =	vld [tilespmem:s14+$0xFFFFFFE0]  }
0xf9: {  	v6 =	vld [tilespmem:s14+$0xFFFFFFF0]  }
0xfa: {  	v0 =	vadd.f32 v7, v0;
	v1 =	vadd.f32 v3, v1;
	v7 =	vld [tilespmem:s14+$0x0]  }
0xfb: {  	v8 =	vld [tilespmem:s14+$0x10]  }
0xfc: {  	v0 =	vadd.f32 v4, v0;
	v2 =	vadd.f32 v2, v1;
	v1 =	vld [tilespmem:s14+$0x20]  }
.Ltmp5:
0xfd: {  	v4 =	vld [tilespmem:s14+$0x30];
	(pc) =	sbr.rel @p1 .LBB2_9-.Ltmp5, $4  }
0xfe: {  	v5 =	vadd.f32 v5, v0;
	v2 =	vadd.f32 v6, v2;
	v0 =	vld [tilespmem:s14+$0x40]  }
0xff: {  	v3 =	vld [tilespmem:s14+$0x50]  }
0x100: {  	v6 =	vadd.f32 v7, v5;
	v7 =	vadd.f32 v8, v2;
	v2 =	vld [tilespmem:s14+$0x60]  }
0x101: {  	v5 =	vld [tilespmem:s14+$0x70];
	s14 =	sadd.s32 $0x100, s14  }
0x102: {  	s13 =	sor.u32 $0x3, s1  }
0x103: {  	v8 =	vmov s13  }
0x104: {  	v8 =	vshrl.u32 v8, $0x3  }
0x105: {  	v8 =	vshll.u32 v8, $0x3  }
0x106: {  	v8 =	vor.u32 $0x3, v8  }
0x107: {  	v8 =	vbroadcast v8, $0x0;
	_ =	sdelay $0x4  }
0x108: {  	v1 =	vadd.f32 v1, v6  }
0x109: {  	v4 =	vadd.f32 v4, v7;
	v6 =	vld.idx.msk [tilespmem:v8+s9+$0x0], $0xffff  }
0x10a: {  	v0 =	vadd.f32 v0, v1  }
0x10b: {  	v1 =	vadd.f32 v3, v4  }
0x10c: {  	v0 =	vadd.f32 v2, v0  }
0x10d: {  	v1 =	vadd.f32 v5, v1  }
0x10e: {  	s13 =	sshll.u32 s13, $0x5;
	v0 =	vmul.f32 v6, v0  }
0x10f: {  	s13 =	sand.u32 $0x3FFFFFE0, s13;
	v1 =	vmul.f32 v6, v1  }
0x110: {  	[tilespmem:s13+$0x14800] =	vst v0  }
0x111: {  	s14 =	simm.s32 @!p0 $0x80;
	s15 =	simm.s32 @!p0 $0xCB00;
	[tilespmem:s13+$0x14810] =	vst v1;
	s13 =	sadd.s32 @!p0 $0xB00, s11  }
0x112: {  	[tilespmem:s15], [sflag:$0x4] =	stream.indirect.gather @!p0 [hbm4b:s3+s14], $0x20, s13, s14, $0xb8;
	[tilespmem:$0x15880] =	vst v63  }
0x113: {  	s13 =	sadd.s32 @!p0 $0xB80, s11;
	s14 =	simm.s32 @!p0 $0x48;
	s15 =	simm.s32 @!p0 $0xDB00  }
0x114: {  	[tilespmem:s15], [sflag:$0x4] =	stream.indirect.gather @!p0 [hbm4b:s3+s14], $0x20, s13, s14, $0xb8;
	[tilespmem:$0x15880] =	vst v63  }
0x115: {  	_ =	swait.ge [sflag:s25], $0x1900  }
0x116: {  	[sflag:s25] =	ssyncset.done $0x0  }
0x117: {  	s15 =	simm.s32 $0xE480;
	[sflag:s25] =	ssyncadd.s32 $0xFFFFE700  }
0x118: {  	v0 =	vld [tilespmem:s15+$0xFFFFFF80]  }
0x119: {  	v1 =	vld [tilespmem:s15+$0xFFFFFF90]  }
0x11a: {  	v2 =	vld [tilespmem:s15+$0xFFFFFFA0]  }
0x11b: {  	v3 =	vld [tilespmem:s15+$0xFFFFFFB0]  }
0x11c: {  	v4 =	vld [tilespmem:s15+$0xFFFFFFC0]  }
0x11d: {  	v6 =	vimm.f32 $0.0e+00;
	v5 =	vld [tilespmem:s15+$0xFFFFFFD0]  }
0x11e: {  	v7 =	vld [tilespmem:s15+$0xFFFFFFE0];
	v0 =	vadd.f32 v0, v6;
	v1 =	vadd.f32 v1, v6  }
0x11f: {  	v6 =	vld [tilespmem:s15+$0xFFFFFFF0]  }
0x120: {  	v8 =	vld [tilespmem:s15+$0x0];
	v0 =	vadd.f32 v2, v0;
	v2 =	vadd.f32 v3, v1  }
0x121: {  	v9 =	vld [tilespmem:s15+$0x10]  }
0x122: {  	v1 =	vld [tilespmem:s15+$0x20];
	v3 =	vadd.f32 v4, v0;
	v2 =	vadd.f32 v5, v2  }
0x123: {  	v4 =	vld [tilespmem:s15+$0x30]  }
0x124: {  	v0 =	vld [tilespmem:s15+$0x40];
	v5 =	vadd.f32 v7, v3;
	v7 =	vadd.f32 v6, v2  }
0x125: {  	v3 =	vld [tilespmem:s15+$0x50]  }
0x126: {  	v2 =	vld [tilespmem:s15+$0x60];
	v6 =	vadd.f32 v8, v5;
	v7 =	vadd.f32 v9, v7  }
0x127: {  	s13 =	simm.s32 $0x0;
	s14 =	simm.s32 $0xE580;
	v5 =	vld [tilespmem:s15+$0x70]  }
.LBB2_11:
0x128: {  	v8 =	vld [tilespmem:s14+$0xFFFFFF80];
	v1 =	vadd.f32 v1, v6;
	v4 =	vadd.f32 v4, v7  }
0x129: {  	s13 =	sadd.s32 $0x8, s13;
	v6 =	vld [tilespmem:s14+$0xFFFFFF90]  }
0x12a: {  	p1 =	slt.u32 s13, $0xC0;
	v7 =	vld [tilespmem:s14+$0xFFFFFFA0];
	v0 =	vadd.f32 v0, v1;
	v1 =	vadd.f32 v3, v4  }
0x12b: {  	v3 =	vld [tilespmem:s14+$0xFFFFFFB0]  }
0x12c: {  	v4 =	vld [tilespmem:s14+$0xFFFFFFC0];
	v0 =	vadd.f32 v2, v0;
	v1 =	vadd.f32 v5, v1  }
0x12d: {  	v2 =	vld [tilespmem:s14+$0xFFFFFFD0]  }
0x12e: {  	v0 =	vadd.f32 v8, v0;
	v1 =	vadd.f32 v6, v1;
	v5 =	vld [tilespmem:s14+$0xFFFFFFE0]  }
0x12f: {  	v6 =	vld [tilespmem:s14+$0xFFFFFFF0]  }
0x130: {  	v0 =	vadd.f32 v7, v0;
	v1 =	vadd.f32 v3, v1;
	v7 =	vld [tilespmem:s14+$0x0]  }
0x131: {  	v8 =	vld [tilespmem:s14+$0x10]  }
0x132: {  	v0 =	vadd.f32 v4, v0;
	v2 =	vadd.f32 v2, v1;
	v1 =	vld [tilespmem:s14+$0x20]  }
.Ltmp6:
0x133: {  	v4 =	vld [tilespmem:s14+$0x30];
	(pc) =	sbr.rel @p1 .LBB2_11-.Ltmp6, $4  }
0x134: {  	v5 =	vadd.f32 v5, v0;
	v2 =	vadd.f32 v6, v2;
	v0 =	vld [tilespmem:s14+$0x40]  }
0x135: {  	v3 =	vld [tilespmem:s14+$0x50]  }
0x136: {  	v6 =	vadd.f32 v7, v5;
	v7 =	vadd.f32 v8, v2;
	v2 =	vld [tilespmem:s14+$0x60]  }
0x137: {  	v5 =	vld [tilespmem:s14+$0x70];
	s14 =	sadd.s32 $0x100, s14  }
0x138: {  	s13 =	sor.u32 $0x4, s1  }
0x139: {  	v8 =	vmov s13  }
0x13a: {  	v8 =	vshrl.u32 v8, $0x3  }
0x13b: {  	v8 =	vshll.u32 v8, $0x3  }
0x13c: {  	v8 =	vor.u32 $0x4, v8  }
0x13d: {  	v8 =	vbroadcast v8, $0x0;
	_ =	sdelay $0x4  }
0x13e: {  	v1 =	vadd.f32 v1, v6  }
0x13f: {  	v4 =	vadd.f32 v4, v7;
	v6 =	vld.idx.msk [tilespmem:v8+s9+$0x0], $0xffff  }
0x140: {  	v0 =	vadd.f32 v0, v1  }
0x141: {  	v1 =	vadd.f32 v3, v4  }
0x142: {  	v0 =	vadd.f32 v2, v0  }
0x143: {  	v1 =	vadd.f32 v5, v1  }
0x144: {  	s13 =	sshll.u32 s13, $0x5;
	v0 =	vmul.f32 v6, v0  }
0x145: {  	s13 =	sand.u32 $0x3FFFFFE0, s13;
	v1 =	vmul.f32 v6, v1  }
0x146: {  	[tilespmem:s13+$0x14800] =	vst v0  }
0x147: {  	s14 =	simm.s32 @!p0 $0x80;
	s15 =	simm.s32 @!p0 $0xE400;
	[tilespmem:s13+$0x14810] =	vst v1;
	s13 =	sadd.s32 @!p0 $0xC00, s11  }
0x148: {  	[tilespmem:s15], [sflag:$0x5] =	stream.indirect.gather @!p0 [hbm4b:s3+s14], $0x20, s13, s14, $0xb8;
	[tilespmem:$0x15880] =	vst v63  }
0x149: {  	s13 =	sadd.s32 @!p0 $0xC80, s11;
	s14 =	simm.s32 @!p0 $0x48;
	s15 =	simm.s32 @!p0 $0xF400  }
0x14a: {  	[tilespmem:s15], [sflag:$0x5] =	stream.indirect.gather @!p0 [hbm4b:s3+s14], $0x20, s13, s14, $0xb8;
	[tilespmem:$0x15880] =	vst v63  }
0x14b: {  	_ =	swait.ge [sflag:s26], $0x1900  }
0x14c: {  	[sflag:s26] =	ssyncset.done $0x0  }
0x14d: {  	s15 =	simm.s32 $0xFD80;
	[sflag:s26] =	ssyncadd.s32 $0xFFFFE700  }
0x14e: {  	v0 =	vld [tilespmem:s15+$0xFFFFFF80]  }
0x14f: {  	v1 =	vld [tilespmem:s15+$0xFFFFFF90]  }
0x150: {  	v2 =	vld [tilespmem:s15+$0xFFFFFFA0]  }
0x151: {  	v3 =	vld [tilespmem:s15+$0xFFFFFFB0]  }
0x152: {  	v4 =	vld [tilespmem:s15+$0xFFFFFFC0]  }
0x153: {  	v6 =	vimm.f32 $0.0e+00;
	v5 =	vld [tilespmem:s15+$0xFFFFFFD0]  }
0x154: {  	v7 =	vld [tilespmem:s15+$0xFFFFFFE0];
	v0 =	vadd.f32 v0, v6;
	v1 =	vadd.f32 v1, v6  }
0x155: {  	v6 =	vld [tilespmem:s15+$0xFFFFFFF0]  }
0x156: {  	v8 =	vld [tilespmem:s15+$0x0];
	v0 =	vadd.f32 v2, v0;
	v2 =	vadd.f32 v3, v1  }
0x157: {  	v9 =	vld [tilespmem:s15+$0x10]  }
0x158: {  	v1 =	vld [tilespmem:s15+$0x20];
	v3 =	vadd.f32 v4, v0;
	v2 =	vadd.f32 v5, v2  }
0x159: {  	v4 =	vld [tilespmem:s15+$0x30]  }
0x15a: {  	v0 =	vld [tilespmem:s15+$0x40];
	v5 =	vadd.f32 v7, v3;
	v7 =	vadd.f32 v6, v2  }
0x15b: {  	v3 =	vld [tilespmem:s15+$0x50]  }
0x15c: {  	v2 =	vld [tilespmem:s15+$0x60];
	v6 =	vadd.f32 v8, v5;
	v7 =	vadd.f32 v9, v7  }
0x15d: {  	s13 =	simm.s32 $0x0;
	s14 =	simm.s32 $0xFE80;
	v5 =	vld [tilespmem:s15+$0x70]  }
.LBB2_13:
0x15e: {  	v8 =	vld [tilespmem:s14+$0xFFFFFF80];
	v1 =	vadd.f32 v1, v6;
	v4 =	vadd.f32 v4, v7  }
0x15f: {  	s13 =	sadd.s32 $0x8, s13;
	v6 =	vld [tilespmem:s14+$0xFFFFFF90]  }
0x160: {  	p1 =	slt.u32 s13, $0xC0;
	v7 =	vld [tilespmem:s14+$0xFFFFFFA0];
	v0 =	vadd.f32 v0, v1;
	v1 =	vadd.f32 v3, v4  }
0x161: {  	v3 =	vld [tilespmem:s14+$0xFFFFFFB0]  }
0x162: {  	v4 =	vld [tilespmem:s14+$0xFFFFFFC0];
	v0 =	vadd.f32 v2, v0;
	v1 =	vadd.f32 v5, v1  }
0x163: {  	v2 =	vld [tilespmem:s14+$0xFFFFFFD0]  }
0x164: {  	v0 =	vadd.f32 v8, v0;
	v1 =	vadd.f32 v6, v1;
	v5 =	vld [tilespmem:s14+$0xFFFFFFE0]  }
0x165: {  	v6 =	vld [tilespmem:s14+$0xFFFFFFF0]  }
0x166: {  	v0 =	vadd.f32 v7, v0;
	v1 =	vadd.f32 v3, v1;
	v7 =	vld [tilespmem:s14+$0x0]  }
0x167: {  	v8 =	vld [tilespmem:s14+$0x10]  }
0x168: {  	v0 =	vadd.f32 v4, v0;
	v2 =	vadd.f32 v2, v1;
	v1 =	vld [tilespmem:s14+$0x20]  }
.Ltmp7:
0x169: {  	v4 =	vld [tilespmem:s14+$0x30];
	(pc) =	sbr.rel @p1 .LBB2_13-.Ltmp7, $4  }
0x16a: {  	v5 =	vadd.f32 v5, v0;
	v2 =	vadd.f32 v6, v2;
	v0 =	vld [tilespmem:s14+$0x40]  }
0x16b: {  	v3 =	vld [tilespmem:s14+$0x50]  }
0x16c: {  	v6 =	vadd.f32 v7, v5;
	v7 =	vadd.f32 v8, v2;
	v2 =	vld [tilespmem:s14+$0x60]  }
0x16d: {  	v5 =	vld [tilespmem:s14+$0x70];
	s14 =	sadd.s32 $0x100, s14  }
0x16e: {  	s13 =	sor.u32 $0x5, s1  }
0x16f: {  	v8 =	vmov s13  }
0x170: {  	v8 =	vshrl.u32 v8, $0x3  }
0x171: {  	v8 =	vshll.u32 v8, $0x3  }
0x172: {  	v8 =	vor.u32 $0x5, v8  }
0x173: {  	v8 =	vbroadcast v8, $0x0;
	_ =	sdelay $0x4  }
0x174: {  	v1 =	vadd.f32 v1, v6  }
0x175: {  	v4 =	vadd.f32 v4, v7;
	v6 =	vld.idx.msk [tilespmem:v8+s9+$0x0], $0xffff  }
0x176: {  	v0 =	vadd.f32 v0, v1  }
0x177: {  	v1 =	vadd.f32 v3, v4  }
0x178: {  	v0 =	vadd.f32 v2, v0  }
0x179: {  	v1 =	vadd.f32 v5, v1  }
0x17a: {  	s13 =	sshll.u32 s13, $0x5;
	v0 =	vmul.f32 v6, v0  }
0x17b: {  	s13 =	sand.u32 $0x3FFFFFE0, s13;
	v1 =	vmul.f32 v6, v1  }
0x17c: {  	[tilespmem:s13+$0x14800] =	vst v0  }
0x17d: {  	s14 =	simm.s32 @!p0 $0x80;
	s15 =	simm.s32 @!p0 $0xFD00;
	[tilespmem:s13+$0x14810] =	vst v1;
	s13 =	sadd.s32 @!p0 $0xD00, s11  }
0x17e: {  	[tilespmem:s15], [sflag:$0x6] =	stream.indirect.gather @!p0 [hbm4b:s3+s14], $0x20, s13, s14, $0xb8;
	[tilespmem:$0x15880] =	vst v63  }
0x17f: {  	s13 =	sadd.s32 @!p0 $0xD80, s11;
	s14 =	simm.s32 @!p0 $0x48;
	s15 =	simm.s32 @!p0 $0x10D00  }
0x180: {  	[tilespmem:s15], [sflag:$0x6] =	stream.indirect.gather @!p0 [hbm4b:s3+s14], $0x20, s13, s14, $0xb8;
	[tilespmem:$0x15880] =	vst v63  }
0x181: {  	_ =	swait.ge [sflag:s28], $0x1900  }
0x182: {  	[sflag:s28] =	ssyncset.done $0x0  }
0x183: {  	s15 =	simm.s32 $0x11680;
	[sflag:s28] =	ssyncadd.s32 $0xFFFFE700  }
0x184: {  	v0 =	vld [tilespmem:s15+$0xFFFFFF80]  }
0x185: {  	v1 =	vld [tilespmem:s15+$0xFFFFFF90]  }
0x186: {  	v2 =	vld [tilespmem:s15+$0xFFFFFFA0]  }
0x187: {  	v3 =	vld [tilespmem:s15+$0xFFFFFFB0]  }
0x188: {  	v4 =	vld [tilespmem:s15+$0xFFFFFFC0]  }
0x189: {  	v6 =	vimm.f32 $0.0e+00;
	v5 =	vld [tilespmem:s15+$0xFFFFFFD0]  }
0x18a: {  	v7 =	vld [tilespmem:s15+$0xFFFFFFE0];
	v0 =	vadd.f32 v0, v6;
	v1 =	vadd.f32 v1, v6  }
0x18b: {  	v6 =	vld [tilespmem:s15+$0xFFFFFFF0]  }
0x18c: {  	v8 =	vld [tilespmem:s15+$0x0];
	v0 =	vadd.f32 v2, v0;
	v2 =	vadd.f32 v3, v1  }
0x18d: {  	v9 =	vld [tilespmem:s15+$0x10]  }
0x18e: {  	v1 =	vld [tilespmem:s15+$0x20];
	v3 =	vadd.f32 v4, v0;
	v2 =	vadd.f32 v5, v2  }
0x18f: {  	v4 =	vld [tilespmem:s15+$0x30]  }
0x190: {  	v0 =	vld [tilespmem:s15+$0x40];
	v5 =	vadd.f32 v7, v3;
	v7 =	vadd.f32 v6, v2  }
0x191: {  	v3 =	vld [tilespmem:s15+$0x50]  }
0x192: {  	v2 =	vld [tilespmem:s15+$0x60];
	v6 =	vadd.f32 v8, v5;
	v7 =	vadd.f32 v9, v7  }
0x193: {  	s13 =	simm.s32 $0x0;
	s14 =	simm.s32 $0x11780;
	v5 =	vld [tilespmem:s15+$0x70]  }
.LBB2_15:
0x194: {  	v8 =	vld [tilespmem:s14+$0xFFFFFF80];
	v1 =	vadd.f32 v1, v6;
	v4 =	vadd.f32 v4, v7  }
0x195: {  	s13 =	sadd.s32 $0x8, s13;
	v6 =	vld [tilespmem:s14+$0xFFFFFF90]  }
0x196: {  	p1 =	slt.u32 s13, $0xC0;
	v7 =	vld [tilespmem:s14+$0xFFFFFFA0];
	v0 =	vadd.f32 v0, v1;
	v1 =	vadd.f32 v3, v4  }
0x197: {  	v3 =	vld [tilespmem:s14+$0xFFFFFFB0]  }
0x198: {  	v4 =	vld [tilespmem:s14+$0xFFFFFFC0];
	v0 =	vadd.f32 v2, v0;
	v1 =	vadd.f32 v5, v1  }
0x199: {  	v2 =	vld [tilespmem:s14+$0xFFFFFFD0]  }
0x19a: {  	v0 =	vadd.f32 v8, v0;
	v1 =	vadd.f32 v6, v1;
	v5 =	vld [tilespmem:s14+$0xFFFFFFE0]  }
0x19b: {  	v6 =	vld [tilespmem:s14+$0xFFFFFFF0]  }
0x19c: {  	v0 =	vadd.f32 v7, v0;
	v1 =	vadd.f32 v3, v1;
	v7 =	vld [tilespmem:s14+$0x0]  }
0x19d: {  	v8 =	vld [tilespmem:s14+$0x10]  }
0x19e: {  	v0 =	vadd.f32 v4, v0;
	v2 =	vadd.f32 v2, v1;
	v1 =	vld [tilespmem:s14+$0x20]  }
.Ltmp8:
0x19f: {  	v4 =	vld [tilespmem:s14+$0x30];
	(pc) =	sbr.rel @p1 .LBB2_15-.Ltmp8, $4  }
0x1a0: {  	v5 =	vadd.f32 v5, v0;
	v2 =	vadd.f32 v6, v2;
	v0 =	vld [tilespmem:s14+$0x40]  }
0x1a1: {  	v3 =	vld [tilespmem:s14+$0x50]  }
0x1a2: {  	v6 =	vadd.f32 v7, v5;
	v7 =	vadd.f32 v8, v2;
	v2 =	vld [tilespmem:s14+$0x60]  }
0x1a3: {  	v5 =	vld [tilespmem:s14+$0x70];
	s14 =	sadd.s32 $0x100, s14  }
0x1a4: {  	s13 =	sor.u32 $0x6, s1  }
0x1a5: {  	v8 =	vmov s13  }
0x1a6: {  	v8 =	vshrl.u32 v8, $0x3  }
0x1a7: {  	v8 =	vshll.u32 v8, $0x3  }
0x1a8: {  	v8 =	vor.u32 $0x6, v8  }
0x1a9: {  	v8 =	vbroadcast v8, $0x0;
	_ =	sdelay $0x4  }
0x1aa: {  	v1 =	vadd.f32 v1, v6  }
0x1ab: {  	v4 =	vadd.f32 v4, v7;
	v6 =	vld.idx.msk [tilespmem:v8+s9+$0x0], $0xffff  }
0x1ac: {  	v0 =	vadd.f32 v0, v1  }
0x1ad: {  	v1 =	vadd.f32 v3, v4  }
0x1ae: {  	v0 =	vadd.f32 v2, v0  }
0x1af: {  	v1 =	vadd.f32 v5, v1  }
0x1b0: {  	s13 =	sshll.u32 s13, $0x5;
	v0 =	vmul.f32 v6, v0  }
0x1b1: {  	s13 =	sand.u32 $0x3FFFFFE0, s13;
	v1 =	vmul.f32 v6, v1  }
0x1b2: {  	[tilespmem:s13+$0x14800] =	vst v0  }
0x1b3: {  	s14 =	simm.s32 @!p0 $0x80;
	s15 =	simm.s32 @!p0 $0x11600;
	[tilespmem:s13+$0x14810] =	vst v1;
	s13 =	sadd.s32 @!p0 $0xE00, s11  }
0x1b4: {  	[tilespmem:s15], [sflag:$0x7] =	stream.indirect.gather @!p0 [hbm4b:s3+s14], $0x20, s13, s14, $0xb8;
	[tilespmem:$0x15880] =	vst v63  }
0x1b5: {  	s11 =	sadd.s32 @!p0 $0xE80, s11;
	s13 =	simm.s32 @!p0 $0x48;
	s14 =	simm.s32 @!p0 $0x12600  }
0x1b6: {  	[tilespmem:s14], [sflag:$0x7] =	stream.indirect.gather @!p0 [hbm4b:s3+s13], $0x20, s11, s13, $0xb8;
	[tilespmem:$0x15880] =	vst v63  }
0x1b7: {  	_ =	swait.ge [sflag:s29], $0x1900  }
0x1b8: {  	[sflag:s29] =	ssyncset.done $0x0  }
0x1b9: {  	s15 =	simm.s32 $0x12F80;
	[sflag:s29] =	ssyncadd.s32 $0xFFFFE700  }
0x1ba: {  	v0 =	vld [tilespmem:s15+$0xFFFFFF80]  }
0x1bb: {  	v1 =	vld [tilespmem:s15+$0xFFFFFF90]  }
0x1bc: {  	v2 =	vld [tilespmem:s15+$0xFFFFFFA0]  }
0x1bd: {  	v3 =	vld [tilespmem:s15+$0xFFFFFFB0]  }
0x1be: {  	v4 =	vld [tilespmem:s15+$0xFFFFFFC0]  }
0x1bf: {  	v6 =	vimm.f32 $0.0e+00;
	v5 =	vld [tilespmem:s15+$0xFFFFFFD0]  }
0x1c0: {  	v7 =	vld [tilespmem:s15+$0xFFFFFFE0];
	v0 =	vadd.f32 v0, v6;
	v1 =	vadd.f32 v1, v6  }
0x1c1: {  	v6 =	vld [tilespmem:s15+$0xFFFFFFF0]  }
0x1c2: {  	v8 =	vld [tilespmem:s15+$0x0];
	v0 =	vadd.f32 v2, v0;
	v2 =	vadd.f32 v3, v1  }
0x1c3: {  	v9 =	vld [tilespmem:s15+$0x10]  }
0x1c4: {  	v1 =	vld [tilespmem:s15+$0x20];
	v3 =	vadd.f32 v4, v0;
	v2 =	vadd.f32 v5, v2  }
0x1c5: {  	v4 =	vld [tilespmem:s15+$0x30]  }
0x1c6: {  	v0 =	vld [tilespmem:s15+$0x40];
	v5 =	vadd.f32 v7, v3;
	v7 =	vadd.f32 v6, v2  }
0x1c7: {  	v3 =	vld [tilespmem:s15+$0x50]  }
0x1c8: {  	v2 =	vld [tilespmem:s15+$0x60];
	v6 =	vadd.f32 v8, v5;
	v7 =	vadd.f32 v9, v7  }
0x1c9: {  	s11 =	simm.s32 $0x0;
	s13 =	simm.s32 $0x13080;
	v5 =	vld [tilespmem:s15+$0x70]  }
.LBB2_17:
0x1ca: {  	v8 =	vld [tilespmem:s13+$0xFFFFFF80];
	v1 =	vadd.f32 v1, v6;
	v4 =	vadd.f32 v4, v7  }
0x1cb: {  	s11 =	sadd.s32 $0x8, s11;
	v6 =	vld [tilespmem:s13+$0xFFFFFF90]  }
0x1cc: {  	p1 =	slt.u32 s11, $0xC0;
	v7 =	vld [tilespmem:s13+$0xFFFFFFA0];
	v0 =	vadd.f32 v0, v1;
	v1 =	vadd.f32 v3, v4  }
0x1cd: {  	v3 =	vld [tilespmem:s13+$0xFFFFFFB0]  }
0x1ce: {  	v4 =	vld [tilespmem:s13+$0xFFFFFFC0];
	v0 =	vadd.f32 v2, v0;
	v1 =	vadd.f32 v5, v1  }
0x1cf: {  	v2 =	vld [tilespmem:s13+$0xFFFFFFD0]  }
0x1d0: {  	v0 =	vadd.f32 v8, v0;
	v1 =	vadd.f32 v6, v1;
	v5 =	vld [tilespmem:s13+$0xFFFFFFE0]  }
0x1d1: {  	v6 =	vld [tilespmem:s13+$0xFFFFFFF0]  }
0x1d2: {  	v0 =	vadd.f32 v7, v0;
	v1 =	vadd.f32 v3, v1;
	v7 =	vld [tilespmem:s13+$0x0]  }
0x1d3: {  	v8 =	vld [tilespmem:s13+$0x10]  }
0x1d4: {  	v0 =	vadd.f32 v4, v0;
	v2 =	vadd.f32 v2, v1;
	v1 =	vld [tilespmem:s13+$0x20]  }
.Ltmp9:
0x1d5: {  	v4 =	vld [tilespmem:s13+$0x30];
	(pc) =	sbr.rel @p1 .LBB2_17-.Ltmp9, $4  }
0x1d6: {  	v5 =	vadd.f32 v5, v0;
	v2 =	vadd.f32 v6, v2;
	v0 =	vld [tilespmem:s13+$0x40]  }
0x1d7: {  	v3 =	vld [tilespmem:s13+$0x50]  }
0x1d8: {  	v6 =	vadd.f32 v7, v5;
	v7 =	vadd.f32 v8, v2;
	v2 =	vld [tilespmem:s13+$0x60]  }
0x1d9: {  	v5 =	vld [tilespmem:s13+$0x70];
	s13 =	sadd.s32 $0x100, s13  }
0x1da: {  	s1 =	sor.u32 $0x7, s1  }
0x1db: {  	v8 =	vmov s1  }
0x1dc: {  	v8 =	vbroadcast v8, $0x0;
	_ =	sdelay $0x4  }
0x1dd: {  	v1 =	vadd.f32 v1, v6  }
0x1de: {  	v4 =	vadd.f32 v4, v7;
	v62 =	vld.idx.msk [tilespmem:v8+s9+$0x0], $0xffff  }
0x1df: {  	v0 =	vadd.f32 v0, v1  }
0x1e0: {  	v63 =	vadd.f32 v3, v4  }
0x1e1: {  	v0 =	vadd.f32 v2, v0  }
.Ltmp10:
0x1e2: {  	v1 =	vadd.f32 v5, v63;
	(pc) =	sbr.rel @p0 .LBB2_20-.Ltmp10, $4  }
0x1e3: {  	s1 =	sshll.u32 s1, $0x5;
	v0 =	vmul.f32 v62, v0  }
0x1e4: {  	s1 =	sand.u32 $0x3FFFFFE0, s1;
	v1 =	vmul.f32 v62, v1  }
0x1e5: {  	[tilespmem:s1+$0x14800] =	vst v0  }
0x1e6: {  	[tilespmem:s1+$0x14810] =	vst v1  }
0x1e7: {  	s1 =	sshll.u32 s0, $0xB  }
.Ltmp11:
0x1e8: {  	s1 =	sand.u32 $0x3FFFF800, s1;
	(pc) =	sbr.rel .LBB2_2-.Ltmp11, $4  }
0x1e9: {  	s11 =	sadd.s32 $0xF00, s1  }
0x1ea: {  	[tilespmem:s18], [sflag:$0x8] =	stream.indirect.gather [hbm4b:s3+s10], $0x20, s11, s10, $0xb8;
	[tilespmem:$0x15880] =	vst v63  }
0x1eb: {  	s0 =	sadd.s32 $0x1, s0;
	s1 =	sadd.s32 $0xF80, s1  }
0x1ec: {  	[tilespmem:s20], [sflag:$0x8] =	stream.indirect.gather [hbm4b:s3+s12], $0x20, s1, s12, $0xb8;
	[tilespmem:$0x15880] =	vst v63  }
.LBB2_21:
0x1ed: {  	_ =	sfence.sel $0x180000  }
0x1ee: {  	[bflag:$0x0] =	sbarrier.arrive $0xFFFF  }
0x1ef: {  	_ =	strace $0x90000047  }
0x1f0: {  	s0 =	stileid.u32;
	[bflag:$0x2] =	sbarrier.arrive $0xFFFF  }
0x1f1: {  	p0 =	sne.s32 s0, $0x0;
	s0 =	rddreg [dreg:$0x2]  }
0x1f2: {  	s0 =	sadd.s32 @!p0 $0x100000, s0  }
0x1f3: {  	[sflag:s0] =	ssyncadd.tile.s32 @!p0 $0x1;
	_ =	shalt  }
.Lfunc_end2:
_tile_overlayer_lowered:
.L_overlay_start_2:
0x1f4: {  	(tag) =	ssettag $0x2  }
0x1f5: {  	s0 =	rddreg [dreg:$0x0];
	s2 =	stileid.u32  }
0x1f6: {  	s1 =	rddreg [dreg:$0x1];
	p0 =	sne.s32 s2, $0x0  }
0x1f7: {  	s3 =	rddreg [dreg:$0x2];
	[bflag:$0x3] =	sbarrier.arrive $0xFFFF;
	s2 =	simm.s32 @!p0 $0x1C09  }
0x1f8: {  	[timem:s3], [sflag:s2] =	dma.local @!p0 [hbm:s0], s1  }
0x1f9: {  	s0 =	simm.s32 @!p0 $0x9  }
0x1fa: {  	_ =	swait.ge @!p0 [sflag:s0], s1  }
0x1fb: {  	s1 =	ssub.s32 @!p0 $0x0, s1;
	[sflag:s0] =	ssyncset.done @!p0 $0x0  }
0x1fc: {  	[sflag:s0] =	ssyncadd.s32 @!p0 s1  }
0x1fd: {  	[bflag:$0x3] =	sbarrier.arrive $0xFFFF  }
0x1fe: {  	_ =	shalt  }

</sc_bundles>
